<compile_context>
chip_gen: v7x
topology: tpu7x:2x2x1
jax: 0.10.2.dev20260603
libtpu: 0.0.44.dev20260713+nightly
codegen_flags: <defaults>
</compile_context>

<pallas_src>
import functools

import jax
import jax.numpy as jnp
from jax import lax
from jax.experimental import pallas as pl
from jax.experimental.pallas import tpu as pltpu
from jax.experimental.pallas import tpu_sc as plsc

K_NN = 16
L = 4
EPS = 1e-5



def _topk_body(xyzr_ref, xyzc_ref, knn_ref):
    xr = xyzr_ref[0, :, 0:1]
    yr = xyzr_ref[0, :, 1:2]
    zr = xyzr_ref[0, :, 2:3]
    xc = xyzc_ref[0, 0:1, :]
    yc = xyzc_ref[0, 1:2, :]
    zc = xyzc_ref[0, 2:3, :]
    sqr = xr * xr + yr * yr + zr * zr
    sqc = xc * xc + yc * yc + zc * zc
    bf = lambda t: t.astype(jnp.bfloat16).astype(jnp.float32)
    dot = bf(xr) * bf(xc) + bf(yr) * bf(yc) + bf(zr) * bf(zc)
    arr = (sqr + sqc) - 2.0 * dot
    R = arr.shape[0]
    Nn = arr.shape[1]
    fcol = lax.broadcasted_iota(jnp.int32, (R, Nn), 1).astype(jnp.float32)
    big_f = jnp.float32(1e9)
    inf = jnp.float32(jnp.inf)
    outs = []
    for _ in range(K_NN):
        m = jnp.min(arr, axis=1, keepdims=True)
        cand = jnp.where(arr == m, fcol, big_f)
        amin = jnp.min(cand, axis=1, keepdims=True)
        outs.append(amin)
        arr = jnp.where(fcol == amin, inf, arr)
    knn_ref[0, :, :] = jnp.concatenate(outs, axis=1).astype(jnp.int32)


def _knn_topk(xyz, B, N):
    R = 512
    xyzT = jnp.transpose(xyz, (0, 2, 1))
    return pl.pallas_call(
        _topk_body,
        grid=(B, N // R),
        in_specs=[
            pl.BlockSpec((1, R, 3), lambda b, t: (b, t, 0)),
            pl.BlockSpec((1, 3, N), lambda b, t: (b, 0, 0)),
        ],
        out_specs=pl.BlockSpec((1, R, K_NN), lambda b, t: (b, t, 0)),
        out_shape=jax.ShapeDtypeStruct((B, N, K_NN), jnp.int32),
    )(xyz, xyzT)



def _proj_body(feat_ref, xyz_ref, w1_ref, p_ref, hx_ref):
    w1f = w1_ref[:, 0:128]
    fb = feat_ref[0]
    pf = lax.dot_general(fb, w1f, (((0,), (1,)), ((), ())),
                         preferred_element_type=jnp.float32)
    xb = xyz_ref[0]
    hx = (xb[:, 0:1] * w1_ref[:, 128:129].T
          + xb[:, 1:2] * w1_ref[:, 129:130].T
          + xb[:, 2:3] * w1_ref[:, 130:131].T)
    hx_ref[0] = hx
    p_ref[0] = pf + hx


def _projections(feat, xyz, W1, B, N, D):
    Rn = 1024
    return pl.pallas_call(
        _proj_body,
        grid=(B, N // Rn),
        in_specs=[
            pl.BlockSpec((1, D, Rn), lambda b, t: (b, 0, t)),
            pl.BlockSpec((1, Rn, 3), lambda b, t: (b, t, 0)),
            pl.BlockSpec((D, D + 3), lambda b, t: (0, 0)),
        ],
        out_specs=[
            pl.BlockSpec((1, Rn, D), lambda b, t: (b, t, 0)),
            pl.BlockSpec((1, Rn, D), lambda b, t: (b, t, 0)),
        ],
        out_shape=[
            jax.ShapeDtypeStruct((B, N, D), jnp.float32),
            jax.ShapeDtypeStruct((B, N, D), jnp.float32),
        ],
    )(feat, xyz, W1)



def _sc_walk_gather(knn2, rand_steps, pflat, B, N, D):
    info = plsc.get_sparse_core_info()
    NC, NS = info.num_cores, info.num_subcores
    NW = NC * NS
    C = N // NW
    mesh = plsc.VectorSubcoreMesh(core_axis_name="c", subcore_axis_name="s")

    @functools.partial(
        pl.kernel,
        mesh=mesh,
        compiler_params=pltpu.CompilerParams(
            needs_layout_passes=False, use_tc_tiling_on_sc=False),
        out_type=jax.ShapeDtypeStruct((B * L * N, D), jnp.float32),
        scratch_types=[
            pltpu.VMEM((C, K_NN), jnp.int32),
            pltpu.VMEM((C,), jnp.int32),
            pltpu.VMEM(((L - 1) * C,), jnp.int32),
            pltpu.VMEM((C, D), jnp.float32),
            pltpu.SemaphoreType.DMA,
            pltpu.SemaphoreType.DMA,
        ],
    )
    def k(knn_hbm, rand_hbm, p_hbm, out_hbm, krows_v, cur_v, rnd_v,
          rows_v, semp, semk):
        wid = lax.axis_index("s") * NC + lax.axis_index("c")
        base = wid * C
        for b in range(B):
            for s in range(L - 1):
                pltpu.sync_copy(rand_hbm.at[s, b, pl.ds(base, C)],
                                rnd_v.at[pl.ds(s * C, C)])
            for j in range(C // 16):
                cur_v[pl.ds(j * 16, 16)] = (
                    lax.iota(jnp.int32, 16) + (b * N + base + j * 16))
            knn_dma = pltpu.async_copy(knn_hbm.at[cur_v], krows_v, semk)
            pltpu.sync_copy(p_hbm.at[pl.ds(b * N + base, C)], rows_v)
            pltpu.sync_copy(rows_v, out_hbm.at[pl.ds(b * L * N + base, C)])
            for s in range(L - 1):
                knn_dma.wait()
                for j in range(C // 16):
                    loc = lax.iota(jnp.int32, 16) + (j * 16)
                    rd = rnd_v[pl.ds(s * C + j * 16, 16)]
                    nxt = plsc.load_gather(krows_v, [loc, rd])
                    cur_v[pl.ds(j * 16, 16)] = nxt + (b * N)
                p_dma = pltpu.async_copy(p_hbm.at[cur_v], rows_v, semp)
                if s < L - 2:
                    knn_dma = pltpu.async_copy(
                        knn_hbm.at[cur_v], krows_v, semk)
                p_dma.wait()
                pltpu.sync_copy(
                    rows_v,
                    out_hbm.at[pl.ds((b * L + s + 1) * N + base, C)])

    return k(knn2, rand_steps, pflat)



def _mvinv(stats_row, count, g, bparm):
    m = stats_row[0:1, :] / count
    v = stats_row[1:2, :] / count - m * m
    inv = lax.rsqrt(v + EPS)
    scale = inv * g.reshape(1, -1)
    shift = bparm.reshape(1, -1) - m * scale
    return scale, shift


def _conv2_body(g_ref, hx_ref, w2_ref, g1_ref, b1_ref,
                m2_ref, s2_ref, s1_scr, *, count1):
    p = pl.program_id(0)
    b = pl.program_id(1)
    t = pl.program_id(2)
    li = pl.program_id(3)
    first = (b == 0) & (t == 0) & (li == 0)

    h = g_ref[0, 0] - hx_ref[0, 0]

    @pl.when((p == 0) & first)
    def _():
        s1_scr[...] = jnp.zeros_like(s1_scr)
        s2_ref[...] = jnp.zeros_like(s2_ref)

    @pl.when(p == 0)
    def _():
        s1_scr[0:1, :] += jnp.sum(h, axis=0, keepdims=True)
        s1_scr[1:2, :] += jnp.sum(h * h, axis=0, keepdims=True)

    @pl.when(p == 1)
    def _():
        scale, shift = _mvinv(s1_scr, count1, g1_ref[...], b1_ref[...])
        a = jnp.maximum(h * scale + shift, 0.0)
        h2 = lax.dot_general(a, w2_ref[...], (((1,), (1,)), ((), ())),
                             preferred_element_type=jnp.float32)
        s2_ref[0:1, :] += jnp.sum(h2, axis=0, keepdims=True)
        s2_ref[1:2, :] += jnp.sum(h2 * h2, axis=0, keepdims=True)

        @pl.when(li == 0)
        def _():
            m2_ref[0] = h2

        @pl.when(li > 0)
        def _():
            m2_ref[0] = jnp.maximum(m2_ref[0], h2)


def _conv2(gall, hxt, W2, g1, b1, B, N, D, Rn=2048):
    count1 = float(B * N * L)
    return pl.pallas_call(
        functools.partial(_conv2_body, count1=count1),
        grid=(2, B, N // Rn, L),
        in_specs=[
            pl.BlockSpec((1, 1, Rn, D), lambda p, b, t, li: (b, li, t, 0)),
            pl.BlockSpec((1, 1, Rn, D), lambda p, b, t, li: (b, 0, t, 0)),
            pl.BlockSpec((D, D), lambda p, b, t, li: (0, 0)),
            pl.BlockSpec((D,), lambda p, b, t, li: (0,)),
            pl.BlockSpec((D,), lambda p, b, t, li: (0,)),
        ],
        out_specs=[
            pl.BlockSpec((1, Rn, D), lambda p, b, t, li: (b * p, t * p, 0)),
            pl.BlockSpec((2, D), lambda p, b, t, li: (0, 0)),
        ],
        out_shape=[
            jax.ShapeDtypeStruct((B, N, D), jnp.float32),
            jax.ShapeDtypeStruct((2, D), jnp.float32),
        ],
        scratch_shapes=[pltpu.VMEM((2, D), jnp.float32)],
    )(gall, hxt, W2, g1, b1)


def _resid_body(m2_ref, feat_ref, s2_ref, g2_ref, b2_ref, u_ref, su_ref,
                *, count2):
    b = pl.program_id(0)
    t = pl.program_id(1)

    @pl.when((b == 0) & (t == 0))
    def _():
        su_ref[...] = jnp.zeros_like(su_ref)

    scale, shift = _mvinv(s2_ref, count2, g2_ref[...], b2_ref[...])
    agg = jnp.maximum(m2_ref[0] * scale + shift, 0.0)
    u = jnp.transpose(feat_ref[0], (1, 0)) + agg
    u_ref[0] = u
    su_ref[0:1, :] += jnp.sum(u, axis=0, keepdims=True)
    su_ref[1:2, :] += jnp.sum(u * u, axis=0, keepdims=True)


def _resid(m2, feat, stats2, g2, b2, B, N, D, Rn=2048):
    count2 = float(B * N * L)
    return pl.pallas_call(
        functools.partial(_resid_body, count2=count2),
        grid=(B, N // Rn),
        in_specs=[
            pl.BlockSpec((1, Rn, D), lambda b, t: (b, t, 0)),
            pl.BlockSpec((1, D, Rn), lambda b, t: (b, 0, t)),
            pl.BlockSpec((2, D), lambda b, t: (0, 0)),
            pl.BlockSpec((D,), lambda b, t: (0,)),
            pl.BlockSpec((D,), lambda b, t: (0,)),
        ],
        out_specs=[
            pl.BlockSpec((1, Rn, D), lambda b, t: (b, t, 0)),
            pl.BlockSpec((2, D), lambda b, t: (0, 0)),
        ],
        out_shape=[
            jax.ShapeDtypeStruct((B, N, D), jnp.float32),
            jax.ShapeDtypeStruct((2, D), jnp.float32),
        ],
    )(m2, feat, stats2, g2, b2)


def _mlp1_body(u_ref, su_ref, w3_ref, gn_ref, bn_ref, ff_ref, s3_ref,
               *, countu):
    b = pl.program_id(0)
    t = pl.program_id(1)

    @pl.when((b == 0) & (t == 0))
    def _():
        s3_ref[...] = jnp.zeros_like(s3_ref)

    scale, shift = _mvinv(su_ref, countu, gn_ref[...], bn_ref[...])
    f = u_ref[0] * scale + shift
    ff = lax.dot_general(f, w3_ref[...], (((1,), (1,)), ((), ())),
                         preferred_element_type=jnp.float32)
    ff_ref[0] = ff
    s3_ref[0:1, :] += jnp.sum(ff, axis=0, keepdims=True)
    s3_ref[1:2, :] += jnp.sum(ff * ff, axis=0, keepdims=True)


def _mlp1(u, statsu, W3, gn, bn_, B, N, D, Rn=2048):
    countu = float(B * N)
    return pl.pallas_call(
        functools.partial(_mlp1_body, countu=countu),
        grid=(B, N // Rn),
        in_specs=[
            pl.BlockSpec((1, Rn, D), lambda b, t: (b, t, 0)),
            pl.BlockSpec((2, D), lambda b, t: (0, 0)),
            pl.BlockSpec((2 * D, D), lambda b, t: (0, 0)),
            pl.BlockSpec((D,), lambda b, t: (0,)),
            pl.BlockSpec((D,), lambda b, t: (0,)),
        ],
        out_specs=[
            pl.BlockSpec((1, Rn, 2 * D), lambda b, t: (b, t, 0)),
            pl.BlockSpec((2, 2 * D), lambda b, t: (0, 0)),
        ],
        out_shape=[
            jax.ShapeDtypeStruct((B, N, 2 * D), jnp.float32),
            jax.ShapeDtypeStruct((2, 2 * D), jnp.float32),
        ],
    )(u, statsu, W3, gn, bn_)


def _mlp2_body(ff_ref, s3_ref, u_ref, su_ref, w4_ref, g3_ref, b3_ref,
               gn_ref, bn_ref, v_ref, sv_ref, *, countu):
    b = pl.program_id(0)
    t = pl.program_id(1)

    @pl.when((b == 0) & (t == 0))
    def _():
        sv_ref[...] = jnp.zeros_like(sv_ref)

    scale3, shift3 = _mvinv(s3_ref, countu, g3_ref[...], b3_ref[...])
    a = jnp.maximum(ff_ref[0] * scale3 + shift3, 0.0)
    ff2 = lax.dot_general(a, w4_ref[...], (((1,), (1,)), ((), ())),
                          preferred_element_type=jnp.float32)
    scaleu, shiftu = _mvinv(su_ref, countu, gn_ref[...], bn_ref[...])
    f = u_ref[0] * scaleu + shiftu
    v = f + ff2
    v_ref[0] = v
    sv_ref[0:1, :] += jnp.sum(v, axis=0, keepdims=True)
    sv_ref[1:2, :] += jnp.sum(v * v, axis=0, keepdims=True)


def _mlp2(ff, stats3, u, statsu, W4, g3, b3, gn, bn_, B, N, D, Rn=2048):
    countu = float(B * N)
    return pl.pallas_call(
        functools.partial(_mlp2_body, countu=countu),
        grid=(B, N // Rn),
        in_specs=[
            pl.BlockSpec((1, Rn, 2 * D), lambda b, t: (b, t, 0)),
            pl.BlockSpec((2, 2 * D), lambda b, t: (0, 0)),
            pl.BlockSpec((1, Rn, D), lambda b, t: (b, t, 0)),
            pl.BlockSpec((2, D), lambda b, t: (0, 0)),
            pl.BlockSpec((D, 2 * D), lambda b, t: (0, 0)),
            pl.BlockSpec((2 * D,), lambda b, t: (0,)),
            pl.BlockSpec((2 * D,), lambda b, t: (0,)),
            pl.BlockSpec((D,), lambda b, t: (0,)),
            pl.BlockSpec((D,), lambda b, t: (0,)),
        ],
        out_specs=[
            pl.BlockSpec((1, Rn, D), lambda b, t: (b, t, 0)),
            pl.BlockSpec((2, D), lambda b, t: (0, 0)),
        ],
        out_shape=[
            jax.ShapeDtypeStruct((B, N, D), jnp.float32),
            jax.ShapeDtypeStruct((2, D), jnp.float32),
        ],
    )(ff, stats3, u, statsu, W4, g3, b3, gn, bn_)


def _final_body(v_ref, sv_ref, gn2_ref, bn2_ref, o_ref, *, countu):
    scale, shift = _mvinv(sv_ref, countu, gn2_ref[...], bn2_ref[...])
    o_ref[0] = jnp.transpose(v_ref[0] * scale + shift, (1, 0))


def _final(v, statsv, gn2, bn2, B, N, D, Rn=2048):
    countu = float(B * N)
    return pl.pallas_call(
        functools.partial(_final_body, countu=countu),
        grid=(B, N // Rn),
        in_specs=[
            pl.BlockSpec((1, Rn, D), lambda b, t: (b, t, 0)),
            pl.BlockSpec((2, D), lambda b, t: (0, 0)),
            pl.BlockSpec((D,), lambda b, t: (0,)),
            pl.BlockSpec((D,), lambda b, t: (0,)),
        ],
        out_specs=pl.BlockSpec((1, D, Rn), lambda b, t: (b, 0, t)),
        out_shape=jax.ShapeDtypeStruct((B, D, N), jnp.float32),
    )(v, statsv, gn2, bn2)




def kernel(xyz, feat, rand_steps, W1, g1, b1, W2, g2, b2, gn, bn_, W3, g3,
           b3, W4, gn2, bn2):
    B, N, _ = xyz.shape
    D = feat.shape[1]

    knn = _knn_topk(xyz, B, N)
    p, hxt = _projections(feat, xyz, W1, B, N, D)

    gall = _sc_walk_gather(
        knn.reshape(B * N, K_NN), rand_steps, p.reshape(B * N, D), B, N, D)
    gall = gall.reshape(B, L, N, D)
    hxt4 = hxt.reshape(B, 1, N, D)

    m2, stats2 = _conv2(gall, hxt4, W2, g1, b1, B, N, D)

    u, statsu = _resid(m2, feat, stats2, g2, b2, B, N, D)
    ff, stats3 = _mlp1(u, statsu, W3, gn, bn_, B, N, D)
    v, statsv = _mlp2(ff, stats3, u, statsu, W4, g3, b3, gn, bn_, B, N, D)
    return _final(v, statsv, gn2, bn2, B, N, D)

# --- scband reference (transcript-rebuilt; emitter-appended) ---
"""Pipeline reference for scband-curve-agg-block-57664230916171 (READ-ONLY COPY).

The authoritative reference and input builder live on the scoring server;
editing this copy changes nothing except your own understanding.
"""

import jax, jax.numpy as jnp
import numpy as np

K_NN = 16
CURVE_LEN = 4
B, N, D = 2, 4096, 128
EPS = 1e-5


def _bn(x, g, b, axes):
    m = jnp.mean(x, axis=axes, keepdims=True)
    v = jnp.var(x, axis=axes, keepdims=True)
    shp = [1] * x.ndim
    shp[1] = -1
    return (x - m) / jnp.sqrt(v + EPS) * g.reshape(shp) + b.reshape(shp)


def _forward(xyz, feat, rand_steps, W1, g1, b1, W2, g2, b2, gn, bn_, W3, g3, b3, W4, gn2, bn2):
    Bb, Dd, Nn = feat.shape
    L = CURVE_LEN
    # CurveGrouping: kNN via pairwise squared distances (monotone in true cdist)
    sq = jnp.sum(xyz * xyz, axis=-1)
    d2 = sq[:, :, None] + sq[:, None, :] - 2.0 * jnp.einsum('bnd,bmd->bnm', xyz, xyz)
    _, knn_idx = jax.lax.top_k(-d2, K_NN)  # (B, N, K) smallest distances
    current = jnp.broadcast_to(jnp.arange(Nn, dtype=jnp.int32)[None, :], (Bb, Nn))
    curves = [current]
    for s in range(L - 1):
        gathered = jnp.take_along_axis(knn_idx, current[:, :, None].astype(jnp.int32), axis=1)  # (B,N,K)
        nxt = jnp.take_along_axis(gathered, rand_steps[s][:, :, None].astype(jnp.int32), axis=2)[..., 0]
        curves.append(nxt.astype(jnp.int32))
        current = nxt.astype(jnp.int32)
    curves = jnp.stack(curves, axis=-1)  # (B, N, L)
    cf = curves.reshape(Bb, Nn * L)
    idx_f = jnp.broadcast_to(cf[:, None, :], (Bb, Dd, Nn * L))
    curve_feat = jnp.take_along_axis(feat, idx_f, axis=2).reshape(Bb, Dd, Nn, L)
    xyz_t = jnp.transpose(xyz, (0, 2, 1))  # (B,3,N)
    idx_x = jnp.broadcast_to(cf[:, None, :], (Bb, 3, Nn * L))
    curve_xyz = jnp.take_along_axis(xyz_t, idx_x, axis=2).reshape(Bb, 3, Nn, L)
    rel_xyz = curve_xyz - xyz_t[:, :, :, None]
    comb = jnp.concatenate([curve_feat, rel_xyz], axis=1)  # (B, D+3, N, L)
    h = jnp.einsum('oc,bcnl->bonl', W1, comb)
    h = jax.nn.relu(_bn(h, g1, b1, (0, 2, 3)))
    h = jnp.einsum('oc,bcnl->bonl', W2, h)
    h = jax.nn.relu(_bn(h, g2, b2, (0, 2, 3)))
    agg = jnp.max(h, axis=-1)  # (B, D, N)
    f = _bn(feat + agg, gn, bn_, (0, 2))
    ff = jnp.einsum('oc,bcn->bon', W3, f)
    ff = jax.nn.relu(_bn(ff, g3, b3, (0, 2)))
    # dropout is identity in eval / deterministic reference
    ff = jnp.einsum('oc,bcn->bon', W4, ff)
    return _bn(f + ff, gn2, bn2, (0, 2))


def setup_inputs(seed: int = 0) -> dict:
    key = jax.random.key(seed)
    ks = jax.random.split(key, 8)
    xyz = jax.random.normal(ks[0], (B, N, 3), dtype=jnp.float32)
    feat = jax.random.normal(ks[1], (B, D, N), dtype=jnp.float32)
    rand_steps = jax.random.randint(ks[2], (CURVE_LEN - 1, B, N), 1, K_NN, dtype=jnp.int32)
    W1 = jax.random.normal(ks[3], (D, D + 3), dtype=jnp.float32) * 0.05
    W2 = jax.random.normal(ks[4], (D, D), dtype=jnp.float32) * 0.05
    W3 = jax.random.normal(ks[5], (2 * D, D), dtype=jnp.float32) * 0.05
    W4 = jax.random.normal(ks[6], (D, 2 * D), dtype=jnp.float32) * 0.05
    return {
        'xyz': xyz,
        'feat': feat,
        'rand_steps': rand_steps,
        'W1': W1, 'g1': jnp.ones((D,), jnp.float32), 'b1': jnp.zeros((D,), jnp.float32),
        'W2': W2, 'g2': jnp.ones((D,), jnp.float32), 'b2': jnp.zeros((D,), jnp.float32),
        'gn': jnp.ones((D,), jnp.float32), 'bn_': jnp.zeros((D,), jnp.float32),
        'W3': W3, 'g3': jnp.ones((2 * D,), jnp.float32), 'b3': jnp.zeros((2 * D,), jnp.float32),
        'W4': W4,
        'gn2': jnp.ones((D,), jnp.float32), 'bn2': jnp.zeros((D,), jnp.float32),
    }


def reference(xyz, feat, rand_steps, W1, g1, b1, W2, g2, b2, gn, bn_, W3, g3, b3, W4, gn2, bn2):
    return _forward(xyz, feat, rand_steps, W1, g1, b1, W2, g2, b2, gn, bn_, W3, g3, b3, W4, gn2, bn2)

if __name__ == "__main__":
    import jax
    _d = setup_inputs()
    print(jax.jit(kernel)(*tuple(_d.values())))

</pallas_src>

<mosaic_0001>
#map = affine_map<(d0, d1) -> (0, 0)>
#map1 = affine_map<(d0, d1) -> (0, 0, 0)>
module attributes {stable_mosaic.version = 14 : i64} {
  func.func @k(%arg0: i32, %arg1: i32, %arg2: memref<8192x16xi32, #tpu.memory_space<hbm>>, %arg3: memref<3x2x4096xi32, #tpu.memory_space<hbm>>, %arg4: memref<8192x128xf32, #tpu.memory_space<hbm>>, %arg5: memref<32768x128xf32, #tpu.memory_space<hbm>>, %arg6: memref<128x16xi32, #tpu.memory_space<vmem>>, %arg7: memref<128xi32, #tpu.memory_space<vmem>>, %arg8: memref<384xi32, #tpu.memory_space<vmem>>, %arg9: memref<128x128xf32, #tpu.memory_space<vmem>>, %arg10: memref<!tpu.dma_semaphore, #tpu.memory_space<semaphore_mem>>, %arg11: memref<!tpu.dma_semaphore, #tpu.memory_space<semaphore_mem>>) attributes {dimension_semantics = [#tpu.dimension_semantics<core_parallel>, #tpu.dimension_semantics<subcore_parallel>], iteration_bounds = array<i64: 2, 16>, scalar_prefetch = 0 : i64, scratch_operands = 6 : i64, tpu.core_type = #tpu.core_type<sc_vector_subcore>, window_params = [{transform_indices = #map}, {transform_indices = #map1}, {transform_indices = #map}, {transform_indices = #map}]} {
    %mul3A = arith.constant 2 : i32
    %mul3A_0 = arith.muli %arg1, %mul3A : i32
    %add3A = arith.addi %mul3A_0, %arg0 : i32
    %mul3A_1 = arith.constant 128 : i32
    %mul3A_2 = arith.muli %add3A, %mul3A_1 : i32
    %run_scoped3A = arith.constant 0 : i32
    %run_scoped3A_3 = arith.constant 0 : i32
    "tpu.region"() ({
      %run_scoped3A_820 = tpu.sem_alloc : memref<!tpu.dma_semaphore, #tpu.memory_space<semaphore_mem>>
      %dma_start3A_821 = arith.constant 0 : i32
      %dma_start3A_822 = tpu.memref_slice %arg8[%dma_start3A_821] : memref<384xi32, #tpu.memory_space<vmem>> -> memref<128xi32, #tpu.memory_space<vmem>>
      %dma_start3A_823 = tpu.memref_slice %arg3[%run_scoped3A, %run_scoped3A_3, %mul3A_2] : memref<3x2x4096xi32, #tpu.memory_space<hbm>> -> memref<1x1x128xi32, #tpu.memory_space<hbm>>
      %dma_start3A_824 = tpu.memref_squeeze %dma_start3A_823 : memref<1x1x128xi32, #tpu.memory_space<hbm>> -> memref<128xi32, #tpu.memory_space<hbm>>
      %dma_start3A_825 = arith.constant 0 : i32
      %dma_start3A_826 = tpu.memref_slice %arg8[%dma_start3A_825] : memref<384xi32, #tpu.memory_space<vmem>> -> memref<128xi32, #tpu.memory_space<vmem>>
      %dma_start3A_827 = tpu.memref_slice %arg3[%run_scoped3A, %run_scoped3A_3, %mul3A_2] : memref<3x2x4096xi32, #tpu.memory_space<hbm>> -> memref<1x1x128xi32, #tpu.memory_space<hbm>>
      %dma_start3A_828 = tpu.memref_squeeze %dma_start3A_827 : memref<1x1x128xi32, #tpu.memory_space<hbm>> -> memref<128xi32, #tpu.memory_space<hbm>>
      tpu.enqueue_dma source(%dma_start3A_828 : memref<128xi32, #tpu.memory_space<hbm>>) target(%dma_start3A_826 : memref<128xi32, #tpu.memory_space<vmem>>) target_semaphore(%run_scoped3A_820 : memref<!tpu.dma_semaphore, #tpu.memory_space<semaphore_mem>>)
      %dma_wait3A_829 = arith.constant 0 : i32
      %dma_wait3A_830 = tpu.memref_slice %arg8[%dma_wait3A_829] : memref<384xi32, #tpu.memory_space<vmem>> -> memref<128xi32, #tpu.memory_space<vmem>>
      %dma_wait3A_831 = tpu.memref_slice %arg3[%run_scoped3A, %run_scoped3A_3, %mul3A_2] : memref<3x2x4096xi32, #tpu.memory_space<hbm>> -> memref<1x1x128xi32, #tpu.memory_space<hbm>>
      %dma_wait3A_832 = tpu.memref_squeeze %dma_wait3A_831 : memref<1x1x128xi32, #tpu.memory_space<hbm>> -> memref<128xi32, #tpu.memory_space<hbm>>
      %dma_wait3A_833 = arith.constant 0 : i32
      %dma_wait3A_834 = tpu.memref_slice %arg8[%dma_wait3A_833] : memref<384xi32, #tpu.memory_space<vmem>> -> memref<128xi32, #tpu.memory_space<vmem>>
      %dma_wait3A_835 = tpu.memref_slice %arg3[%run_scoped3A, %run_scoped3A_3, %mul3A_2] : memref<3x2x4096xi32, #tpu.memory_space<hbm>> -> memref<1x1x128xi32, #tpu.memory_space<hbm>>
      %dma_wait3A_836 = tpu.memref_squeeze %dma_wait3A_835 : memref<1x1x128xi32, #tpu.memory_space<hbm>> -> memref<128xi32, #tpu.memory_space<hbm>>
      tpu.wait_dma2 semaphore(%run_scoped3A_820 : memref<!tpu.dma_semaphore, #tpu.memory_space<semaphore_mem>>) src(%dma_wait3A_836 : memref<128xi32, #tpu.memory_space<hbm>>) dst(%dma_wait3A_834 : memref<128xi32, #tpu.memory_space<vmem>>)
      tpu.yield
    }) : () -> ()
    %run_scoped3A_4 = arith.constant 1 : i32
    %run_scoped3A_5 = arith.constant 0 : i32
    "tpu.region"() ({
      %run_scoped3A_820 = tpu.sem_alloc : memref<!tpu.dma_semaphore, #tpu.memory_space<semaphore_mem>>
      %dma_start3A_821 = arith.constant 128 : i32
      %dma_start3A_822 = tpu.memref_slice %arg8[%dma_start3A_821] : memref<384xi32, #tpu.memory_space<vmem>> -> memref<128xi32, #tpu.memory_space<vmem>>
      %dma_start3A_823 = tpu.memref_slice %arg3[%run_scoped3A_4, %run_scoped3A_5, %mul3A_2] : memref<3x2x4096xi32, #tpu.memory_space<hbm>> -> memref<1x1x128xi32, #tpu.memory_space<hbm>>
      %dma_start3A_824 = tpu.memref_squeeze %dma_start3A_823 : memref<1x1x128xi32, #tpu.memory_space<hbm>> -> memref<128xi32, #tpu.memory_space<hbm>>
      %dma_start3A_825 = arith.constant 128 : i32
      %dma_start3A_826 = tpu.memref_slice %arg8[%dma_start3A_825] : memref<384xi32, #tpu.memory_space<vmem>> -> memref<128xi32, #tpu.memory_space<vmem>>
      %dma_start3A_827 = tpu.memref_slice %arg3[%run_scoped3A_4, %run_scoped3A_5, %mul3A_2] : memref<3x2x4096xi32, #tpu.memory_space<hbm>> -> memref<1x1x128xi32, #tpu.memory_space<hbm>>
      %dma_start3A_828 = tpu.memref_squeeze %dma_start3A_827 : memref<1x1x128xi32, #tpu.memory_space<hbm>> -> memref<128xi32, #tpu.memory_space<hbm>>
      tpu.enqueue_dma source(%dma_start3A_828 : memref<128xi32, #tpu.memory_space<hbm>>) target(%dma_start3A_826 : memref<128xi32, #tpu.memory_space<vmem>>) target_semaphore(%run_scoped3A_820 : memref<!tpu.dma_semaphore, #tpu.memory_space<semaphore_mem>>)
      %dma_wait3A_829 = arith.constant 128 : i32
      %dma_wait3A_830 = tpu.memref_slice %arg8[%dma_wait3A_829] : memref<384xi32, #tpu.memory_space<vmem>> -> memref<128xi32, #tpu.memory_space<vmem>>
      %dma_wait3A_831 = tpu.memref_slice %arg3[%run_scoped3A_4, %run_scoped3A_5, %mul3A_2] : memref<3x2x4096xi32, #tpu.memory_space<hbm>> -> memref<1x1x128xi32, #tpu.memory_space<hbm>>
      %dma_wait3A_832 = tpu.memref_squeeze %dma_wait3A_831 : memref<1x1x128xi32, #tpu.memory_space<hbm>> -> memref<128xi32, #tpu.memory_space<hbm>>
      %dma_wait3A_833 = arith.constant 128 : i32
      %dma_wait3A_834 = tpu.memref_slice %arg8[%dma_wait3A_833] : memref<384xi32, #tpu.memory_space<vmem>> -> memref<128xi32, #tpu.memory_space<vmem>>
      %dma_wait3A_835 = tpu.memref_slice %arg3[%run_scoped3A_4, %run_scoped3A_5, %mul3A_2] : memref<3x2x4096xi32, #tpu.memory_space<hbm>> -> memref<1x1x128xi32, #tpu.memory_space<hbm>>
      %dma_wait3A_836 = tpu.memref_squeeze %dma_wait3A_835 : memref<1x1x128xi32, #tpu.memory_space<hbm>> -> memref<128xi32, #tpu.memory_space<hbm>>
      tpu.wait_dma2 semaphore(%run_scoped3A_820 : memref<!tpu.dma_semaphore, #tpu.memory_space<semaphore_mem>>) src(%dma_wait3A_836 : memref<128xi32, #tpu.memory_space<hbm>>) dst(%dma_wait3A_834 : memref<128xi32, #tpu.memory_space<vmem>>)
      tpu.yield
    }) : () -> ()
    %run_scoped3A_6 = arith.constant 2 : i32
    %run_scoped3A_7 = arith.constant 0 : i32
    "tpu.region"() ({
      %run_scoped3A_820 = tpu.sem_alloc : memref<!tpu.dma_semaphore, #tpu.memory_space<semaphore_mem>>
      %dma_start3A_821 = arith.constant 256 : i32
      %dma_start3A_822 = tpu.memref_slice %arg8[%dma_start3A_821] : memref<384xi32, #tpu.memory_space<vmem>> -> memref<128xi32, #tpu.memory_space<vmem>>
      %dma_start3A_823 = tpu.memref_slice %arg3[%run_scoped3A_6, %run_scoped3A_7, %mul3A_2] : memref<3x2x4096xi32, #tpu.memory_space<hbm>> -> memref<1x1x128xi32, #tpu.memory_space<hbm>>
      %dma_start3A_824 = tpu.memref_squeeze %dma_start3A_823 : memref<1x1x128xi32, #tpu.memory_space<hbm>> -> memref<128xi32, #tpu.memory_space<hbm>>
      %dma_start3A_825 = arith.constant 256 : i32
      %dma_start3A_826 = tpu.memref_slice %arg8[%dma_start3A_825] : memref<384xi32, #tpu.memory_space<vmem>> -> memref<128xi32, #tpu.memory_space<vmem>>
      %dma_start3A_827 = tpu.memref_slice %arg3[%run_scoped3A_6, %run_scoped3A_7, %mul3A_2] : memref<3x2x4096xi32, #tpu.memory_space<hbm>> -> memref<1x1x128xi32, #tpu.memory_space<hbm>>
      %dma_start3A_828 = tpu.memref_squeeze %dma_start3A_827 : memref<1x1x128xi32, #tpu.memory_space<hbm>> -> memref<128xi32, #tpu.memory_space<hbm>>
      tpu.enqueue_dma source(%dma_start3A_828 : memref<128xi32, #tpu.memory_space<hbm>>) target(%dma_start3A_826 : memref<128xi32, #tpu.memory_space<vmem>>) target_semaphore(%run_scoped3A_820 : memref<!tpu.dma_semaphore, #tpu.memory_space<semaphore_mem>>)
      %dma_wait3A_829 = arith.constant 256 : i32
      %dma_wait3A_830 = tpu.memref_slice %arg8[%dma_wait3A_829] : memref<384xi32, #tpu.memory_space<vmem>> -> memref<128xi32, #tpu.memory_space<vmem>>
      %dma_wait3A_831 = tpu.memref_slice %arg3[%run_scoped3A_6, %run_scoped3A_7, %mul3A_2] : memref<3x2x4096xi32, #tpu.memory_space<hbm>> -> memref<1x1x128xi32, #tpu.memory_space<hbm>>
      %dma_wait3A_832 = tpu.memref_squeeze %dma_wait3A_831 : memref<1x1x128xi32, #tpu.memory_space<hbm>> -> memref<128xi32, #tpu.memory_space<hbm>>
      %dma_wait3A_833 = arith.constant 256 : i32
      %dma_wait3A_834 = tpu.memref_slice %arg8[%dma_wait3A_833] : memref<384xi32, #tpu.memory_space<vmem>> -> memref<128xi32, #tpu.memory_space<vmem>>
      %dma_wait3A_835 = tpu.memref_slice %arg3[%run_scoped3A_6, %run_scoped3A_7, %mul3A_2] : memref<3x2x4096xi32, #tpu.memory_space<hbm>> -> memref<1x1x128xi32, #tpu.memory_space<hbm>>
      %dma_wait3A_836 = tpu.memref_squeeze %dma_wait3A_835 : memref<1x1x128xi32, #tpu.memory_space<hbm>> -> memref<128xi32, #tpu.memory_space<hbm>>
      tpu.wait_dma2 semaphore(%run_scoped3A_820 : memref<!tpu.dma_semaphore, #tpu.memory_space<semaphore_mem>>) src(%dma_wait3A_836 : memref<128xi32, #tpu.memory_space<hbm>>) dst(%dma_wait3A_834 : memref<128xi32, #tpu.memory_space<vmem>>)
      tpu.yield
    }) : () -> ()
    %iota3A = tpu.iota {dimensions = array<i32: 0>} : vector<16xi32>
    %add3A_8 = arith.constant 0 : i32
    %add3A_9 = arith.addi %add3A_8, %mul3A_2 : i32
    %add3A_10 = arith.constant 0 : i32
    %add3A_11 = arith.addi %add3A_9, %add3A_10 : i32
    %add3A_12 = vector.broadcast %add3A_11 : i32 to vector<16xi32>
    %add3A_13 = arith.addi %iota3A, %add3A_12 : vector<16xi32>
    %swap3A = arith.constant 0 : index
    %swap3A_14 = tpu.vector_load %arg7[%swap3A] {strides = array<i32>} : memref<128xi32, #tpu.memory_space<vmem>>, vector<16xi32>,
    tpu.vector_store %arg7[%swap3A], %add3A_13 {strides = array<i32>} : memref<128xi32, #tpu.memory_space<vmem>>, vector<16xi32>,
    %iota3A_15 = tpu.iota {dimensions = array<i32: 0>} : vector<16xi32>
    %add3A_16 = arith.constant 0 : i32
    %add3A_17 = arith.addi %add3A_16, %mul3A_2 : i32
    %add3A_18 = arith.constant 16 : i32
    %add3A_19 = arith.addi %add3A_17, %add3A_18 : i32
    %add3A_20 = vector.broadcast %add3A_19 : i32 to vector<16xi32>
    %add3A_21 = arith.addi %iota3A_15, %add3A_20 : vector<16xi32>
    %swap3A_22 = arith.constant 16 : index
    %swap3A_23 = tpu.vector_load %arg7[%swap3A_22] {strides = array<i32>} : memref<128xi32, #tpu.memory_space<vmem>>, vector<16xi32>,
    tpu.vector_store %arg7[%swap3A_22], %add3A_21 {strides = array<i32>} : memref<128xi32, #tpu.memory_space<vmem>>, vector<16xi32>,
    %iota3A_24 = tpu.iota {dimensions = array<i32: 0>} : vector<16xi32>
    %add3A_25 = arith.constant 0 : i32
    %add3A_26 = arith.addi %add3A_25, %mul3A_2 : i32
    %add3A_27 = arith.constant 32 : i32
    %add3A_28 = arith.addi %add3A_26, %add3A_27 : i32
    %add3A_29 = vector.broadcast %add3A_28 : i32 to vector<16xi32>
    %add3A_30 = arith.addi %iota3A_24, %add3A_29 : vector<16xi32>
    %swap3A_31 = arith.constant 32 : index
    %swap3A_32 = tpu.vector_load %arg7[%swap3A_31] {strides = array<i32>} : memref<128xi32, #tpu.memory_space<vmem>>, vector<16xi32>,
    tpu.vector_store %arg7[%swap3A_31], %add3A_30 {strides = array<i32>} : memref<128xi32, #tpu.memory_space<vmem>>, vector<16xi32>,
    %iota3A_33 = tpu.iota {dimensions = array<i32: 0>} : vector<16xi32>
    %add3A_34 = arith.constant 0 : i32
    %add3A_35 = arith.addi %add3A_34, %mul3A_2 : i32
    %add3A_36 = arith.constant 48 : i32
    %add3A_37 = arith.addi %add3A_35, %add3A_36 : i32
    %add3A_38 = vector.broadcast %add3A_37 : i32 to vector<16xi32>
    %add3A_39 = arith.addi %iota3A_33, %add3A_38 : vector<16xi32>
    %swap3A_40 = arith.constant 48 : index
    %swap3A_41 = tpu.vector_load %arg7[%swap3A_40] {strides = array<i32>} : memref<128xi32, #tpu.memory_space<vmem>>, vector<16xi32>,
    tpu.vector_store %arg7[%swap3A_40], %add3A_39 {strides = array<i32>} : memref<128xi32, #tpu.memory_space<vmem>>, vector<16xi32>,
    %iota3A_42 = tpu.iota {dimensions = array<i32: 0>} : vector<16xi32>
    %add3A_43 = arith.constant 0 : i32
    %add3A_44 = arith.addi %add3A_43, %mul3A_2 : i32
    %add3A_45 = arith.constant 64 : i32
    %add3A_46 = arith.addi %add3A_44, %add3A_45 : i32
    %add3A_47 = vector.broadcast %add3A_46 : i32 to vector<16xi32>
    %add3A_48 = arith.addi %iota3A_42, %add3A_47 : vector<16xi32>
    %swap3A_49 = arith.constant 64 : index
    %swap3A_50 = tpu.vector_load %arg7[%swap3A_49] {strides = array<i32>} : memref<128xi32, #tpu.memory_space<vmem>>, vector<16xi32>,
    tpu.vector_store %arg7[%swap3A_49], %add3A_48 {strides = array<i32>} : memref<128xi32, #tpu.memory_space<vmem>>, vector<16xi32>,
    %iota3A_51 = tpu.iota {dimensions = array<i32: 0>} : vector<16xi32>
    %add3A_52 = arith.constant 0 : i32
    %add3A_53 = arith.addi %add3A_52, %mul3A_2 : i32
    %add3A_54 = arith.constant 80 : i32
    %add3A_55 = arith.addi %add3A_53, %add3A_54 : i32
    %add3A_56 = vector.broadcast %add3A_55 : i32 to vector<16xi32>
    %add3A_57 = arith.addi %iota3A_51, %add3A_56 : vector<16xi32>
    %swap3A_58 = arith.constant 80 : index
    %swap3A_59 = tpu.vector_load %arg7[%swap3A_58] {strides = array<i32>} : memref<128xi32, #tpu.memory_space<vmem>>, vector<16xi32>,
    tpu.vector_store %arg7[%swap3A_58], %add3A_57 {strides = array<i32>} : memref<128xi32, #tpu.memory_space<vmem>>, vector<16xi32>,
    %iota3A_60 = tpu.iota {dimensions = array<i32: 0>} : vector<16xi32>
    %add3A_61 = arith.constant 0 : i32
    %add3A_62 = arith.addi %add3A_61, %mul3A_2 : i32
    %add3A_63 = arith.constant 96 : i32
    %add3A_64 = arith.addi %add3A_62, %add3A_63 : i32
    %add3A_65 = vector.broadcast %add3A_64 : i32 to vector<16xi32>
    %add3A_66 = arith.addi %iota3A_60, %add3A_65 : vector<16xi32>
    %swap3A_67 = arith.constant 96 : index
    %swap3A_68 = tpu.vector_load %arg7[%swap3A_67] {strides = array<i32>} : memref<128xi32, #tpu.memory_space<vmem>>, vector<16xi32>,
    tpu.vector_store %arg7[%swap3A_67], %add3A_66 {strides = array<i32>} : memref<128xi32, #tpu.memory_space<vmem>>, vector<16xi32>,
    %iota3A_69 = tpu.iota {dimensions = array<i32: 0>} : vector<16xi32>
    %add3A_70 = arith.constant 0 : i32
    %add3A_71 = arith.addi %add3A_70, %mul3A_2 : i32
    %add3A_72 = arith.constant 112 : i32
    %add3A_73 = arith.addi %add3A_71, %add3A_72 : i32
    %add3A_74 = vector.broadcast %add3A_73 : i32 to vector<16xi32>
    %add3A_75 = arith.addi %iota3A_69, %add3A_74 : vector<16xi32>
    %swap3A_76 = arith.constant 112 : index
    %swap3A_77 = tpu.vector_load %arg7[%swap3A_76] {strides = array<i32>} : memref<128xi32, #tpu.memory_space<vmem>>, vector<16xi32>,
    tpu.vector_store %arg7[%swap3A_76], %add3A_75 {strides = array<i32>} : memref<128xi32, #tpu.memory_space<vmem>>, vector<16xi32>,
    %dma_start3A = arith.constant 0 : i32
    %dma_start3A_78 = arith.constant 0 : i32
    %dma_start3A_79 = tpu.memref_slice %arg2[%dma_start3A, %dma_start3A_78] : memref<8192x16xi32, #tpu.memory_space<hbm>> -> memref<8192x16xi32, #tpu.memory_space<hbm>>
    tpu.enqueue_indirect_dma source(%dma_start3A_79 : memref<8192x16xi32, #tpu.memory_space<hbm>>) target(%arg6 : memref<128x16xi32, #tpu.memory_space<vmem>>) offsets(%arg7 : memref<128xi32, #tpu.memory_space<vmem>>) semaphore(%arg11 : memref<!tpu.dma_semaphore, #tpu.memory_space<semaphore_mem>>)
    %add3A_80 = arith.constant 0 : i32
    %add3A_81 = arith.addi %add3A_80, %mul3A_2 : i32
    "tpu.region"() ({
      %run_scoped3A_820 = tpu.sem_alloc : memref<!tpu.dma_semaphore, #tpu.memory_space<semaphore_mem>>
      %dma_start3A_821 = arith.constant 0 : i32
      %dma_start3A_822 = tpu.memref_slice %arg4[%add3A_81, %dma_start3A_821] : memref<8192x128xf32, #tpu.memory_space<hbm>> -> memref<128x128xf32, #tpu.memory_space<hbm>>
      %dma_start3A_823 = arith.constant 0 : i32
      %dma_start3A_824 = tpu.memref_slice %arg4[%add3A_81, %dma_start3A_823] : memref<8192x128xf32, #tpu.memory_space<hbm>> -> memref<128x128xf32, #tpu.memory_space<hbm>>
      tpu.enqueue_dma source(%dma_start3A_824 : memref<128x128xf32, #tpu.memory_space<hbm>>) target(%arg9 : memref<128x128xf32, #tpu.memory_space<vmem>>) target_semaphore(%run_scoped3A_820 : memref<!tpu.dma_semaphore, #tpu.memory_space<semaphore_mem>>)
      %dma_wait3A_825 = arith.constant 0 : i32
      %dma_wait3A_826 = tpu.memref_slice %arg4[%add3A_81, %dma_wait3A_825] : memref<8192x128xf32, #tpu.memory_space<hbm>> -> memref<128x128xf32, #tpu.memory_space<hbm>>
      %dma_wait3A_827 = arith.constant 0 : i32
      %dma_wait3A_828 = tpu.memref_slice %arg4[%add3A_81, %dma_wait3A_827] : memref<8192x128xf32, #tpu.memory_space<hbm>> -> memref<128x128xf32, #tpu.memory_space<hbm>>
      tpu.wait_dma2 semaphore(%run_scoped3A_820 : memref<!tpu.dma_semaphore, #tpu.memory_space<semaphore_mem>>) src(%dma_wait3A_828 : memref<128x128xf32, #tpu.memory_space<hbm>>) dst(%arg9 : memref<128x128xf32, #tpu.memory_space<vmem>>)
      tpu.yield
    }) : () -> ()
    %add3A_82 = arith.constant 0 : i32
    %add3A_83 = arith.addi %add3A_82, %mul3A_2 : i32
    "tpu.region"() ({
      %run_scoped3A_820 = tpu.sem_alloc : memref<!tpu.dma_semaphore, #tpu.memory_space<semaphore_mem>>
      %dma_start3A_821 = arith.constant 0 : i32
      %dma_start3A_822 = tpu.memref_slice %arg5[%add3A_83, %dma_start3A_821] : memref<32768x128xf32, #tpu.memory_space<hbm>> -> memref<128x128xf32, #tpu.memory_space<hbm>>
      %dma_start3A_823 = arith.constant 0 : i32
      %dma_start3A_824 = tpu.memref_slice %arg5[%add3A_83, %dma_start3A_823] : memref<32768x128xf32, #tpu.memory_space<hbm>> -> memref<128x128xf32, #tpu.memory_space<hbm>>
      tpu.enqueue_dma source(%arg9 : memref<128x128xf32, #tpu.memory_space<vmem>>) target(%dma_start3A_824 : memref<128x128xf32, #tpu.memory_space<hbm>>) target_semaphore(%run_scoped3A_820 : memref<!tpu.dma_semaphore, #tpu.memory_space<semaphore_mem>>)
      %dma_wait3A_825 = arith.constant 0 : i32
      %dma_wait3A_826 = tpu.memref_slice %arg5[%add3A_83, %dma_wait3A_825] : memref<32768x128xf32, #tpu.memory_space<hbm>> -> memref<128x128xf32, #tpu.memory_space<hbm>>
      %dma_wait3A_827 = arith.constant 0 : i32
      %dma_wait3A_828 = tpu.memref_slice %arg5[%add3A_83, %dma_wait3A_827] : memref<32768x128xf32, #tpu.memory_space<hbm>> -> memref<128x128xf32, #tpu.memory_space<hbm>>
      tpu.wait_dma2 semaphore(%run_scoped3A_820 : memref<!tpu.dma_semaphore, #tpu.memory_space<semaphore_mem>>) src(%arg9 : memref<128x128xf32, #tpu.memory_space<vmem>>) dst(%dma_wait3A_828 : memref<128x128xf32, #tpu.memory_space<hbm>>)
      tpu.yield
    }) : () -> ()
    %dma_wait3A = arith.constant 0 : i32
    %dma_wait3A_84 = arith.constant 0 : i32
    %dma_wait3A_85 = tpu.memref_slice %arg2[%dma_wait3A, %dma_wait3A_84] : memref<8192x16xi32, #tpu.memory_space<hbm>> -> memref<8192x16xi32, #tpu.memory_space<hbm>>
    tpu.wait_indirect_dma semaphore(%arg11 : memref<!tpu.dma_semaphore, #tpu.memory_space<semaphore_mem>>) src(%dma_wait3A_85 : memref<8192x16xi32, #tpu.memory_space<hbm>>) dst(%arg6 : memref<128x16xi32, #tpu.memory_space<vmem>>)
    %iota3A_86 = tpu.iota {dimensions = array<i32: 0>} : vector<16xi32>
    %add3A_87 = arith.constant 0 : i32
    %add3A_88 = vector.broadcast %add3A_87 : i32 to vector<16xi32>
    %add3A_89 = arith.addi %iota3A_86, %add3A_88 : vector<16xi32>
    %get3A = arith.constant 0 : index
    %get3A_90 = tpu.vector_load %arg8[%get3A] {strides = array<i32>} : memref<384xi32, #tpu.memory_space<vmem>>, vector<16xi32>,
    %gather3A = tpu.vector_load_idx %arg6[%add3A_89, %get3A_90] : memref<128x16xi32, #tpu.memory_space<vmem>>[vector<16xi32>, vector<16xi32>], vector<16xi32>,
    %add3A_91 = arith.constant 0 : i32
    %add3A_92 = vector.broadcast %add3A_91 : i32 to vector<16xi32>
    %add3A_93 = arith.addi %gather3A, %add3A_92 : vector<16xi32>
    %swap3A_94 = arith.constant 0 : index
    %swap3A_95 = tpu.vector_load %arg7[%swap3A_94] {strides = array<i32>} : memref<128xi32, #tpu.memory_space<vmem>>, vector<16xi32>,
    tpu.vector_store %arg7[%swap3A_94], %add3A_93 {strides = array<i32>} : memref<128xi32, #tpu.memory_space<vmem>>, vector<16xi32>,
    %iota3A_96 = tpu.iota {dimensions = array<i32: 0>} : vector<16xi32>
    %add3A_97 = arith.constant 16 : i32
    %add3A_98 = vector.broadcast %add3A_97 : i32 to vector<16xi32>
    %add3A_99 = arith.addi %iota3A_96, %add3A_98 : vector<16xi32>
    %get3A_100 = arith.constant 16 : index
    %get3A_101 = tpu.vector_load %arg8[%get3A_100] {strides = array<i32>} : memref<384xi32, #tpu.memory_space<vmem>>, vector<16xi32>,
    %gather3A_102 = tpu.vector_load_idx %arg6[%add3A_99, %get3A_101] : memref<128x16xi32, #tpu.memory_space<vmem>>[vector<16xi32>, vector<16xi32>], vector<16xi32>,
    %add3A_103 = arith.constant 0 : i32
    %add3A_104 = vector.broadcast %add3A_103 : i32 to vector<16xi32>
    %add3A_105 = arith.addi %gather3A_102, %add3A_104 : vector<16xi32>
    %swap3A_106 = arith.constant 16 : index
    %swap3A_107 = tpu.vector_load %arg7[%swap3A_106] {strides = array<i32>} : memref<128xi32, #tpu.memory_space<vmem>>, vector<16xi32>,
    tpu.vector_store %arg7[%swap3A_106], %add3A_105 {strides = array<i32>} : memref<128xi32, #tpu.memory_space<vmem>>, vector<16xi32>,
    %iota3A_108 = tpu.iota {dimensions = array<i32: 0>} : vector<16xi32>
    %add3A_109 = arith.constant 32 : i32
    %add3A_110 = vector.broadcast %add3A_109 : i32 to vector<16xi32>
    %add3A_111 = arith.addi %iota3A_108, %add3A_110 : vector<16xi32>
    %get3A_112 = arith.constant 32 : index
    %get3A_113 = tpu.vector_load %arg8[%get3A_112] {strides = array<i32>} : memref<384xi32, #tpu.memory_space<vmem>>, vector<16xi32>,
    %gather3A_114 = tpu.vector_load_idx %arg6[%add3A_111, %get3A_113] : memref<128x16xi32, #tpu.memory_space<vmem>>[vector<16xi32>, vector<16xi32>], vector<16xi32>,
    %add3A_115 = arith.constant 0 : i32
    %add3A_116 = vector.broadcast %add3A_115 : i32 to vector<16xi32>
    %add3A_117 = arith.addi %gather3A_114, %add3A_116 : vector<16xi32>
    %swap3A_118 = arith.constant 32 : index
    %swap3A_119 = tpu.vector_load %arg7[%swap3A_118] {strides = array<i32>} : memref<128xi32, #tpu.memory_space<vmem>>, vector<16xi32>,
    tpu.vector_store %arg7[%swap3A_118], %add3A_117 {strides = array<i32>} : memref<128xi32, #tpu.memory_space<vmem>>, vector<16xi32>,
    %iota3A_120 = tpu.iota {dimensions = array<i32: 0>} : vector<16xi32>
    %add3A_121 = arith.constant 48 : i32
    %add3A_122 = vector.broadcast %add3A_121 : i32 to vector<16xi32>
    %add3A_123 = arith.addi %iota3A_120, %add3A_122 : vector<16xi32>
    %get3A_124 = arith.constant 48 : index
    %get3A_125 = tpu.vector_load %arg8[%get3A_124] {strides = array<i32>} : memref<384xi32, #tpu.memory_space<vmem>>, vector<16xi32>,
    %gather3A_126 = tpu.vector_load_idx %arg6[%add3A_123, %get3A_125] : memref<128x16xi32, #tpu.memory_space<vmem>>[vector<16xi32>, vector<16xi32>], vector<16xi32>,
    %add3A_127 = arith.constant 0 : i32
    %add3A_128 = vector.broadcast %add3A_127 : i32 to vector<16xi32>
    %add3A_129 = arith.addi %gather3A_126, %add3A_128 : vector<16xi32>
    %swap3A_130 = arith.constant 48 : index
    %swap3A_131 = tpu.vector_load %arg7[%swap3A_130] {strides = array<i32>} : memref<128xi32, #tpu.memory_space<vmem>>, vector<16xi32>,
    tpu.vector_store %arg7[%swap3A_130], %add3A_129 {strides = array<i32>} : memref<128xi32, #tpu.memory_space<vmem>>, vector<16xi32>,
    %iota3A_132 = tpu.iota {dimensions = array<i32: 0>} : vector<16xi32>
    %add3A_133 = arith.constant 64 : i32
    %add3A_134 = vector.broadcast %add3A_133 : i32 to vector<16xi32>
    %add3A_135 = arith.addi %iota3A_132, %add3A_134 : vector<16xi32>
    %get3A_136 = arith.constant 64 : index
    %get3A_137 = tpu.vector_load %arg8[%get3A_136] {strides = array<i32>} : memref<384xi32, #tpu.memory_space<vmem>>, vector<16xi32>,
    %gather3A_138 = tpu.vector_load_idx %arg6[%add3A_135, %get3A_137] : memref<128x16xi32, #tpu.memory_space<vmem>>[vector<16xi32>, vector<16xi32>], vector<16xi32>,
    %add3A_139 = arith.constant 0 : i32
    %add3A_140 = vector.broadcast %add3A_139 : i32 to vector<16xi32>
    %add3A_141 = arith.addi %gather3A_138, %add3A_140 : vector<16xi32>
    %swap3A_142 = arith.constant 64 : index
    %swap3A_143 = tpu.vector_load %arg7[%swap3A_142] {strides = array<i32>} : memref<128xi32, #tpu.memory_space<vmem>>, vector<16xi32>,
    tpu.vector_store %arg7[%swap3A_142], %add3A_141 {strides = array<i32>} : memref<128xi32, #tpu.memory_space<vmem>>, vector<16xi32>,
    %iota3A_144 = tpu.iota {dimensions = array<i32: 0>} : vector<16xi32>
    %add3A_145 = arith.constant 80 : i32
    %add3A_146 = vector.broadcast %add3A_145 : i32 to vector<16xi32>
    %add3A_147 = arith.addi %iota3A_144, %add3A_146 : vector<16xi32>
    %get3A_148 = arith.constant 80 : index
    %get3A_149 = tpu.vector_load %arg8[%get3A_148] {strides = array<i32>} : memref<384xi32, #tpu.memory_space<vmem>>, vector<16xi32>,
    %gather3A_150 = tpu.vector_load_idx %arg6[%add3A_147, %get3A_149] : memref<128x16xi32, #tpu.memory_space<vmem>>[vector<16xi32>, vector<16xi32>], vector<16xi32>,
    %add3A_151 = arith.constant 0 : i32
    %add3A_152 = vector.broadcast %add3A_151 : i32 to vector<16xi32>
    %add3A_153 = arith.addi %gather3A_150, %add3A_152 : vector<16xi32>
    %swap3A_154 = arith.constant 80 : index
    %swap3A_155 = tpu.vector_load %arg7[%swap3A_154] {strides = array<i32>} : memref<128xi32, #tpu.memory_space<vmem>>, vector<16xi32>,
    tpu.vector_store %arg7[%swap3A_154], %add3A_153 {strides = array<i32>} : memref<128xi32, #tpu.memory_space<vmem>>, vector<16xi32>,
    %iota3A_156 = tpu.iota {dimensions = array<i32: 0>} : vector<16xi32>
    %add3A_157 = arith.constant 96 : i32
    %add3A_158 = vector.broadcast %add3A_157 : i32 to vector<16xi32>
    %add3A_159 = arith.addi %iota3A_156, %add3A_158 : vector<16xi32>
    %get3A_160 = arith.constant 96 : index
    %get3A_161 = tpu.vector_load %arg8[%get3A_160] {strides = array<i32>} : memref<384xi32, #tpu.memory_space<vmem>>, vector<16xi32>,
    %gather3A_162 = tpu.vector_load_idx %arg6[%add3A_159, %get3A_161] : memref<128x16xi32, #tpu.memory_space<vmem>>[vector<16xi32>, vector<16xi32>], vector<16xi32>,
    %add3A_163 = arith.constant 0 : i32
    %add3A_164 = vector.broadcast %add3A_163 : i32 to vector<16xi32>
    %add3A_165 = arith.addi %gather3A_162, %add3A_164 : vector<16xi32>
    %swap3A_166 = arith.constant 96 : index
    %swap3A_167 = tpu.vector_load %arg7[%swap3A_166] {strides = array<i32>} : memref<128xi32, #tpu.memory_space<vmem>>, vector<16xi32>,
    tpu.vector_store %arg7[%swap3A_166], %add3A_165 {strides = array<i32>} : memref<128xi32, #tpu.memory_space<vmem>>, vector<16xi32>,
    %iota3A_168 = tpu.iota {dimensions = array<i32: 0>} : vector<16xi32>
    %add3A_169 = arith.constant 112 : i32
    %add3A_170 = vector.broadcast %add3A_169 : i32 to vector<16xi32>
    %add3A_171 = arith.addi %iota3A_168, %add3A_170 : vector<16xi32>
    %get3A_172 = arith.constant 112 : index
    %get3A_173 = tpu.vector_load %arg8[%get3A_172] {strides = array<i32>} : memref<384xi32, #tpu.memory_space<vmem>>, vector<16xi32>,
    %gather3A_174 = tpu.vector_load_idx %arg6[%add3A_171, %get3A_173] : memref<128x16xi32, #tpu.memory_space<vmem>>[vector<16xi32>, vector<16xi32>], vector<16xi32>,
    %add3A_175 = arith.constant 0 : i32
    %add3A_176 = vector.broadcast %add3A_175 : i32 to vector<16xi32>
    %add3A_177 = arith.addi %gather3A_174, %add3A_176 : vector<16xi32>
    %swap3A_178 = arith.constant 112 : index
    %swap3A_179 = tpu.vector_load %arg7[%swap3A_178] {strides = array<i32>} : memref<128xi32, #tpu.memory_space<vmem>>, vector<16xi32>,
    tpu.vector_store %arg7[%swap3A_178], %add3A_177 {strides = array<i32>} : memref<128xi32, #tpu.memory_space<vmem>>, vector<16xi32>,
    %dma_start3A_180 = arith.constant 0 : i32
    %dma_start3A_181 = arith.constant 0 : i32
    %dma_start3A_182 = tpu.memref_slice %arg4[%dma_start3A_180, %dma_start3A_181] : memref<8192x128xf32, #tpu.memory_space<hbm>> -> memref<8192x128xf32, #tpu.memory_space<hbm>>
    tpu.enqueue_indirect_dma source(%dma_start3A_182 : memref<8192x128xf32, #tpu.memory_space<hbm>>) target(%arg9 : memref<128x128xf32, #tpu.memory_space<vmem>>) offsets(%arg7 : memref<128xi32, #tpu.memory_space<vmem>>) semaphore(%arg10 : memref<!tpu.dma_semaphore, #tpu.memory_space<semaphore_mem>>)
    %dma_start3A_183 = arith.constant 0 : i32
    %dma_start3A_184 = arith.constant 0 : i32
    %dma_start3A_185 = tpu.memref_slice %arg2[%dma_start3A_183, %dma_start3A_184] : memref<8192x16xi32, #tpu.memory_space<hbm>> -> memref<8192x16xi32, #tpu.memory_space<hbm>>
    tpu.enqueue_indirect_dma source(%dma_start3A_185 : memref<8192x16xi32, #tpu.memory_space<hbm>>) target(%arg6 : memref<128x16xi32, #tpu.memory_space<vmem>>) offsets(%arg7 : memref<128xi32, #tpu.memory_space<vmem>>) semaphore(%arg11 : memref<!tpu.dma_semaphore, #tpu.memory_space<semaphore_mem>>)
    %dma_wait3A_186 = arith.constant 0 : i32
    %dma_wait3A_187 = arith.constant 0 : i32
    %dma_wait3A_188 = tpu.memref_slice %arg4[%dma_wait3A_186, %dma_wait3A_187] : memref<8192x128xf32, #tpu.memory_space<hbm>> -> memref<8192x128xf32, #tpu.memory_space<hbm>>
    tpu.wait_indirect_dma semaphore(%arg10 : memref<!tpu.dma_semaphore, #tpu.memory_space<semaphore_mem>>) src(%dma_wait3A_188 : memref<8192x128xf32, #tpu.memory_space<hbm>>) dst(%arg9 : memref<128x128xf32, #tpu.memory_space<vmem>>)
    %add3A_189 = arith.constant 4096 : i32
    %add3A_190 = arith.addi %add3A_189, %mul3A_2 : i32
    "tpu.region"() ({
      %run_scoped3A_820 = tpu.sem_alloc : memref<!tpu.dma_semaphore, #tpu.memory_space<semaphore_mem>>
      %dma_start3A_821 = arith.constant 0 : i32
      %dma_start3A_822 = tpu.memref_slice %arg5[%add3A_190, %dma_start3A_821] : memref<32768x128xf32, #tpu.memory_space<hbm>> -> memref<128x128xf32, #tpu.memory_space<hbm>>
      %dma_start3A_823 = arith.constant 0 : i32
      %dma_start3A_824 = tpu.memref_slice %arg5[%add3A_190, %dma_start3A_823] : memref<32768x128xf32, #tpu.memory_space<hbm>> -> memref<128x128xf32, #tpu.memory_space<hbm>>
      tpu.enqueue_dma source(%arg9 : memref<128x128xf32, #tpu.memory_space<vmem>>) target(%dma_start3A_824 : memref<128x128xf32, #tpu.memory_space<hbm>>) target_semaphore(%run_scoped3A_820 : memref<!tpu.dma_semaphore, #tpu.memory_space<semaphore_mem>>)
      %dma_wait3A_825 = arith.constant 0 : i32
      %dma_wait3A_826 = tpu.memref_slice %arg5[%add3A_190, %dma_wait3A_825] : memref<32768x128xf32, #tpu.memory_space<hbm>> -> memref<128x128xf32, #tpu.memory_space<hbm>>
      %dma_wait3A_827 = arith.constant 0 : i32
      %dma_wait3A_828 = tpu.memref_slice %arg5[%add3A_190, %dma_wait3A_827] : memref<32768x128xf32, #tpu.memory_space<hbm>> -> memref<128x128xf32, #tpu.memory_space<hbm>>
      tpu.wait_dma2 semaphore(%run_scoped3A_820 : memref<!tpu.dma_semaphore, #tpu.memory_space<semaphore_mem>>) src(%arg9 : memref<128x128xf32, #tpu.memory_space<vmem>>) dst(%dma_wait3A_828 : memref<128x128xf32, #tpu.memory_space<hbm>>)
      tpu.yield
    }) : () -> ()
    %dma_wait3A_191 = arith.constant 0 : i32
    %dma_wait3A_192 = arith.constant 0 : i32
    %dma_wait3A_193 = tpu.memref_slice %arg2[%dma_wait3A_191, %dma_wait3A_192] : memref<8192x16xi32, #tpu.memory_space<hbm>> -> memref<8192x16xi32, #tpu.memory_space<hbm>>
    tpu.wait_indirect_dma semaphore(%arg11 : memref<!tpu.dma_semaphore, #tpu.memory_space<semaphore_mem>>) src(%dma_wait3A_193 : memref<8192x16xi32, #tpu.memory_space<hbm>>) dst(%arg6 : memref<128x16xi32, #tpu.memory_space<vmem>>)
    %iota3A_194 = tpu.iota {dimensions = array<i32: 0>} : vector<16xi32>
    %add3A_195 = arith.constant 0 : i32
    %add3A_196 = vector.broadcast %add3A_195 : i32 to vector<16xi32>
    %add3A_197 = arith.addi %iota3A_194, %add3A_196 : vector<16xi32>
    %get3A_198 = arith.constant 128 : index
    %get3A_199 = tpu.vector_load %arg8[%get3A_198] {strides = array<i32>} : memref<384xi32, #tpu.memory_space<vmem>>, vector<16xi32>,
    %gather3A_200 = tpu.vector_load_idx %arg6[%add3A_197, %get3A_199] : memref<128x16xi32, #tpu.memory_space<vmem>>[vector<16xi32>, vector<16xi32>], vector<16xi32>,
    %add3A_201 = arith.constant 0 : i32
    %add3A_202 = vector.broadcast %add3A_201 : i32 to vector<16xi32>
    %add3A_203 = arith.addi %gather3A_200, %add3A_202 : vector<16xi32>
    %swap3A_204 = arith.constant 0 : index
    %swap3A_205 = tpu.vector_load %arg7[%swap3A_204] {strides = array<i32>} : memref<128xi32, #tpu.memory_space<vmem>>, vector<16xi32>,
    tpu.vector_store %arg7[%swap3A_204], %add3A_203 {strides = array<i32>} : memref<128xi32, #tpu.memory_space<vmem>>, vector<16xi32>,
    %iota3A_206 = tpu.iota {dimensions = array<i32: 0>} : vector<16xi32>
    %add3A_207 = arith.constant 16 : i32
    %add3A_208 = vector.broadcast %add3A_207 : i32 to vector<16xi32>
    %add3A_209 = arith.addi %iota3A_206, %add3A_208 : vector<16xi32>
    %get3A_210 = arith.constant 144 : index
    %get3A_211 = tpu.vector_load %arg8[%get3A_210] {strides = array<i32>} : memref<384xi32, #tpu.memory_space<vmem>>, vector<16xi32>,
    %gather3A_212 = tpu.vector_load_idx %arg6[%add3A_209, %get3A_211] : memref<128x16xi32, #tpu.memory_space<vmem>>[vector<16xi32>, vector<16xi32>], vector<16xi32>,
    %add3A_213 = arith.constant 0 : i32
    %add3A_214 = vector.broadcast %add3A_213 : i32 to vector<16xi32>
    %add3A_215 = arith.addi %gather3A_212, %add3A_214 : vector<16xi32>
    %swap3A_216 = arith.constant 16 : index
    %swap3A_217 = tpu.vector_load %arg7[%swap3A_216] {strides = array<i32>} : memref<128xi32, #tpu.memory_space<vmem>>, vector<16xi32>,
    tpu.vector_store %arg7[%swap3A_216], %add3A_215 {strides = array<i32>} : memref<128xi32, #tpu.memory_space<vmem>>, vector<16xi32>,
    %iota3A_218 = tpu.iota {dimensions = array<i32: 0>} : vector<16xi32>
    %add3A_219 = arith.constant 32 : i32
    %add3A_220 = vector.broadcast %add3A_219 : i32 to vector<16xi32>
    %add3A_221 = arith.addi %iota3A_218, %add3A_220 : vector<16xi32>
    %get3A_222 = arith.constant 160 : index
    %get3A_223 = tpu.vector_load %arg8[%get3A_222] {strides = array<i32>} : memref<384xi32, #tpu.memory_space<vmem>>, vector<16xi32>,
    %gather3A_224 = tpu.vector_load_idx %arg6[%add3A_221, %get3A_223] : memref<128x16xi32, #tpu.memory_space<vmem>>[vector<16xi32>, vector<16xi32>], vector<16xi32>,
    %add3A_225 = arith.constant 0 : i32
    %add3A_226 = vector.broadcast %add3A_225 : i32 to vector<16xi32>
    %add3A_227 = arith.addi %gather3A_224, %add3A_226 : vector<16xi32>
    %swap3A_228 = arith.constant 32 : index
    %swap3A_229 = tpu.vector_load %arg7[%swap3A_228] {strides = array<i32>} : memref<128xi32, #tpu.memory_space<vmem>>, vector<16xi32>,
    tpu.vector_store %arg7[%swap3A_228], %add3A_227 {strides = array<i32>} : memref<128xi32, #tpu.memory_space<vmem>>, vector<16xi32>,
    %iota3A_230 = tpu.iota {dimensions = array<i32: 0>} : vector<16xi32>
    %add3A_231 = arith.constant 48 : i32
    %add3A_232 = vector.broadcast %add3A_231 : i32 to vector<16xi32>
    %add3A_233 = arith.addi %iota3A_230, %add3A_232 : vector<16xi32>
    %get3A_234 = arith.constant 176 : index
    %get3A_235 = tpu.vector_load %arg8[%get3A_234] {strides = array<i32>} : memref<384xi32, #tpu.memory_space<vmem>>, vector<16xi32>,
    %gather3A_236 = tpu.vector_load_idx %arg6[%add3A_233, %get3A_235] : memref<128x16xi32, #tpu.memory_space<vmem>>[vector<16xi32>, vector<16xi32>], vector<16xi32>,
    %add3A_237 = arith.constant 0 : i32
    %add3A_238 = vector.broadcast %add3A_237 : i32 to vector<16xi32>
    %add3A_239 = arith.addi %gather3A_236, %add3A_238 : vector<16xi32>
    %swap3A_240 = arith.constant 48 : index
    %swap3A_241 = tpu.vector_load %arg7[%swap3A_240] {strides = array<i32>} : memref<128xi32, #tpu.memory_space<vmem>>, vector<16xi32>,
    tpu.vector_store %arg7[%swap3A_240], %add3A_239 {strides = array<i32>} : memref<128xi32, #tpu.memory_space<vmem>>, vector<16xi32>,
    %iota3A_242 = tpu.iota {dimensions = array<i32: 0>} : vector<16xi32>
    %add3A_243 = arith.constant 64 : i32
    %add3A_244 = vector.broadcast %add3A_243 : i32 to vector<16xi32>
    %add3A_245 = arith.addi %iota3A_242, %add3A_244 : vector<16xi32>
    %get3A_246 = arith.constant 192 : index
    %get3A_247 = tpu.vector_load %arg8[%get3A_246] {strides = array<i32>} : memref<384xi32, #tpu.memory_space<vmem>>, vector<16xi32>,
    %gather3A_248 = tpu.vector_load_idx %arg6[%add3A_245, %get3A_247] : memref<128x16xi32, #tpu.memory_space<vmem>>[vector<16xi32>, vector<16xi32>], vector<16xi32>,
    %add3A_249 = arith.constant 0 : i32
    %add3A_250 = vector.broadcast %add3A_249 : i32 to vector<16xi32>
    %add3A_251 = arith.addi %gather3A_248, %add3A_250 : vector<16xi32>
    %swap3A_252 = arith.constant 64 : index
    %swap3A_253 = tpu.vector_load %arg7[%swap3A_252] {strides = array<i32>} : memref<128xi32, #tpu.memory_space<vmem>>, vector<16xi32>,
    tpu.vector_store %arg7[%swap3A_252], %add3A_251 {strides = array<i32>} : memref<128xi32, #tpu.memory_space<vmem>>, vector<16xi32>,
    %iota3A_254 = tpu.iota {dimensions = array<i32: 0>} : vector<16xi32>
    %add3A_255 = arith.constant 80 : i32
    %add3A_256 = vector.broadcast %add3A_255 : i32 to vector<16xi32>
    %add3A_257 = arith.addi %iota3A_254, %add3A_256 : vector<16xi32>
    %get3A_258 = arith.constant 208 : index
    %get3A_259 = tpu.vector_load %arg8[%get3A_258] {strides = array<i32>} : memref<384xi32, #tpu.memory_space<vmem>>, vector<16xi32>,
    %gather3A_260 = tpu.vector_load_idx %arg6[%add3A_257, %get3A_259] : memref<128x16xi32, #tpu.memory_space<vmem>>[vector<16xi32>, vector<16xi32>], vector<16xi32>,
    %add3A_261 = arith.constant 0 : i32
    %add3A_262 = vector.broadcast %add3A_261 : i32 to vector<16xi32>
    %add3A_263 = arith.addi %gather3A_260, %add3A_262 : vector<16xi32>
    %swap3A_264 = arith.constant 80 : index
    %swap3A_265 = tpu.vector_load %arg7[%swap3A_264] {strides = array<i32>} : memref<128xi32, #tpu.memory_space<vmem>>, vector<16xi32>,
    tpu.vector_store %arg7[%swap3A_264], %add3A_263 {strides = array<i32>} : memref<128xi32, #tpu.memory_space<vmem>>, vector<16xi32>,
    %iota3A_266 = tpu.iota {dimensions = array<i32: 0>} : vector<16xi32>
    %add3A_267 = arith.constant 96 : i32
    %add3A_268 = vector.broadcast %add3A_267 : i32 to vector<16xi32>
    %add3A_269 = arith.addi %iota3A_266, %add3A_268 : vector<16xi32>
    %get3A_270 = arith.constant 224 : index
    %get3A_271 = tpu.vector_load %arg8[%get3A_270] {strides = array<i32>} : memref<384xi32, #tpu.memory_space<vmem>>, vector<16xi32>,
    %gather3A_272 = tpu.vector_load_idx %arg6[%add3A_269, %get3A_271] : memref<128x16xi32, #tpu.memory_space<vmem>>[vector<16xi32>, vector<16xi32>], vector<16xi32>,
    %add3A_273 = arith.constant 0 : i32
    %add3A_274 = vector.broadcast %add3A_273 : i32 to vector<16xi32>
    %add3A_275 = arith.addi %gather3A_272, %add3A_274 : vector<16xi32>
    %swap3A_276 = arith.constant 96 : index
    %swap3A_277 = tpu.vector_load %arg7[%swap3A_276] {strides = array<i32>} : memref<128xi32, #tpu.memory_space<vmem>>, vector<16xi32>,
    tpu.vector_store %arg7[%swap3A_276], %add3A_275 {strides = array<i32>} : memref<128xi32, #tpu.memory_space<vmem>>, vector<16xi32>,
    %iota3A_278 = tpu.iota {dimensions = array<i32: 0>} : vector<16xi32>
    %add3A_279 = arith.constant 112 : i32
    %add3A_280 = vector.broadcast %add3A_279 : i32 to vector<16xi32>
    %add3A_281 = arith.addi %iota3A_278, %add3A_280 : vector<16xi32>
    %get3A_282 = arith.constant 240 : index
    %get3A_283 = tpu.vector_load %arg8[%get3A_282] {strides = array<i32>} : memref<384xi32, #tpu.memory_space<vmem>>, vector<16xi32>,
    %gather3A_284 = tpu.vector_load_idx %arg6[%add3A_281, %get3A_283] : memref<128x16xi32, #tpu.memory_space<vmem>>[vector<16xi32>, vector<16xi32>], vector<16xi32>,
    %add3A_285 = arith.constant 0 : i32
    %add3A_286 = vector.broadcast %add3A_285 : i32 to vector<16xi32>
    %add3A_287 = arith.addi %gather3A_284, %add3A_286 : vector<16xi32>
    %swap3A_288 = arith.constant 112 : index
    %swap3A_289 = tpu.vector_load %arg7[%swap3A_288] {strides = array<i32>} : memref<128xi32, #tpu.memory_space<vmem>>, vector<16xi32>,
    tpu.vector_store %arg7[%swap3A_288], %add3A_287 {strides = array<i32>} : memref<128xi32, #tpu.memory_space<vmem>>, vector<16xi32>,
    %dma_start3A_290 = arith.constant 0 : i32
    %dma_start3A_291 = arith.constant 0 : i32
    %dma_start3A_292 = tpu.memref_slice %arg4[%dma_start3A_290, %dma_start3A_291] : memref<8192x128xf32, #tpu.memory_space<hbm>> -> memref<8192x128xf32, #tpu.memory_space<hbm>>
    tpu.enqueue_indirect_dma source(%dma_start3A_292 : memref<8192x128xf32, #tpu.memory_space<hbm>>) target(%arg9 : memref<128x128xf32, #tpu.memory_space<vmem>>) offsets(%arg7 : memref<128xi32, #tpu.memory_space<vmem>>) semaphore(%arg10 : memref<!tpu.dma_semaphore, #tpu.memory_space<semaphore_mem>>)
    %dma_start3A_293 = arith.constant 0 : i32
    %dma_start3A_294 = arith.constant 0 : i32
    %dma_start3A_295 = tpu.memref_slice %arg2[%dma_start3A_293, %dma_start3A_294] : memref<8192x16xi32, #tpu.memory_space<hbm>> -> memref<8192x16xi32, #tpu.memory_space<hbm>>
    tpu.enqueue_indirect_dma source(%dma_start3A_295 : memref<8192x16xi32, #tpu.memory_space<hbm>>) target(%arg6 : memref<128x16xi32, #tpu.memory_space<vmem>>) offsets(%arg7 : memref<128xi32, #tpu.memory_space<vmem>>) semaphore(%arg11 : memref<!tpu.dma_semaphore, #tpu.memory_space<semaphore_mem>>)
    %dma_wait3A_296 = arith.constant 0 : i32
    %dma_wait3A_297 = arith.constant 0 : i32
    %dma_wait3A_298 = tpu.memref_slice %arg4[%dma_wait3A_296, %dma_wait3A_297] : memref<8192x128xf32, #tpu.memory_space<hbm>> -> memref<8192x128xf32, #tpu.memory_space<hbm>>
    tpu.wait_indirect_dma semaphore(%arg10 : memref<!tpu.dma_semaphore, #tpu.memory_space<semaphore_mem>>) src(%dma_wait3A_298 : memref<8192x128xf32, #tpu.memory_space<hbm>>) dst(%arg9 : memref<128x128xf32, #tpu.memory_space<vmem>>)
    %add3A_299 = arith.constant 8192 : i32
    %add3A_300 = arith.addi %add3A_299, %mul3A_2 : i32
    "tpu.region"() ({
      %run_scoped3A_820 = tpu.sem_alloc : memref<!tpu.dma_semaphore, #tpu.memory_space<semaphore_mem>>
      %dma_start3A_821 = arith.constant 0 : i32
      %dma_start3A_822 = tpu.memref_slice %arg5[%add3A_300, %dma_start3A_821] : memref<32768x128xf32, #tpu.memory_space<hbm>> -> memref<128x128xf32, #tpu.memory_space<hbm>>
      %dma_start3A_823 = arith.constant 0 : i32
      %dma_start3A_824 = tpu.memref_slice %arg5[%add3A_300, %dma_start3A_823] : memref<32768x128xf32, #tpu.memory_space<hbm>> -> memref<128x128xf32, #tpu.memory_space<hbm>>
      tpu.enqueue_dma source(%arg9 : memref<128x128xf32, #tpu.memory_space<vmem>>) target(%dma_start3A_824 : memref<128x128xf32, #tpu.memory_space<hbm>>) target_semaphore(%run_scoped3A_820 : memref<!tpu.dma_semaphore, #tpu.memory_space<semaphore_mem>>)
      %dma_wait3A_825 = arith.constant 0 : i32
      %dma_wait3A_826 = tpu.memref_slice %arg5[%add3A_300, %dma_wait3A_825] : memref<32768x128xf32, #tpu.memory_space<hbm>> -> memref<128x128xf32, #tpu.memory_space<hbm>>
      %dma_wait3A_827 = arith.constant 0 : i32
      %dma_wait3A_828 = tpu.memref_slice %arg5[%add3A_300, %dma_wait3A_827] : memref<32768x128xf32, #tpu.memory_space<hbm>> -> memref<128x128xf32, #tpu.memory_space<hbm>>
      tpu.wait_dma2 semaphore(%run_scoped3A_820 : memref<!tpu.dma_semaphore, #tpu.memory_space<semaphore_mem>>) src(%arg9 : memref<128x128xf32, #tpu.memory_space<vmem>>) dst(%dma_wait3A_828 : memref<128x128xf32, #tpu.memory_space<hbm>>)
      tpu.yield
    }) : () -> ()
    %dma_wait3A_301 = arith.constant 0 : i32
    %dma_wait3A_302 = arith.constant 0 : i32
    %dma_wait3A_303 = tpu.memref_slice %arg2[%dma_wait3A_301, %dma_wait3A_302] : memref<8192x16xi32, #tpu.memory_space<hbm>> -> memref<8192x16xi32, #tpu.memory_space<hbm>>
    tpu.wait_indirect_dma semaphore(%arg11 : memref<!tpu.dma_semaphore, #tpu.memory_space<semaphore_mem>>) src(%dma_wait3A_303 : memref<8192x16xi32, #tpu.memory_space<hbm>>) dst(%arg6 : memref<128x16xi32, #tpu.memory_space<vmem>>)
    %iota3A_304 = tpu.iota {dimensions = array<i32: 0>} : vector<16xi32>
    %add3A_305 = arith.constant 0 : i32
    %add3A_306 = vector.broadcast %add3A_305 : i32 to vector<16xi32>
    %add3A_307 = arith.addi %iota3A_304, %add3A_306 : vector<16xi32>
    %get3A_308 = arith.constant 256 : index
    %get3A_309 = tpu.vector_load %arg8[%get3A_308] {strides = array<i32>} : memref<384xi32, #tpu.memory_space<vmem>>, vector<16xi32>,
    %gather3A_310 = tpu.vector_load_idx %arg6[%add3A_307, %get3A_309] : memref<128x16xi32, #tpu.memory_space<vmem>>[vector<16xi32>, vector<16xi32>], vector<16xi32>,
    %add3A_311 = arith.constant 0 : i32
    %add3A_312 = vector.broadcast %add3A_311 : i32 to vector<16xi32>
    %add3A_313 = arith.addi %gather3A_310, %add3A_312 : vector<16xi32>
    %swap3A_314 = arith.constant 0 : index
    %swap3A_315 = tpu.vector_load %arg7[%swap3A_314] {strides = array<i32>} : memref<128xi32, #tpu.memory_space<vmem>>, vector<16xi32>,
    tpu.vector_store %arg7[%swap3A_314], %add3A_313 {strides = array<i32>} : memref<128xi32, #tpu.memory_space<vmem>>, vector<16xi32>,
    %iota3A_316 = tpu.iota {dimensions = array<i32: 0>} : vector<16xi32>
    %add3A_317 = arith.constant 16 : i32
    %add3A_318 = vector.broadcast %add3A_317 : i32 to vector<16xi32>
    %add3A_319 = arith.addi %iota3A_316, %add3A_318 : vector<16xi32>
    %get3A_320 = arith.constant 272 : index
    %get3A_321 = tpu.vector_load %arg8[%get3A_320] {strides = array<i32>} : memref<384xi32, #tpu.memory_space<vmem>>, vector<16xi32>,
    %gather3A_322 = tpu.vector_load_idx %arg6[%add3A_319, %get3A_321] : memref<128x16xi32, #tpu.memory_space<vmem>>[vector<16xi32>, vector<16xi32>], vector<16xi32>,
    %add3A_323 = arith.constant 0 : i32
    %add3A_324 = vector.broadcast %add3A_323 : i32 to vector<16xi32>
    %add3A_325 = arith.addi %gather3A_322, %add3A_324 : vector<16xi32>
    %swap3A_326 = arith.constant 16 : index
    %swap3A_327 = tpu.vector_load %arg7[%swap3A_326] {strides = array<i32>} : memref<128xi32, #tpu.memory_space<vmem>>, vector<16xi32>,
    tpu.vector_store %arg7[%swap3A_326], %add3A_325 {strides = array<i32>} : memref<128xi32, #tpu.memory_space<vmem>>, vector<16xi32>,
    %iota3A_328 = tpu.iota {dimensions = array<i32: 0>} : vector<16xi32>
    %add3A_329 = arith.constant 32 : i32
    %add3A_330 = vector.broadcast %add3A_329 : i32 to vector<16xi32>
    %add3A_331 = arith.addi %iota3A_328, %add3A_330 : vector<16xi32>
    %get3A_332 = arith.constant 288 : index
    %get3A_333 = tpu.vector_load %arg8[%get3A_332] {strides = array<i32>} : memref<384xi32, #tpu.memory_space<vmem>>, vector<16xi32>,
    %gather3A_334 = tpu.vector_load_idx %arg6[%add3A_331, %get3A_333] : memref<128x16xi32, #tpu.memory_space<vmem>>[vector<16xi32>, vector<16xi32>], vector<16xi32>,
    %add3A_335 = arith.constant 0 : i32
    %add3A_336 = vector.broadcast %add3A_335 : i32 to vector<16xi32>
    %add3A_337 = arith.addi %gather3A_334, %add3A_336 : vector<16xi32>
    %swap3A_338 = arith.constant 32 : index
    %swap3A_339 = tpu.vector_load %arg7[%swap3A_338] {strides = array<i32>} : memref<128xi32, #tpu.memory_space<vmem>>, vector<16xi32>,
    tpu.vector_store %arg7[%swap3A_338], %add3A_337 {strides = array<i32>} : memref<128xi32, #tpu.memory_space<vmem>>, vector<16xi32>,
    %iota3A_340 = tpu.iota {dimensions = array<i32: 0>} : vector<16xi32>
    %add3A_341 = arith.constant 48 : i32
    %add3A_342 = vector.broadcast %add3A_341 : i32 to vector<16xi32>
    %add3A_343 = arith.addi %iota3A_340, %add3A_342 : vector<16xi32>
    %get3A_344 = arith.constant 304 : index
    %get3A_345 = tpu.vector_load %arg8[%get3A_344] {strides = array<i32>} : memref<384xi32, #tpu.memory_space<vmem>>, vector<16xi32>,
    %gather3A_346 = tpu.vector_load_idx %arg6[%add3A_343, %get3A_345] : memref<128x16xi32, #tpu.memory_space<vmem>>[vector<16xi32>, vector<16xi32>], vector<16xi32>,
    %add3A_347 = arith.constant 0 : i32
    %add3A_348 = vector.broadcast %add3A_347 : i32 to vector<16xi32>
    %add3A_349 = arith.addi %gather3A_346, %add3A_348 : vector<16xi32>
    %swap3A_350 = arith.constant 48 : index
    %swap3A_351 = tpu.vector_load %arg7[%swap3A_350] {strides = array<i32>} : memref<128xi32, #tpu.memory_space<vmem>>, vector<16xi32>,
    tpu.vector_store %arg7[%swap3A_350], %add3A_349 {strides = array<i32>} : memref<128xi32, #tpu.memory_space<vmem>>, vector<16xi32>,
    %iota3A_352 = tpu.iota {dimensions = array<i32: 0>} : vector<16xi32>
    %add3A_353 = arith.constant 64 : i32
    %add3A_354 = vector.broadcast %add3A_353 : i32 to vector<16xi32>
    %add3A_355 = arith.addi %iota3A_352, %add3A_354 : vector<16xi32>
    %get3A_356 = arith.constant 320 : index
    %get3A_357 = tpu.vector_load %arg8[%get3A_356] {strides = array<i32>} : memref<384xi32, #tpu.memory_space<vmem>>, vector<16xi32>,
    %gather3A_358 = tpu.vector_load_idx %arg6[%add3A_355, %get3A_357] : memref<128x16xi32, #tpu.memory_space<vmem>>[vector<16xi32>, vector<16xi32>], vector<16xi32>,
    %add3A_359 = arith.constant 0 : i32
    %add3A_360 = vector.broadcast %add3A_359 : i32 to vector<16xi32>
    %add3A_361 = arith.addi %gather3A_358, %add3A_360 : vector<16xi32>
    %swap3A_362 = arith.constant 64 : index
    %swap3A_363 = tpu.vector_load %arg7[%swap3A_362] {strides = array<i32>} : memref<128xi32, #tpu.memory_space<vmem>>, vector<16xi32>,
    tpu.vector_store %arg7[%swap3A_362], %add3A_361 {strides = array<i32>} : memref<128xi32, #tpu.memory_space<vmem>>, vector<16xi32>,
    %iota3A_364 = tpu.iota {dimensions = array<i32: 0>} : vector<16xi32>
    %add3A_365 = arith.constant 80 : i32
    %add3A_366 = vector.broadcast %add3A_365 : i32 to vector<16xi32>
    %add3A_367 = arith.addi %iota3A_364, %add3A_366 : vector<16xi32>
    %get3A_368 = arith.constant 336 : index
    %get3A_369 = tpu.vector_load %arg8[%get3A_368] {strides = array<i32>} : memref<384xi32, #tpu.memory_space<vmem>>, vector<16xi32>,
    %gather3A_370 = tpu.vector_load_idx %arg6[%add3A_367, %get3A_369] : memref<128x16xi32, #tpu.memory_space<vmem>>[vector<16xi32>, vector<16xi32>], vector<16xi32>,
    %add3A_371 = arith.constant 0 : i32
    %add3A_372 = vector.broadcast %add3A_371 : i32 to vector<16xi32>
    %add3A_373 = arith.addi %gather3A_370, %add3A_372 : vector<16xi32>
    %swap3A_374 = arith.constant 80 : index
    %swap3A_375 = tpu.vector_load %arg7[%swap3A_374] {strides = array<i32>} : memref<128xi32, #tpu.memory_space<vmem>>, vector<16xi32>,
    tpu.vector_store %arg7[%swap3A_374], %add3A_373 {strides = array<i32>} : memref<128xi32, #tpu.memory_space<vmem>>, vector<16xi32>,
    %iota3A_376 = tpu.iota {dimensions = array<i32: 0>} : vector<16xi32>
    %add3A_377 = arith.constant 96 : i32
    %add3A_378 = vector.broadcast %add3A_377 : i32 to vector<16xi32>
    %add3A_379 = arith.addi %iota3A_376, %add3A_378 : vector<16xi32>
    %get3A_380 = arith.constant 352 : index
    %get3A_381 = tpu.vector_load %arg8[%get3A_380] {strides = array<i32>} : memref<384xi32, #tpu.memory_space<vmem>>, vector<16xi32>,
    %gather3A_382 = tpu.vector_load_idx %arg6[%add3A_379, %get3A_381] : memref<128x16xi32, #tpu.memory_space<vmem>>[vector<16xi32>, vector<16xi32>], vector<16xi32>,
    %add3A_383 = arith.constant 0 : i32
    %add3A_384 = vector.broadcast %add3A_383 : i32 to vector<16xi32>
    %add3A_385 = arith.addi %gather3A_382, %add3A_384 : vector<16xi32>
    %swap3A_386 = arith.constant 96 : index
    %swap3A_387 = tpu.vector_load %arg7[%swap3A_386] {strides = array<i32>} : memref<128xi32, #tpu.memory_space<vmem>>, vector<16xi32>,
    tpu.vector_store %arg7[%swap3A_386], %add3A_385 {strides = array<i32>} : memref<128xi32, #tpu.memory_space<vmem>>, vector<16xi32>,
    %iota3A_388 = tpu.iota {dimensions = array<i32: 0>} : vector<16xi32>
    %add3A_389 = arith.constant 112 : i32
    %add3A_390 = vector.broadcast %add3A_389 : i32 to vector<16xi32>
    %add3A_391 = arith.addi %iota3A_388, %add3A_390 : vector<16xi32>
    %get3A_392 = arith.constant 368 : index
    %get3A_393 = tpu.vector_load %arg8[%get3A_392] {strides = array<i32>} : memref<384xi32, #tpu.memory_space<vmem>>, vector<16xi32>,
    %gather3A_394 = tpu.vector_load_idx %arg6[%add3A_391, %get3A_393] : memref<128x16xi32, #tpu.memory_space<vmem>>[vector<16xi32>, vector<16xi32>], vector<16xi32>,
    %add3A_395 = arith.constant 0 : i32
    %add3A_396 = vector.broadcast %add3A_395 : i32 to vector<16xi32>
    %add3A_397 = arith.addi %gather3A_394, %add3A_396 : vector<16xi32>
    %swap3A_398 = arith.constant 112 : index
    %swap3A_399 = tpu.vector_load %arg7[%swap3A_398] {strides = array<i32>} : memref<128xi32, #tpu.memory_space<vmem>>, vector<16xi32>,
    tpu.vector_store %arg7[%swap3A_398], %add3A_397 {strides = array<i32>} : memref<128xi32, #tpu.memory_space<vmem>>, vector<16xi32>,
    %dma_start3A_400 = arith.constant 0 : i32
    %dma_start3A_401 = arith.constant 0 : i32
    %dma_start3A_402 = tpu.memref_slice %arg4[%dma_start3A_400, %dma_start3A_401] : memref<8192x128xf32, #tpu.memory_space<hbm>> -> memref<8192x128xf32, #tpu.memory_space<hbm>>
    tpu.enqueue_indirect_dma source(%dma_start3A_402 : memref<8192x128xf32, #tpu.memory_space<hbm>>) target(%arg9 : memref<128x128xf32, #tpu.memory_space<vmem>>) offsets(%arg7 : memref<128xi32, #tpu.memory_space<vmem>>) semaphore(%arg10 : memref<!tpu.dma_semaphore, #tpu.memory_space<semaphore_mem>>)
    %dma_wait3A_403 = arith.constant 0 : i32
    %dma_wait3A_404 = arith.constant 0 : i32
    %dma_wait3A_405 = tpu.memref_slice %arg4[%dma_wait3A_403, %dma_wait3A_404] : memref<8192x128xf32, #tpu.memory_space<hbm>> -> memref<8192x128xf32, #tpu.memory_space<hbm>>
    tpu.wait_indirect_dma semaphore(%arg10 : memref<!tpu.dma_semaphore, #tpu.memory_space<semaphore_mem>>) src(%dma_wait3A_405 : memref<8192x128xf32, #tpu.memory_space<hbm>>) dst(%arg9 : memref<128x128xf32, #tpu.memory_space<vmem>>)
    %add3A_406 = arith.constant 12288 : i32
    %add3A_407 = arith.addi %add3A_406, %mul3A_2 : i32
    "tpu.region"() ({
      %run_scoped3A_820 = tpu.sem_alloc : memref<!tpu.dma_semaphore, #tpu.memory_space<semaphore_mem>>
      %dma_start3A_821 = arith.constant 0 : i32
      %dma_start3A_822 = tpu.memref_slice %arg5[%add3A_407, %dma_start3A_821] : memref<32768x128xf32, #tpu.memory_space<hbm>> -> memref<128x128xf32, #tpu.memory_space<hbm>>
      %dma_start3A_823 = arith.constant 0 : i32
      %dma_start3A_824 = tpu.memref_slice %arg5[%add3A_407, %dma_start3A_823] : memref<32768x128xf32, #tpu.memory_space<hbm>> -> memref<128x128xf32, #tpu.memory_space<hbm>>
      tpu.enqueue_dma source(%arg9 : memref<128x128xf32, #tpu.memory_space<vmem>>) target(%dma_start3A_824 : memref<128x128xf32, #tpu.memory_space<hbm>>) target_semaphore(%run_scoped3A_820 : memref<!tpu.dma_semaphore, #tpu.memory_space<semaphore_mem>>)
      %dma_wait3A_825 = arith.constant 0 : i32
      %dma_wait3A_826 = tpu.memref_slice %arg5[%add3A_407, %dma_wait3A_825] : memref<32768x128xf32, #tpu.memory_space<hbm>> -> memref<128x128xf32, #tpu.memory_space<hbm>>
      %dma_wait3A_827 = arith.constant 0 : i32
      %dma_wait3A_828 = tpu.memref_slice %arg5[%add3A_407, %dma_wait3A_827] : memref<32768x128xf32, #tpu.memory_space<hbm>> -> memref<128x128xf32, #tpu.memory_space<hbm>>
      tpu.wait_dma2 semaphore(%run_scoped3A_820 : memref<!tpu.dma_semaphore, #tpu.memory_space<semaphore_mem>>) src(%arg9 : memref<128x128xf32, #tpu.memory_space<vmem>>) dst(%dma_wait3A_828 : memref<128x128xf32, #tpu.memory_space<hbm>>)
      tpu.yield
    }) : () -> ()
    %run_scoped3A_408 = arith.constant 0 : i32
    %run_scoped3A_409 = arith.constant 1 : i32
    "tpu.region"() ({
      %run_scoped3A_820 = tpu.sem_alloc : memref<!tpu.dma_semaphore, #tpu.memory_space<semaphore_mem>>
      %dma_start3A_821 = arith.constant 0 : i32
      %dma_start3A_822 = tpu.memref_slice %arg8[%dma_start3A_821] : memref<384xi32, #tpu.memory_space<vmem>> -> memref<128xi32, #tpu.memory_space<vmem>>
      %dma_start3A_823 = tpu.memref_slice %arg3[%run_scoped3A_408, %run_scoped3A_409, %mul3A_2] : memref<3x2x4096xi32, #tpu.memory_space<hbm>> -> memref<1x1x128xi32, #tpu.memory_space<hbm>>
      %dma_start3A_824 = tpu.memref_squeeze %dma_start3A_823 : memref<1x1x128xi32, #tpu.memory_space<hbm>> -> memref<128xi32, #tpu.memory_space<hbm>>
      %dma_start3A_825 = arith.constant 0 : i32
      %dma_start3A_826 = tpu.memref_slice %arg8[%dma_start3A_825] : memref<384xi32, #tpu.memory_space<vmem>> -> memref<128xi32, #tpu.memory_space<vmem>>
      %dma_start3A_827 = tpu.memref_slice %arg3[%run_scoped3A_408, %run_scoped3A_409, %mul3A_2] : memref<3x2x4096xi32, #tpu.memory_space<hbm>> -> memref<1x1x128xi32, #tpu.memory_space<hbm>>
      %dma_start3A_828 = tpu.memref_squeeze %dma_start3A_827 : memref<1x1x128xi32, #tpu.memory_space<hbm>> -> memref<128xi32, #tpu.memory_space<hbm>>
      tpu.enqueue_dma source(%dma_start3A_828 : memref<128xi32, #tpu.memory_space<hbm>>) target(%dma_start3A_826 : memref<128xi32, #tpu.memory_space<vmem>>) target_semaphore(%run_scoped3A_820 : memref<!tpu.dma_semaphore, #tpu.memory_space<semaphore_mem>>)
      %dma_wait3A_829 = arith.constant 0 : i32
      %dma_wait3A_830 = tpu.memref_slice %arg8[%dma_wait3A_829] : memref<384xi32, #tpu.memory_space<vmem>> -> memref<128xi32, #tpu.memory_space<vmem>>
      %dma_wait3A_831 = tpu.memref_slice %arg3[%run_scoped3A_408, %run_scoped3A_409, %mul3A_2] : memref<3x2x4096xi32, #tpu.memory_space<hbm>> -> memref<1x1x128xi32, #tpu.memory_space<hbm>>
      %dma_wait3A_832 = tpu.memref_squeeze %dma_wait3A_831 : memref<1x1x128xi32, #tpu.memory_space<hbm>> -> memref<128xi32, #tpu.memory_space<hbm>>
      %dma_wait3A_833 = arith.constant 0 : i32
      %dma_wait3A_834 = tpu.memref_slice %arg8[%dma_wait3A_833] : memref<384xi32, #tpu.memory_space<vmem>> -> memref<128xi32, #tpu.memory_space<vmem>>
      %dma_wait3A_835 = tpu.memref_slice %arg3[%run_scoped3A_408, %run_scoped3A_409, %mul3A_2] : memref<3x2x4096xi32, #tpu.memory_space<hbm>> -> memref<1x1x128xi32, #tpu.memory_space<hbm>>
      %dma_wait3A_836 = tpu.memref_squeeze %dma_wait3A_835 : memref<1x1x128xi32, #tpu.memory_space<hbm>> -> memref<128xi32, #tpu.memory_space<hbm>>
      tpu.wait_dma2 semaphore(%run_scoped3A_820 : memref<!tpu.dma_semaphore, #tpu.memory_space<semaphore_mem>>) src(%dma_wait3A_836 : memref<128xi32, #tpu.memory_space<hbm>>) dst(%dma_wait3A_834 : memref<128xi32, #tpu.memory_space<vmem>>)
      tpu.yield
    }) : () -> ()
    %run_scoped3A_410 = arith.constant 1 : i32
    %run_scoped3A_411 = arith.constant 1 : i32
    "tpu.region"() ({
      %run_scoped3A_820 = tpu.sem_alloc : memref<!tpu.dma_semaphore, #tpu.memory_space<semaphore_mem>>
      %dma_start3A_821 = arith.constant 128 : i32
      %dma_start3A_822 = tpu.memref_slice %arg8[%dma_start3A_821] : memref<384xi32, #tpu.memory_space<vmem>> -> memref<128xi32, #tpu.memory_space<vmem>>
      %dma_start3A_823 = tpu.memref_slice %arg3[%run_scoped3A_410, %run_scoped3A_411, %mul3A_2] : memref<3x2x4096xi32, #tpu.memory_space<hbm>> -> memref<1x1x128xi32, #tpu.memory_space<hbm>>
      %dma_start3A_824 = tpu.memref_squeeze %dma_start3A_823 : memref<1x1x128xi32, #tpu.memory_space<hbm>> -> memref<128xi32, #tpu.memory_space<hbm>>
      %dma_start3A_825 = arith.constant 128 : i32
      %dma_start3A_826 = tpu.memref_slice %arg8[%dma_start3A_825] : memref<384xi32, #tpu.memory_space<vmem>> -> memref<128xi32, #tpu.memory_space<vmem>>
      %dma_start3A_827 = tpu.memref_slice %arg3[%run_scoped3A_410, %run_scoped3A_411, %mul3A_2] : memref<3x2x4096xi32, #tpu.memory_space<hbm>> -> memref<1x1x128xi32, #tpu.memory_space<hbm>>
      %dma_start3A_828 = tpu.memref_squeeze %dma_start3A_827 : memref<1x1x128xi32, #tpu.memory_space<hbm>> -> memref<128xi32, #tpu.memory_space<hbm>>
      tpu.enqueue_dma source(%dma_start3A_828 : memref<128xi32, #tpu.memory_space<hbm>>) target(%dma_start3A_826 : memref<128xi32, #tpu.memory_space<vmem>>) target_semaphore(%run_scoped3A_820 : memref<!tpu.dma_semaphore, #tpu.memory_space<semaphore_mem>>)
      %dma_wait3A_829 = arith.constant 128 : i32
      %dma_wait3A_830 = tpu.memref_slice %arg8[%dma_wait3A_829] : memref<384xi32, #tpu.memory_space<vmem>> -> memref<128xi32, #tpu.memory_space<vmem>>
      %dma_wait3A_831 = tpu.memref_slice %arg3[%run_scoped3A_410, %run_scoped3A_411, %mul3A_2] : memref<3x2x4096xi32, #tpu.memory_space<hbm>> -> memref<1x1x128xi32, #tpu.memory_space<hbm>>
      %dma_wait3A_832 = tpu.memref_squeeze %dma_wait3A_831 : memref<1x1x128xi32, #tpu.memory_space<hbm>> -> memref<128xi32, #tpu.memory_space<hbm>>
      %dma_wait3A_833 = arith.constant 128 : i32
      %dma_wait3A_834 = tpu.memref_slice %arg8[%dma_wait3A_833] : memref<384xi32, #tpu.memory_space<vmem>> -> memref<128xi32, #tpu.memory_space<vmem>>
      %dma_wait3A_835 = tpu.memref_slice %arg3[%run_scoped3A_410, %run_scoped3A_411, %mul3A_2] : memref<3x2x4096xi32, #tpu.memory_space<hbm>> -> memref<1x1x128xi32, #tpu.memory_space<hbm>>
      %dma_wait3A_836 = tpu.memref_squeeze %dma_wait3A_835 : memref<1x1x128xi32, #tpu.memory_space<hbm>> -> memref<128xi32, #tpu.memory_space<hbm>>
      tpu.wait_dma2 semaphore(%run_scoped3A_820 : memref<!tpu.dma_semaphore, #tpu.memory_space<semaphore_mem>>) src(%dma_wait3A_836 : memref<128xi32, #tpu.memory_space<hbm>>) dst(%dma_wait3A_834 : memref<128xi32, #tpu.memory_space<vmem>>)
      tpu.yield
    }) : () -> ()
    %run_scoped3A_412 = arith.constant 2 : i32
    %run_scoped3A_413 = arith.constant 1 : i32
    "tpu.region"() ({
      %run_scoped3A_820 = tpu.sem_alloc : memref<!tpu.dma_semaphore, #tpu.memory_space<semaphore_mem>>
      %dma_start3A_821 = arith.constant 256 : i32
      %dma_start3A_822 = tpu.memref_slice %arg8[%dma_start3A_821] : memref<384xi32, #tpu.memory_space<vmem>> -> memref<128xi32, #tpu.memory_space<vmem>>
      %dma_start3A_823 = tpu.memref_slice %arg3[%run_scoped3A_412, %run_scoped3A_413, %mul3A_2] : memref<3x2x4096xi32, #tpu.memory_space<hbm>> -> memref<1x1x128xi32, #tpu.memory_space<hbm>>
      %dma_start3A_824 = tpu.memref_squeeze %dma_start3A_823 : memref<1x1x128xi32, #tpu.memory_space<hbm>> -> memref<128xi32, #tpu.memory_space<hbm>>
      %dma_start3A_825 = arith.constant 256 : i32
      %dma_start3A_826 = tpu.memref_slice %arg8[%dma_start3A_825] : memref<384xi32, #tpu.memory_space<vmem>> -> memref<128xi32, #tpu.memory_space<vmem>>
      %dma_start3A_827 = tpu.memref_slice %arg3[%run_scoped3A_412, %run_scoped3A_413, %mul3A_2] : memref<3x2x4096xi32, #tpu.memory_space<hbm>> -> memref<1x1x128xi32, #tpu.memory_space<hbm>>
      %dma_start3A_828 = tpu.memref_squeeze %dma_start3A_827 : memref<1x1x128xi32, #tpu.memory_space<hbm>> -> memref<128xi32, #tpu.memory_space<hbm>>
      tpu.enqueue_dma source(%dma_start3A_828 : memref<128xi32, #tpu.memory_space<hbm>>) target(%dma_start3A_826 : memref<128xi32, #tpu.memory_space<vmem>>) target_semaphore(%run_scoped3A_820 : memref<!tpu.dma_semaphore, #tpu.memory_space<semaphore_mem>>)
      %dma_wait3A_829 = arith.constant 256 : i32
      %dma_wait3A_830 = tpu.memref_slice %arg8[%dma_wait3A_829] : memref<384xi32, #tpu.memory_space<vmem>> -> memref<128xi32, #tpu.memory_space<vmem>>
      %dma_wait3A_831 = tpu.memref_slice %arg3[%run_scoped3A_412, %run_scoped3A_413, %mul3A_2] : memref<3x2x4096xi32, #tpu.memory_space<hbm>> -> memref<1x1x128xi32, #tpu.memory_space<hbm>>
      %dma_wait3A_832 = tpu.memref_squeeze %dma_wait3A_831 : memref<1x1x128xi32, #tpu.memory_space<hbm>> -> memref<128xi32, #tpu.memory_space<hbm>>
      %dma_wait3A_833 = arith.constant 256 : i32
      %dma_wait3A_834 = tpu.memref_slice %arg8[%dma_wait3A_833] : memref<384xi32, #tpu.memory_space<vmem>> -> memref<128xi32, #tpu.memory_space<vmem>>
      %dma_wait3A_835 = tpu.memref_slice %arg3[%run_scoped3A_412, %run_scoped3A_413, %mul3A_2] : memref<3x2x4096xi32, #tpu.memory_space<hbm>> -> memref<1x1x128xi32, #tpu.memory_space<hbm>>
      %dma_wait3A_836 = tpu.memref_squeeze %dma_wait3A_835 : memref<1x1x128xi32, #tpu.memory_space<hbm>> -> memref<128xi32, #tpu.memory_space<hbm>>
      tpu.wait_dma2 semaphore(%run_scoped3A_820 : memref<!tpu.dma_semaphore, #tpu.memory_space<semaphore_mem>>) src(%dma_wait3A_836 : memref<128xi32, #tpu.memory_space<hbm>>) dst(%dma_wait3A_834 : memref<128xi32, #tpu.memory_space<vmem>>)
      tpu.yield
    }) : () -> ()
    %iota3A_414 = tpu.iota {dimensions = array<i32: 0>} : vector<16xi32>
    %add3A_415 = arith.constant 4096 : i32
    %add3A_416 = arith.addi %add3A_415, %mul3A_2 : i32
    %add3A_417 = arith.constant 0 : i32
    %add3A_418 = arith.addi %add3A_416, %add3A_417 : i32
    %add3A_419 = vector.broadcast %add3A_418 : i32 to vector<16xi32>
    %add3A_420 = arith.addi %iota3A_414, %add3A_419 : vector<16xi32>
    %swap3A_421 = arith.constant 0 : index
    %swap3A_422 = tpu.vector_load %arg7[%swap3A_421] {strides = array<i32>} : memref<128xi32, #tpu.memory_space<vmem>>, vector<16xi32>,
    tpu.vector_store %arg7[%swap3A_421], %add3A_420 {strides = array<i32>} : memref<128xi32, #tpu.memory_space<vmem>>, vector<16xi32>,
    %iota3A_423 = tpu.iota {dimensions = array<i32: 0>} : vector<16xi32>
    %add3A_424 = arith.constant 4096 : i32
    %add3A_425 = arith.addi %add3A_424, %mul3A_2 : i32
    %add3A_426 = arith.constant 16 : i32
    %add3A_427 = arith.addi %add3A_425, %add3A_426 : i32
    %add3A_428 = vector.broadcast %add3A_427 : i32 to vector<16xi32>
    %add3A_429 = arith.addi %iota3A_423, %add3A_428 : vector<16xi32>
    %swap3A_430 = arith.constant 16 : index
    %swap3A_431 = tpu.vector_load %arg7[%swap3A_430] {strides = array<i32>} : memref<128xi32, #tpu.memory_space<vmem>>, vector<16xi32>,
    tpu.vector_store %arg7[%swap3A_430], %add3A_429 {strides = array<i32>} : memref<128xi32, #tpu.memory_space<vmem>>, vector<16xi32>,
    %iota3A_432 = tpu.iota {dimensions = array<i32: 0>} : vector<16xi32>
    %add3A_433 = arith.constant 4096 : i32
    %add3A_434 = arith.addi %add3A_433, %mul3A_2 : i32
    %add3A_435 = arith.constant 32 : i32
    %add3A_436 = arith.addi %add3A_434, %add3A_435 : i32
    %add3A_437 = vector.broadcast %add3A_436 : i32 to vector<16xi32>
    %add3A_438 = arith.addi %iota3A_432, %add3A_437 : vector<16xi32>
    %swap3A_439 = arith.constant 32 : index
    %swap3A_440 = tpu.vector_load %arg7[%swap3A_439] {strides = array<i32>} : memref<128xi32, #tpu.memory_space<vmem>>, vector<16xi32>,
    tpu.vector_store %arg7[%swap3A_439], %add3A_438 {strides = array<i32>} : memref<128xi32, #tpu.memory_space<vmem>>, vector<16xi32>,
    %iota3A_441 = tpu.iota {dimensions = array<i32: 0>} : vector<16xi32>
    %add3A_442 = arith.constant 4096 : i32
    %add3A_443 = arith.addi %add3A_442, %mul3A_2 : i32
    %add3A_444 = arith.constant 48 : i32
    %add3A_445 = arith.addi %add3A_443, %add3A_444 : i32
    %add3A_446 = vector.broadcast %add3A_445 : i32 to vector<16xi32>
    %add3A_447 = arith.addi %iota3A_441, %add3A_446 : vector<16xi32>
    %swap3A_448 = arith.constant 48 : index
    %swap3A_449 = tpu.vector_load %arg7[%swap3A_448] {strides = array<i32>} : memref<128xi32, #tpu.memory_space<vmem>>, vector<16xi32>,
    tpu.vector_store %arg7[%swap3A_448], %add3A_447 {strides = array<i32>} : memref<128xi32, #tpu.memory_space<vmem>>, vector<16xi32>,
    %iota3A_450 = tpu.iota {dimensions = array<i32: 0>} : vector<16xi32>
    %add3A_451 = arith.constant 4096 : i32
    %add3A_452 = arith.addi %add3A_451, %mul3A_2 : i32
    %add3A_453 = arith.constant 64 : i32
    %add3A_454 = arith.addi %add3A_452, %add3A_453 : i32
    %add3A_455 = vector.broadcast %add3A_454 : i32 to vector<16xi32>
    %add3A_456 = arith.addi %iota3A_450, %add3A_455 : vector<16xi32>
    %swap3A_457 = arith.constant 64 : index
    %swap3A_458 = tpu.vector_load %arg7[%swap3A_457] {strides = array<i32>} : memref<128xi32, #tpu.memory_space<vmem>>, vector<16xi32>,
    tpu.vector_store %arg7[%swap3A_457], %add3A_456 {strides = array<i32>} : memref<128xi32, #tpu.memory_space<vmem>>, vector<16xi32>,
    %iota3A_459 = tpu.iota {dimensions = array<i32: 0>} : vector<16xi32>
    %add3A_460 = arith.constant 4096 : i32
    %add3A_461 = arith.addi %add3A_460, %mul3A_2 : i32
    %add3A_462 = arith.constant 80 : i32
    %add3A_463 = arith.addi %add3A_461, %add3A_462 : i32
    %add3A_464 = vector.broadcast %add3A_463 : i32 to vector<16xi32>
    %add3A_465 = arith.addi %iota3A_459, %add3A_464 : vector<16xi32>
    %swap3A_466 = arith.constant 80 : index
    %swap3A_467 = tpu.vector_load %arg7[%swap3A_466] {strides = array<i32>} : memref<128xi32, #tpu.memory_space<vmem>>, vector<16xi32>,
    tpu.vector_store %arg7[%swap3A_466], %add3A_465 {strides = array<i32>} : memref<128xi32, #tpu.memory_space<vmem>>, vector<16xi32>,
    %iota3A_468 = tpu.iota {dimensions = array<i32: 0>} : vector<16xi32>
    %add3A_469 = arith.constant 4096 : i32
    %add3A_470 = arith.addi %add3A_469, %mul3A_2 : i32
    %add3A_471 = arith.constant 96 : i32
    %add3A_472 = arith.addi %add3A_470, %add3A_471 : i32
    %add3A_473 = vector.broadcast %add3A_472 : i32 to vector<16xi32>
    %add3A_474 = arith.addi %iota3A_468, %add3A_473 : vector<16xi32>
    %swap3A_475 = arith.constant 96 : index
    %swap3A_476 = tpu.vector_load %arg7[%swap3A_475] {strides = array<i32>} : memref<128xi32, #tpu.memory_space<vmem>>, vector<16xi32>,
    tpu.vector_store %arg7[%swap3A_475], %add3A_474 {strides = array<i32>} : memref<128xi32, #tpu.memory_space<vmem>>, vector<16xi32>,
    %iota3A_477 = tpu.iota {dimensions = array<i32: 0>} : vector<16xi32>
    %add3A_478 = arith.constant 4096 : i32
    %add3A_479 = arith.addi %add3A_478, %mul3A_2 : i32
    %add3A_480 = arith.constant 112 : i32
    %add3A_481 = arith.addi %add3A_479, %add3A_480 : i32
    %add3A_482 = vector.broadcast %add3A_481 : i32 to vector<16xi32>
    %add3A_483 = arith.addi %iota3A_477, %add3A_482 : vector<16xi32>
    %swap3A_484 = arith.constant 112 : index
    %swap3A_485 = tpu.vector_load %arg7[%swap3A_484] {strides = array<i32>} : memref<128xi32, #tpu.memory_space<vmem>>, vector<16xi32>,
    tpu.vector_store %arg7[%swap3A_484], %add3A_483 {strides = array<i32>} : memref<128xi32, #tpu.memory_space<vmem>>, vector<16xi32>,
    %dma_start3A_486 = arith.constant 0 : i32
    %dma_start3A_487 = arith.constant 0 : i32
    %dma_start3A_488 = tpu.memref_slice %arg2[%dma_start3A_486, %dma_start3A_487] : memref<8192x16xi32, #tpu.memory_space<hbm>> -> memref<8192x16xi32, #tpu.memory_space<hbm>>
    tpu.enqueue_indirect_dma source(%dma_start3A_488 : memref<8192x16xi32, #tpu.memory_space<hbm>>) target(%arg6 : memref<128x16xi32, #tpu.memory_space<vmem>>) offsets(%arg7 : memref<128xi32, #tpu.memory_space<vmem>>) semaphore(%arg11 : memref<!tpu.dma_semaphore, #tpu.memory_space<semaphore_mem>>)
    %add3A_489 = arith.constant 4096 : i32
    %add3A_490 = arith.addi %add3A_489, %mul3A_2 : i32
    "tpu.region"() ({
      %run_scoped3A_820 = tpu.sem_alloc : memref<!tpu.dma_semaphore, #tpu.memory_space<semaphore_mem>>
      %dma_start3A_821 = arith.constant 0 : i32
      %dma_start3A_822 = tpu.memref_slice %arg4[%add3A_490, %dma_start3A_821] : memref<8192x128xf32, #tpu.memory_space<hbm>> -> memref<128x128xf32, #tpu.memory_space<hbm>>
      %dma_start3A_823 = arith.constant 0 : i32
      %dma_start3A_824 = tpu.memref_slice %arg4[%add3A_490, %dma_start3A_823] : memref<8192x128xf32, #tpu.memory_space<hbm>> -> memref<128x128xf32, #tpu.memory_space<hbm>>
      tpu.enqueue_dma source(%dma_start3A_824 : memref<128x128xf32, #tpu.memory_space<hbm>>) target(%arg9 : memref<128x128xf32, #tpu.memory_space<vmem>>) target_semaphore(%run_scoped3A_820 : memref<!tpu.dma_semaphore, #tpu.memory_space<semaphore_mem>>)
      %dma_wait3A_825 = arith.constant 0 : i32
      %dma_wait3A_826 = tpu.memref_slice %arg4[%add3A_490, %dma_wait3A_825] : memref<8192x128xf32, #tpu.memory_space<hbm>> -> memref<128x128xf32, #tpu.memory_space<hbm>>
      %dma_wait3A_827 = arith.constant 0 : i32
      %dma_wait3A_828 = tpu.memref_slice %arg4[%add3A_490, %dma_wait3A_827] : memref<8192x128xf32, #tpu.memory_space<hbm>> -> memref<128x128xf32, #tpu.memory_space<hbm>>
      tpu.wait_dma2 semaphore(%run_scoped3A_820 : memref<!tpu.dma_semaphore, #tpu.memory_space<semaphore_mem>>) src(%dma_wait3A_828 : memref<128x128xf32, #tpu.memory_space<hbm>>) dst(%arg9 : memref<128x128xf32, #tpu.memory_space<vmem>>)
      tpu.yield
    }) : () -> ()
    %add3A_491 = arith.constant 16384 : i32
    %add3A_492 = arith.addi %add3A_491, %mul3A_2 : i32
    "tpu.region"() ({
      %run_scoped3A_820 = tpu.sem_alloc : memref<!tpu.dma_semaphore, #tpu.memory_space<semaphore_mem>>
      %dma_start3A_821 = arith.constant 0 : i32
      %dma_start3A_822 = tpu.memref_slice %arg5[%add3A_492, %dma_start3A_821] : memref<32768x128xf32, #tpu.memory_space<hbm>> -> memref<128x128xf32, #tpu.memory_space<hbm>>
      %dma_start3A_823 = arith.constant 0 : i32
      %dma_start3A_824 = tpu.memref_slice %arg5[%add3A_492, %dma_start3A_823] : memref<32768x128xf32, #tpu.memory_space<hbm>> -> memref<128x128xf32, #tpu.memory_space<hbm>>
      tpu.enqueue_dma source(%arg9 : memref<128x128xf32, #tpu.memory_space<vmem>>) target(%dma_start3A_824 : memref<128x128xf32, #tpu.memory_space<hbm>>) target_semaphore(%run_scoped3A_820 : memref<!tpu.dma_semaphore, #tpu.memory_space<semaphore_mem>>)
      %dma_wait3A_825 = arith.constant 0 : i32
      %dma_wait3A_826 = tpu.memref_slice %arg5[%add3A_492, %dma_wait3A_825] : memref<32768x128xf32, #tpu.memory_space<hbm>> -> memref<128x128xf32, #tpu.memory_space<hbm>>
      %dma_wait3A_827 = arith.constant 0 : i32
      %dma_wait3A_828 = tpu.memref_slice %arg5[%add3A_492, %dma_wait3A_827] : memref<32768x128xf32, #tpu.memory_space<hbm>> -> memref<128x128xf32, #tpu.memory_space<hbm>>
      tpu.wait_dma2 semaphore(%run_scoped3A_820 : memref<!tpu.dma_semaphore, #tpu.memory_space<semaphore_mem>>) src(%arg9 : memref<128x128xf32, #tpu.memory_space<vmem>>) dst(%dma_wait3A_828 : memref<128x128xf32, #tpu.memory_space<hbm>>)
      tpu.yield
    }) : () -> ()
    %dma_wait3A_493 = arith.constant 0 : i32
    %dma_wait3A_494 = arith.constant 0 : i32
    %dma_wait3A_495 = tpu.memref_slice %arg2[%dma_wait3A_493, %dma_wait3A_494] : memref<8192x16xi32, #tpu.memory_space<hbm>> -> memref<8192x16xi32, #tpu.memory_space<hbm>>
    tpu.wait_indirect_dma semaphore(%arg11 : memref<!tpu.dma_semaphore, #tpu.memory_space<semaphore_mem>>) src(%dma_wait3A_495 : memref<8192x16xi32, #tpu.memory_space<hbm>>) dst(%arg6 : memref<128x16xi32, #tpu.memory_space<vmem>>)
    %iota3A_496 = tpu.iota {dimensions = array<i32: 0>} : vector<16xi32>
    %add3A_497 = arith.constant 0 : i32
    %add3A_498 = vector.broadcast %add3A_497 : i32 to vector<16xi32>
    %add3A_499 = arith.addi %iota3A_496, %add3A_498 : vector<16xi32>
    %get3A_500 = arith.constant 0 : index
    %get3A_501 = tpu.vector_load %arg8[%get3A_500] {strides = array<i32>} : memref<384xi32, #tpu.memory_space<vmem>>, vector<16xi32>,
    %gather3A_502 = tpu.vector_load_idx %arg6[%add3A_499, %get3A_501] : memref<128x16xi32, #tpu.memory_space<vmem>>[vector<16xi32>, vector<16xi32>], vector<16xi32>,
    %add3A_503 = arith.constant 4096 : i32
    %add3A_504 = vector.broadcast %add3A_503 : i32 to vector<16xi32>
    %add3A_505 = arith.addi %gather3A_502, %add3A_504 : vector<16xi32>
    %swap3A_506 = arith.constant 0 : index
    %swap3A_507 = tpu.vector_load %arg7[%swap3A_506] {strides = array<i32>} : memref<128xi32, #tpu.memory_space<vmem>>, vector<16xi32>,
    tpu.vector_store %arg7[%swap3A_506], %add3A_505 {strides = array<i32>} : memref<128xi32, #tpu.memory_space<vmem>>, vector<16xi32>,
    %iota3A_508 = tpu.iota {dimensions = array<i32: 0>} : vector<16xi32>
    %add3A_509 = arith.constant 16 : i32
    %add3A_510 = vector.broadcast %add3A_509 : i32 to vector<16xi32>
    %add3A_511 = arith.addi %iota3A_508, %add3A_510 : vector<16xi32>
    %get3A_512 = arith.constant 16 : index
    %get3A_513 = tpu.vector_load %arg8[%get3A_512] {strides = array<i32>} : memref<384xi32, #tpu.memory_space<vmem>>, vector<16xi32>,
    %gather3A_514 = tpu.vector_load_idx %arg6[%add3A_511, %get3A_513] : memref<128x16xi32, #tpu.memory_space<vmem>>[vector<16xi32>, vector<16xi32>], vector<16xi32>,
    %add3A_515 = arith.constant 4096 : i32
    %add3A_516 = vector.broadcast %add3A_515 : i32 to vector<16xi32>
    %add3A_517 = arith.addi %gather3A_514, %add3A_516 : vector<16xi32>
    %swap3A_518 = arith.constant 16 : index
    %swap3A_519 = tpu.vector_load %arg7[%swap3A_518] {strides = array<i32>} : memref<128xi32, #tpu.memory_space<vmem>>, vector<16xi32>,
    tpu.vector_store %arg7[%swap3A_518], %add3A_517 {strides = array<i32>} : memref<128xi32, #tpu.memory_space<vmem>>, vector<16xi32>,
    %iota3A_520 = tpu.iota {dimensions = array<i32: 0>} : vector<16xi32>
    %add3A_521 = arith.constant 32 : i32
    %add3A_522 = vector.broadcast %add3A_521 : i32 to vector<16xi32>
    %add3A_523 = arith.addi %iota3A_520, %add3A_522 : vector<16xi32>
    %get3A_524 = arith.constant 32 : index
    %get3A_525 = tpu.vector_load %arg8[%get3A_524] {strides = array<i32>} : memref<384xi32, #tpu.memory_space<vmem>>, vector<16xi32>,
    %gather3A_526 = tpu.vector_load_idx %arg6[%add3A_523, %get3A_525] : memref<128x16xi32, #tpu.memory_space<vmem>>[vector<16xi32>, vector<16xi32>], vector<16xi32>,
    %add3A_527 = arith.constant 4096 : i32
    %add3A_528 = vector.broadcast %add3A_527 : i32 to vector<16xi32>
    %add3A_529 = arith.addi %gather3A_526, %add3A_528 : vector<16xi32>
    %swap3A_530 = arith.constant 32 : index
    %swap3A_531 = tpu.vector_load %arg7[%swap3A_530] {strides = array<i32>} : memref<128xi32, #tpu.memory_space<vmem>>, vector<16xi32>,
    tpu.vector_store %arg7[%swap3A_530], %add3A_529 {strides = array<i32>} : memref<128xi32, #tpu.memory_space<vmem>>, vector<16xi32>,
    %iota3A_532 = tpu.iota {dimensions = array<i32: 0>} : vector<16xi32>
    %add3A_533 = arith.constant 48 : i32
    %add3A_534 = vector.broadcast %add3A_533 : i32 to vector<16xi32>
    %add3A_535 = arith.addi %iota3A_532, %add3A_534 : vector<16xi32>
    %get3A_536 = arith.constant 48 : index
    %get3A_537 = tpu.vector_load %arg8[%get3A_536] {strides = array<i32>} : memref<384xi32, #tpu.memory_space<vmem>>, vector<16xi32>,
    %gather3A_538 = tpu.vector_load_idx %arg6[%add3A_535, %get3A_537] : memref<128x16xi32, #tpu.memory_space<vmem>>[vector<16xi32>, vector<16xi32>], vector<16xi32>,
    %add3A_539 = arith.constant 4096 : i32
    %add3A_540 = vector.broadcast %add3A_539 : i32 to vector<16xi32>
    %add3A_541 = arith.addi %gather3A_538, %add3A_540 : vector<16xi32>
    %swap3A_542 = arith.constant 48 : index
    %swap3A_543 = tpu.vector_load %arg7[%swap3A_542] {strides = array<i32>} : memref<128xi32, #tpu.memory_space<vmem>>, vector<16xi32>,
    tpu.vector_store %arg7[%swap3A_542], %add3A_541 {strides = array<i32>} : memref<128xi32, #tpu.memory_space<vmem>>, vector<16xi32>,
    %iota3A_544 = tpu.iota {dimensions = array<i32: 0>} : vector<16xi32>
    %add3A_545 = arith.constant 64 : i32
    %add3A_546 = vector.broadcast %add3A_545 : i32 to vector<16xi32>
    %add3A_547 = arith.addi %iota3A_544, %add3A_546 : vector<16xi32>
    %get3A_548 = arith.constant 64 : index
    %get3A_549 = tpu.vector_load %arg8[%get3A_548] {strides = array<i32>} : memref<384xi32, #tpu.memory_space<vmem>>, vector<16xi32>,
    %gather3A_550 = tpu.vector_load_idx %arg6[%add3A_547, %get3A_549] : memref<128x16xi32, #tpu.memory_space<vmem>>[vector<16xi32>, vector<16xi32>], vector<16xi32>,
    %add3A_551 = arith.constant 4096 : i32
    %add3A_552 = vector.broadcast %add3A_551 : i32 to vector<16xi32>
    %add3A_553 = arith.addi %gather3A_550, %add3A_552 : vector<16xi32>
    %swap3A_554 = arith.constant 64 : index
    %swap3A_555 = tpu.vector_load %arg7[%swap3A_554] {strides = array<i32>} : memref<128xi32, #tpu.memory_space<vmem>>, vector<16xi32>,
    tpu.vector_store %arg7[%swap3A_554], %add3A_553 {strides = array<i32>} : memref<128xi32, #tpu.memory_space<vmem>>, vector<16xi32>,
    %iota3A_556 = tpu.iota {dimensions = array<i32: 0>} : vector<16xi32>
    %add3A_557 = arith.constant 80 : i32
    %add3A_558 = vector.broadcast %add3A_557 : i32 to vector<16xi32>
    %add3A_559 = arith.addi %iota3A_556, %add3A_558 : vector<16xi32>
    %get3A_560 = arith.constant 80 : index
    %get3A_561 = tpu.vector_load %arg8[%get3A_560] {strides = array<i32>} : memref<384xi32, #tpu.memory_space<vmem>>, vector<16xi32>,
    %gather3A_562 = tpu.vector_load_idx %arg6[%add3A_559, %get3A_561] : memref<128x16xi32, #tpu.memory_space<vmem>>[vector<16xi32>, vector<16xi32>], vector<16xi32>,
    %add3A_563 = arith.constant 4096 : i32
    %add3A_564 = vector.broadcast %add3A_563 : i32 to vector<16xi32>
    %add3A_565 = arith.addi %gather3A_562, %add3A_564 : vector<16xi32>
    %swap3A_566 = arith.constant 80 : index
    %swap3A_567 = tpu.vector_load %arg7[%swap3A_566] {strides = array<i32>} : memref<128xi32, #tpu.memory_space<vmem>>, vector<16xi32>,
    tpu.vector_store %arg7[%swap3A_566], %add3A_565 {strides = array<i32>} : memref<128xi32, #tpu.memory_space<vmem>>, vector<16xi32>,
    %iota3A_568 = tpu.iota {dimensions = array<i32: 0>} : vector<16xi32>
    %add3A_569 = arith.constant 96 : i32
    %add3A_570 = vector.broadcast %add3A_569 : i32 to vector<16xi32>
    %add3A_571 = arith.addi %iota3A_568, %add3A_570 : vector<16xi32>
    %get3A_572 = arith.constant 96 : index
    %get3A_573 = tpu.vector_load %arg8[%get3A_572] {strides = array<i32>} : memref<384xi32, #tpu.memory_space<vmem>>, vector<16xi32>,
    %gather3A_574 = tpu.vector_load_idx %arg6[%add3A_571, %get3A_573] : memref<128x16xi32, #tpu.memory_space<vmem>>[vector<16xi32>, vector<16xi32>], vector<16xi32>,
    %add3A_575 = arith.constant 4096 : i32
    %add3A_576 = vector.broadcast %add3A_575 : i32 to vector<16xi32>
    %add3A_577 = arith.addi %gather3A_574, %add3A_576 : vector<16xi32>
    %swap3A_578 = arith.constant 96 : index
    %swap3A_579 = tpu.vector_load %arg7[%swap3A_578] {strides = array<i32>} : memref<128xi32, #tpu.memory_space<vmem>>, vector<16xi32>,
    tpu.vector_store %arg7[%swap3A_578], %add3A_577 {strides = array<i32>} : memref<128xi32, #tpu.memory_space<vmem>>, vector<16xi32>,
    %iota3A_580 = tpu.iota {dimensions = array<i32: 0>} : vector<16xi32>
    %add3A_581 = arith.constant 112 : i32
    %add3A_582 = vector.broadcast %add3A_581 : i32 to vector<16xi32>
    %add3A_583 = arith.addi %iota3A_580, %add3A_582 : vector<16xi32>
    %get3A_584 = arith.constant 112 : index
    %get3A_585 = tpu.vector_load %arg8[%get3A_584] {strides = array<i32>} : memref<384xi32, #tpu.memory_space<vmem>>, vector<16xi32>,
    %gather3A_586 = tpu.vector_load_idx %arg6[%add3A_583, %get3A_585] : memref<128x16xi32, #tpu.memory_space<vmem>>[vector<16xi32>, vector<16xi32>], vector<16xi32>,
    %add3A_587 = arith.constant 4096 : i32
    %add3A_588 = vector.broadcast %add3A_587 : i32 to vector<16xi32>
    %add3A_589 = arith.addi %gather3A_586, %add3A_588 : vector<16xi32>
    %swap3A_590 = arith.constant 112 : index
    %swap3A_591 = tpu.vector_load %arg7[%swap3A_590] {strides = array<i32>} : memref<128xi32, #tpu.memory_space<vmem>>, vector<16xi32>,
    tpu.vector_store %arg7[%swap3A_590], %add3A_589 {strides = array<i32>} : memref<128xi32, #tpu.memory_space<vmem>>, vector<16xi32>,
    %dma_start3A_592 = arith.constant 0 : i32
    %dma_start3A_593 = arith.constant 0 : i32
    %dma_start3A_594 = tpu.memref_slice %arg4[%dma_start3A_592, %dma_start3A_593] : memref<8192x128xf32, #tpu.memory_space<hbm>> -> memref<8192x128xf32, #tpu.memory_space<hbm>>
    tpu.enqueue_indirect_dma source(%dma_start3A_594 : memref<8192x128xf32, #tpu.memory_space<hbm>>) target(%arg9 : memref<128x128xf32, #tpu.memory_space<vmem>>) offsets(%arg7 : memref<128xi32, #tpu.memory_space<vmem>>) semaphore(%arg10 : memref<!tpu.dma_semaphore, #tpu.memory_space<semaphore_mem>>)
    %dma_start3A_595 = arith.constant 0 : i32
    %dma_start3A_596 = arith.constant 0 : i32
    %dma_start3A_597 = tpu.memref_slice %arg2[%dma_start3A_595, %dma_start3A_596] : memref<8192x16xi32, #tpu.memory_space<hbm>> -> memref<8192x16xi32, #tpu.memory_space<hbm>>
    tpu.enqueue_indirect_dma source(%dma_start3A_597 : memref<8192x16xi32, #tpu.memory_space<hbm>>) target(%arg6 : memref<128x16xi32, #tpu.memory_space<vmem>>) offsets(%arg7 : memref<128xi32, #tpu.memory_space<vmem>>) semaphore(%arg11 : memref<!tpu.dma_semaphore, #tpu.memory_space<semaphore_mem>>)
    %dma_wait3A_598 = arith.constant 0 : i32
    %dma_wait3A_599 = arith.constant 0 : i32
    %dma_wait3A_600 = tpu.memref_slice %arg4[%dma_wait3A_598, %dma_wait3A_599] : memref<8192x128xf32, #tpu.memory_space<hbm>> -> memref<8192x128xf32, #tpu.memory_space<hbm>>
    tpu.wait_indirect_dma semaphore(%arg10 : memref<!tpu.dma_semaphore, #tpu.memory_space<semaphore_mem>>) src(%dma_wait3A_600 : memref<8192x128xf32, #tpu.memory_space<hbm>>) dst(%arg9 : memref<128x128xf32, #tpu.memory_space<vmem>>)
    %add3A_601 = arith.constant 20480 : i32
    %add3A_602 = arith.addi %add3A_601, %mul3A_2 : i32
    "tpu.region"() ({
      %run_scoped3A_820 = tpu.sem_alloc : memref<!tpu.dma_semaphore, #tpu.memory_space<semaphore_mem>>
      %dma_start3A_821 = arith.constant 0 : i32
      %dma_start3A_822 = tpu.memref_slice %arg5[%add3A_602, %dma_start3A_821] : memref<32768x128xf32, #tpu.memory_space<hbm>> -> memref<128x128xf32, #tpu.memory_space<hbm>>
      %dma_start3A_823 = arith.constant 0 : i32
      %dma_start3A_824 = tpu.memref_slice %arg5[%add3A_602, %dma_start3A_823] : memref<32768x128xf32, #tpu.memory_space<hbm>> -> memref<128x128xf32, #tpu.memory_space<hbm>>
      tpu.enqueue_dma source(%arg9 : memref<128x128xf32, #tpu.memory_space<vmem>>) target(%dma_start3A_824 : memref<128x128xf32, #tpu.memory_space<hbm>>) target_semaphore(%run_scoped3A_820 : memref<!tpu.dma_semaphore, #tpu.memory_space<semaphore_mem>>)
      %dma_wait3A_825 = arith.constant 0 : i32
      %dma_wait3A_826 = tpu.memref_slice %arg5[%add3A_602, %dma_wait3A_825] : memref<32768x128xf32, #tpu.memory_space<hbm>> -> memref<128x128xf32, #tpu.memory_space<hbm>>
      %dma_wait3A_827 = arith.constant 0 : i32
      %dma_wait3A_828 = tpu.memref_slice %arg5[%add3A_602, %dma_wait3A_827] : memref<32768x128xf32, #tpu.memory_space<hbm>> -> memref<128x128xf32, #tpu.memory_space<hbm>>
      tpu.wait_dma2 semaphore(%run_scoped3A_820 : memref<!tpu.dma_semaphore, #tpu.memory_space<semaphore_mem>>) src(%arg9 : memref<128x128xf32, #tpu.memory_space<vmem>>) dst(%dma_wait3A_828 : memref<128x128xf32, #tpu.memory_space<hbm>>)
      tpu.yield
    }) : () -> ()
    %dma_wait3A_603 = arith.constant 0 : i32
    %dma_wait3A_604 = arith.constant 0 : i32
    %dma_wait3A_605 = tpu.memref_slice %arg2[%dma_wait3A_603, %dma_wait3A_604] : memref<8192x16xi32, #tpu.memory_space<hbm>> -> memref<8192x16xi32, #tpu.memory_space<hbm>>
    tpu.wait_indirect_dma semaphore(%arg11 : memref<!tpu.dma_semaphore, #tpu.memory_space<semaphore_mem>>) src(%dma_wait3A_605 : memref<8192x16xi32, #tpu.memory_space<hbm>>) dst(%arg6 : memref<128x16xi32, #tpu.memory_space<vmem>>)
    %iota3A_606 = tpu.iota {dimensions = array<i32: 0>} : vector<16xi32>
    %add3A_607 = arith.constant 0 : i32
    %add3A_608 = vector.broadcast %add3A_607 : i32 to vector<16xi32>
    %add3A_609 = arith.addi %iota3A_606, %add3A_608 : vector<16xi32>
    %get3A_610 = arith.constant 128 : index
    %get3A_611 = tpu.vector_load %arg8[%get3A_610] {strides = array<i32>} : memref<384xi32, #tpu.memory_space<vmem>>, vector<16xi32>,
    %gather3A_612 = tpu.vector_load_idx %arg6[%add3A_609, %get3A_611] : memref<128x16xi32, #tpu.memory_space<vmem>>[vector<16xi32>, vector<16xi32>], vector<16xi32>,
    %add3A_613 = arith.constant 4096 : i32
    %add3A_614 = vector.broadcast %add3A_613 : i32 to vector<16xi32>
    %add3A_615 = arith.addi %gather3A_612, %add3A_614 : vector<16xi32>
    %swap3A_616 = arith.constant 0 : index
    %swap3A_617 = tpu.vector_load %arg7[%swap3A_616] {strides = array<i32>} : memref<128xi32, #tpu.memory_space<vmem>>, vector<16xi32>,
    tpu.vector_store %arg7[%swap3A_616], %add3A_615 {strides = array<i32>} : memref<128xi32, #tpu.memory_space<vmem>>, vector<16xi32>,
    %iota3A_618 = tpu.iota {dimensions = array<i32: 0>} : vector<16xi32>
    %add3A_619 = arith.constant 16 : i32
    %add3A_620 = vector.broadcast %add3A_619 : i32 to vector<16xi32>
    %add3A_621 = arith.addi %iota3A_618, %add3A_620 : vector<16xi32>
    %get3A_622 = arith.constant 144 : index
    %get3A_623 = tpu.vector_load %arg8[%get3A_622] {strides = array<i32>} : memref<384xi32, #tpu.memory_space<vmem>>, vector<16xi32>,
    %gather3A_624 = tpu.vector_load_idx %arg6[%add3A_621, %get3A_623] : memref<128x16xi32, #tpu.memory_space<vmem>>[vector<16xi32>, vector<16xi32>], vector<16xi32>,
    %add3A_625 = arith.constant 4096 : i32
    %add3A_626 = vector.broadcast %add3A_625 : i32 to vector<16xi32>
    %add3A_627 = arith.addi %gather3A_624, %add3A_626 : vector<16xi32>
    %swap3A_628 = arith.constant 16 : index
    %swap3A_629 = tpu.vector_load %arg7[%swap3A_628] {strides = array<i32>} : memref<128xi32, #tpu.memory_space<vmem>>, vector<16xi32>,
    tpu.vector_store %arg7[%swap3A_628], %add3A_627 {strides = array<i32>} : memref<128xi32, #tpu.memory_space<vmem>>, vector<16xi32>,
    %iota3A_630 = tpu.iota {dimensions = array<i32: 0>} : vector<16xi32>
    %add3A_631 = arith.constant 32 : i32
    %add3A_632 = vector.broadcast %add3A_631 : i32 to vector<16xi32>
    %add3A_633 = arith.addi %iota3A_630, %add3A_632 : vector<16xi32>
    %get3A_634 = arith.constant 160 : index
    %get3A_635 = tpu.vector_load %arg8[%get3A_634] {strides = array<i32>} : memref<384xi32, #tpu.memory_space<vmem>>, vector<16xi32>,
    %gather3A_636 = tpu.vector_load_idx %arg6[%add3A_633, %get3A_635] : memref<128x16xi32, #tpu.memory_space<vmem>>[vector<16xi32>, vector<16xi32>], vector<16xi32>,
    %add3A_637 = arith.constant 4096 : i32
    %add3A_638 = vector.broadcast %add3A_637 : i32 to vector<16xi32>
    %add3A_639 = arith.addi %gather3A_636, %add3A_638 : vector<16xi32>
    %swap3A_640 = arith.constant 32 : index
    %swap3A_641 = tpu.vector_load %arg7[%swap3A_640] {strides = array<i32>} : memref<128xi32, #tpu.memory_space<vmem>>, vector<16xi32>,
    tpu.vector_store %arg7[%swap3A_640], %add3A_639 {strides = array<i32>} : memref<128xi32, #tpu.memory_space<vmem>>, vector<16xi32>,
    %iota3A_642 = tpu.iota {dimensions = array<i32: 0>} : vector<16xi32>
    %add3A_643 = arith.constant 48 : i32
    %add3A_644 = vector.broadcast %add3A_643 : i32 to vector<16xi32>
    %add3A_645 = arith.addi %iota3A_642, %add3A_644 : vector<16xi32>
    %get3A_646 = arith.constant 176 : index
    %get3A_647 = tpu.vector_load %arg8[%get3A_646] {strides = array<i32>} : memref<384xi32, #tpu.memory_space<vmem>>, vector<16xi32>,
    %gather3A_648 = tpu.vector_load_idx %arg6[%add3A_645, %get3A_647] : memref<128x16xi32, #tpu.memory_space<vmem>>[vector<16xi32>, vector<16xi32>], vector<16xi32>,
    %add3A_649 = arith.constant 4096 : i32
    %add3A_650 = vector.broadcast %add3A_649 : i32 to vector<16xi32>
    %add3A_651 = arith.addi %gather3A_648, %add3A_650 : vector<16xi32>
    %swap3A_652 = arith.constant 48 : index
    %swap3A_653 = tpu.vector_load %arg7[%swap3A_652] {strides = array<i32>} : memref<128xi32, #tpu.memory_space<vmem>>, vector<16xi32>,
    tpu.vector_store %arg7[%swap3A_652], %add3A_651 {strides = array<i32>} : memref<128xi32, #tpu.memory_space<vmem>>, vector<16xi32>,
    %iota3A_654 = tpu.iota {dimensions = array<i32: 0>} : vector<16xi32>
    %add3A_655 = arith.constant 64 : i32
    %add3A_656 = vector.broadcast %add3A_655 : i32 to vector<16xi32>
    %add3A_657 = arith.addi %iota3A_654, %add3A_656 : vector<16xi32>
    %get3A_658 = arith.constant 192 : index
    %get3A_659 = tpu.vector_load %arg8[%get3A_658] {strides = array<i32>} : memref<384xi32, #tpu.memory_space<vmem>>, vector<16xi32>,
    %gather3A_660 = tpu.vector_load_idx %arg6[%add3A_657, %get3A_659] : memref<128x16xi32, #tpu.memory_space<vmem>>[vector<16xi32>, vector<16xi32>], vector<16xi32>,
    %add3A_661 = arith.constant 4096 : i32
    %add3A_662 = vector.broadcast %add3A_661 : i32 to vector<16xi32>
    %add3A_663 = arith.addi %gather3A_660, %add3A_662 : vector<16xi32>
    %swap3A_664 = arith.constant 64 : index
    %swap3A_665 = tpu.vector_load %arg7[%swap3A_664] {strides = array<i32>} : memref<128xi32, #tpu.memory_space<vmem>>, vector<16xi32>,
    tpu.vector_store %arg7[%swap3A_664], %add3A_663 {strides = array<i32>} : memref<128xi32, #tpu.memory_space<vmem>>, vector<16xi32>,
    %iota3A_666 = tpu.iota {dimensions = array<i32: 0>} : vector<16xi32>
    %add3A_667 = arith.constant 80 : i32
    %add3A_668 = vector.broadcast %add3A_667 : i32 to vector<16xi32>
    %add3A_669 = arith.addi %iota3A_666, %add3A_668 : vector<16xi32>
    %get3A_670 = arith.constant 208 : index
    %get3A_671 = tpu.vector_load %arg8[%get3A_670] {strides = array<i32>} : memref<384xi32, #tpu.memory_space<vmem>>, vector<16xi32>,
    %gather3A_672 = tpu.vector_load_idx %arg6[%add3A_669, %get3A_671] : memref<128x16xi32, #tpu.memory_space<vmem>>[vector<16xi32>, vector<16xi32>], vector<16xi32>,
    %add3A_673 = arith.constant 4096 : i32
    %add3A_674 = vector.broadcast %add3A_673 : i32 to vector<16xi32>
    %add3A_675 = arith.addi %gather3A_672, %add3A_674 : vector<16xi32>
    %swap3A_676 = arith.constant 80 : index
    %swap3A_677 = tpu.vector_load %arg7[%swap3A_676] {strides = array<i32>} : memref<128xi32, #tpu.memory_space<vmem>>, vector<16xi32>,
    tpu.vector_store %arg7[%swap3A_676], %add3A_675 {strides = array<i32>} : memref<128xi32, #tpu.memory_space<vmem>>, vector<16xi32>,
    %iota3A_678 = tpu.iota {dimensions = array<i32: 0>} : vector<16xi32>
    %add3A_679 = arith.constant 96 : i32
    %add3A_680 = vector.broadcast %add3A_679 : i32 to vector<16xi32>
    %add3A_681 = arith.addi %iota3A_678, %add3A_680 : vector<16xi32>
    %get3A_682 = arith.constant 224 : index
    %get3A_683 = tpu.vector_load %arg8[%get3A_682] {strides = array<i32>} : memref<384xi32, #tpu.memory_space<vmem>>, vector<16xi32>,
    %gather3A_684 = tpu.vector_load_idx %arg6[%add3A_681, %get3A_683] : memref<128x16xi32, #tpu.memory_space<vmem>>[vector<16xi32>, vector<16xi32>], vector<16xi32>,
    %add3A_685 = arith.constant 4096 : i32
    %add3A_686 = vector.broadcast %add3A_685 : i32 to vector<16xi32>
    %add3A_687 = arith.addi %gather3A_684, %add3A_686 : vector<16xi32>
    %swap3A_688 = arith.constant 96 : index
    %swap3A_689 = tpu.vector_load %arg7[%swap3A_688] {strides = array<i32>} : memref<128xi32, #tpu.memory_space<vmem>>, vector<16xi32>,
    tpu.vector_store %arg7[%swap3A_688], %add3A_687 {strides = array<i32>} : memref<128xi32, #tpu.memory_space<vmem>>, vector<16xi32>,
    %iota3A_690 = tpu.iota {dimensions = array<i32: 0>} : vector<16xi32>
    %add3A_691 = arith.constant 112 : i32
    %add3A_692 = vector.broadcast %add3A_691 : i32 to vector<16xi32>
    %add3A_693 = arith.addi %iota3A_690, %add3A_692 : vector<16xi32>
    %get3A_694 = arith.constant 240 : index
    %get3A_695 = tpu.vector_load %arg8[%get3A_694] {strides = array<i32>} : memref<384xi32, #tpu.memory_space<vmem>>, vector<16xi32>,
    %gather3A_696 = tpu.vector_load_idx %arg6[%add3A_693, %get3A_695] : memref<128x16xi32, #tpu.memory_space<vmem>>[vector<16xi32>, vector<16xi32>], vector<16xi32>,
    %add3A_697 = arith.constant 4096 : i32
    %add3A_698 = vector.broadcast %add3A_697 : i32 to vector<16xi32>
    %add3A_699 = arith.addi %gather3A_696, %add3A_698 : vector<16xi32>
    %swap3A_700 = arith.constant 112 : index
    %swap3A_701 = tpu.vector_load %arg7[%swap3A_700] {strides = array<i32>} : memref<128xi32, #tpu.memory_space<vmem>>, vector<16xi32>,
    tpu.vector_store %arg7[%swap3A_700], %add3A_699 {strides = array<i32>} : memref<128xi32, #tpu.memory_space<vmem>>, vector<16xi32>,
    %dma_start3A_702 = arith.constant 0 : i32
    %dma_start3A_703 = arith.constant 0 : i32
    %dma_start3A_704 = tpu.memref_slice %arg4[%dma_start3A_702, %dma_start3A_703] : memref<8192x128xf32, #tpu.memory_space<hbm>> -> memref<8192x128xf32, #tpu.memory_space<hbm>>
    tpu.enqueue_indirect_dma source(%dma_start3A_704 : memref<8192x128xf32, #tpu.memory_space<hbm>>) target(%arg9 : memref<128x128xf32, #tpu.memory_space<vmem>>) offsets(%arg7 : memref<128xi32, #tpu.memory_space<vmem>>) semaphore(%arg10 : memref<!tpu.dma_semaphore, #tpu.memory_space<semaphore_mem>>)
    %dma_start3A_705 = arith.constant 0 : i32
    %dma_start3A_706 = arith.constant 0 : i32
    %dma_start3A_707 = tpu.memref_slice %arg2[%dma_start3A_705, %dma_start3A_706] : memref<8192x16xi32, #tpu.memory_space<hbm>> -> memref<8192x16xi32, #tpu.memory_space<hbm>>
    tpu.enqueue_indirect_dma source(%dma_start3A_707 : memref<8192x16xi32, #tpu.memory_space<hbm>>) target(%arg6 : memref<128x16xi32, #tpu.memory_space<vmem>>) offsets(%arg7 : memref<128xi32, #tpu.memory_space<vmem>>) semaphore(%arg11 : memref<!tpu.dma_semaphore, #tpu.memory_space<semaphore_mem>>)
    %dma_wait3A_708 = arith.constant 0 : i32
    %dma_wait3A_709 = arith.constant 0 : i32
    %dma_wait3A_710 = tpu.memref_slice %arg4[%dma_wait3A_708, %dma_wait3A_709] : memref<8192x128xf32, #tpu.memory_space<hbm>> -> memref<8192x128xf32, #tpu.memory_space<hbm>>
    tpu.wait_indirect_dma semaphore(%arg10 : memref<!tpu.dma_semaphore, #tpu.memory_space<semaphore_mem>>) src(%dma_wait3A_710 : memref<8192x128xf32, #tpu.memory_space<hbm>>) dst(%arg9 : memref<128x128xf32, #tpu.memory_space<vmem>>)
    %add3A_711 = arith.constant 24576 : i32
    %add3A_712 = arith.addi %add3A_711, %mul3A_2 : i32
    "tpu.region"() ({
      %run_scoped3A_820 = tpu.sem_alloc : memref<!tpu.dma_semaphore, #tpu.memory_space<semaphore_mem>>
      %dma_start3A_821 = arith.constant 0 : i32
      %dma_start3A_822 = tpu.memref_slice %arg5[%add3A_712, %dma_start3A_821] : memref<32768x128xf32, #tpu.memory_space<hbm>> -> memref<128x128xf32, #tpu.memory_space<hbm>>
      %dma_start3A_823 = arith.constant 0 : i32
      %dma_start3A_824 = tpu.memref_slice %arg5[%add3A_712, %dma_start3A_823] : memref<32768x128xf32, #tpu.memory_space<hbm>> -> memref<128x128xf32, #tpu.memory_space<hbm>>
      tpu.enqueue_dma source(%arg9 : memref<128x128xf32, #tpu.memory_space<vmem>>) target(%dma_start3A_824 : memref<128x128xf32, #tpu.memory_space<hbm>>) target_semaphore(%run_scoped3A_820 : memref<!tpu.dma_semaphore, #tpu.memory_space<semaphore_mem>>)
      %dma_wait3A_825 = arith.constant 0 : i32
      %dma_wait3A_826 = tpu.memref_slice %arg5[%add3A_712, %dma_wait3A_825] : memref<32768x128xf32, #tpu.memory_space<hbm>> -> memref<128x128xf32, #tpu.memory_space<hbm>>
      %dma_wait3A_827 = arith.constant 0 : i32
      %dma_wait3A_828 = tpu.memref_slice %arg5[%add3A_712, %dma_wait3A_827] : memref<32768x128xf32, #tpu.memory_space<hbm>> -> memref<128x128xf32, #tpu.memory_space<hbm>>
      tpu.wait_dma2 semaphore(%run_scoped3A_820 : memref<!tpu.dma_semaphore, #tpu.memory_space<semaphore_mem>>) src(%arg9 : memref<128x128xf32, #tpu.memory_space<vmem>>) dst(%dma_wait3A_828 : memref<128x128xf32, #tpu.memory_space<hbm>>)
      tpu.yield
    }) : () -> ()
    %dma_wait3A_713 = arith.constant 0 : i32
    %dma_wait3A_714 = arith.constant 0 : i32
    %dma_wait3A_715 = tpu.memref_slice %arg2[%dma_wait3A_713, %dma_wait3A_714] : memref<8192x16xi32, #tpu.memory_space<hbm>> -> memref<8192x16xi32, #tpu.memory_space<hbm>>
    tpu.wait_indirect_dma semaphore(%arg11 : memref<!tpu.dma_semaphore, #tpu.memory_space<semaphore_mem>>) src(%dma_wait3A_715 : memref<8192x16xi32, #tpu.memory_space<hbm>>) dst(%arg6 : memref<128x16xi32, #tpu.memory_space<vmem>>)
    %iota3A_716 = tpu.iota {dimensions = array<i32: 0>} : vector<16xi32>
    %add3A_717 = arith.constant 0 : i32
    %add3A_718 = vector.broadcast %add3A_717 : i32 to vector<16xi32>
    %add3A_719 = arith.addi %iota3A_716, %add3A_718 : vector<16xi32>
    %get3A_720 = arith.constant 256 : index
    %get3A_721 = tpu.vector_load %arg8[%get3A_720] {strides = array<i32>} : memref<384xi32, #tpu.memory_space<vmem>>, vector<16xi32>,
    %gather3A_722 = tpu.vector_load_idx %arg6[%add3A_719, %get3A_721] : memref<128x16xi32, #tpu.memory_space<vmem>>[vector<16xi32>, vector<16xi32>], vector<16xi32>,
    %add3A_723 = arith.constant 4096 : i32
    %add3A_724 = vector.broadcast %add3A_723 : i32 to vector<16xi32>
    %add3A_725 = arith.addi %gather3A_722, %add3A_724 : vector<16xi32>
    %swap3A_726 = arith.constant 0 : index
    %swap3A_727 = tpu.vector_load %arg7[%swap3A_726] {strides = array<i32>} : memref<128xi32, #tpu.memory_space<vmem>>, vector<16xi32>,
    tpu.vector_store %arg7[%swap3A_726], %add3A_725 {strides = array<i32>} : memref<128xi32, #tpu.memory_space<vmem>>, vector<16xi32>,
    %iota3A_728 = tpu.iota {dimensions = array<i32: 0>} : vector<16xi32>
    %add3A_729 = arith.constant 16 : i32
    %add3A_730 = vector.broadcast %add3A_729 : i32 to vector<16xi32>
    %add3A_731 = arith.addi %iota3A_728, %add3A_730 : vector<16xi32>
    %get3A_732 = arith.constant 272 : index
    %get3A_733 = tpu.vector_load %arg8[%get3A_732] {strides = array<i32>} : memref<384xi32, #tpu.memory_space<vmem>>, vector<16xi32>,
    %gather3A_734 = tpu.vector_load_idx %arg6[%add3A_731, %get3A_733] : memref<128x16xi32, #tpu.memory_space<vmem>>[vector<16xi32>, vector<16xi32>], vector<16xi32>,
    %add3A_735 = arith.constant 4096 : i32
    %add3A_736 = vector.broadcast %add3A_735 : i32 to vector<16xi32>
    %add3A_737 = arith.addi %gather3A_734, %add3A_736 : vector<16xi32>
    %swap3A_738 = arith.constant 16 : index
    %swap3A_739 = tpu.vector_load %arg7[%swap3A_738] {strides = array<i32>} : memref<128xi32, #tpu.memory_space<vmem>>, vector<16xi32>,
    tpu.vector_store %arg7[%swap3A_738], %add3A_737 {strides = array<i32>} : memref<128xi32, #tpu.memory_space<vmem>>, vector<16xi32>,
    %iota3A_740 = tpu.iota {dimensions = array<i32: 0>} : vector<16xi32>
    %add3A_741 = arith.constant 32 : i32
    %add3A_742 = vector.broadcast %add3A_741 : i32 to vector<16xi32>
    %add3A_743 = arith.addi %iota3A_740, %add3A_742 : vector<16xi32>
    %get3A_744 = arith.constant 288 : index
    %get3A_745 = tpu.vector_load %arg8[%get3A_744] {strides = array<i32>} : memref<384xi32, #tpu.memory_space<vmem>>, vector<16xi32>,
    %gather3A_746 = tpu.vector_load_idx %arg6[%add3A_743, %get3A_745] : memref<128x16xi32, #tpu.memory_space<vmem>>[vector<16xi32>, vector<16xi32>], vector<16xi32>,
    %add3A_747 = arith.constant 4096 : i32
    %add3A_748 = vector.broadcast %add3A_747 : i32 to vector<16xi32>
    %add3A_749 = arith.addi %gather3A_746, %add3A_748 : vector<16xi32>
    %swap3A_750 = arith.constant 32 : index
    %swap3A_751 = tpu.vector_load %arg7[%swap3A_750] {strides = array<i32>} : memref<128xi32, #tpu.memory_space<vmem>>, vector<16xi32>,
    tpu.vector_store %arg7[%swap3A_750], %add3A_749 {strides = array<i32>} : memref<128xi32, #tpu.memory_space<vmem>>, vector<16xi32>,
    %iota3A_752 = tpu.iota {dimensions = array<i32: 0>} : vector<16xi32>
    %add3A_753 = arith.constant 48 : i32
    %add3A_754 = vector.broadcast %add3A_753 : i32 to vector<16xi32>
    %add3A_755 = arith.addi %iota3A_752, %add3A_754 : vector<16xi32>
    %get3A_756 = arith.constant 304 : index
    %get3A_757 = tpu.vector_load %arg8[%get3A_756] {strides = array<i32>} : memref<384xi32, #tpu.memory_space<vmem>>, vector<16xi32>,
    %gather3A_758 = tpu.vector_load_idx %arg6[%add3A_755, %get3A_757] : memref<128x16xi32, #tpu.memory_space<vmem>>[vector<16xi32>, vector<16xi32>], vector<16xi32>,
    %add3A_759 = arith.constant 4096 : i32
    %add3A_760 = vector.broadcast %add3A_759 : i32 to vector<16xi32>
    %add3A_761 = arith.addi %gather3A_758, %add3A_760 : vector<16xi32>
    %swap3A_762 = arith.constant 48 : index
    %swap3A_763 = tpu.vector_load %arg7[%swap3A_762] {strides = array<i32>} : memref<128xi32, #tpu.memory_space<vmem>>, vector<16xi32>,
    tpu.vector_store %arg7[%swap3A_762], %add3A_761 {strides = array<i32>} : memref<128xi32, #tpu.memory_space<vmem>>, vector<16xi32>,
    %iota3A_764 = tpu.iota {dimensions = array<i32: 0>} : vector<16xi32>
    %add3A_765 = arith.constant 64 : i32
    %add3A_766 = vector.broadcast %add3A_765 : i32 to vector<16xi32>
    %add3A_767 = arith.addi %iota3A_764, %add3A_766 : vector<16xi32>
    %get3A_768 = arith.constant 320 : index
    %get3A_769 = tpu.vector_load %arg8[%get3A_768] {strides = array<i32>} : memref<384xi32, #tpu.memory_space<vmem>>, vector<16xi32>,
    %gather3A_770 = tpu.vector_load_idx %arg6[%add3A_767, %get3A_769] : memref<128x16xi32, #tpu.memory_space<vmem>>[vector<16xi32>, vector<16xi32>], vector<16xi32>,
    %add3A_771 = arith.constant 4096 : i32
    %add3A_772 = vector.broadcast %add3A_771 : i32 to vector<16xi32>
    %add3A_773 = arith.addi %gather3A_770, %add3A_772 : vector<16xi32>
    %swap3A_774 = arith.constant 64 : index
    %swap3A_775 = tpu.vector_load %arg7[%swap3A_774] {strides = array<i32>} : memref<128xi32, #tpu.memory_space<vmem>>, vector<16xi32>,
    tpu.vector_store %arg7[%swap3A_774], %add3A_773 {strides = array<i32>} : memref<128xi32, #tpu.memory_space<vmem>>, vector<16xi32>,
    %iota3A_776 = tpu.iota {dimensions = array<i32: 0>} : vector<16xi32>
    %add3A_777 = arith.constant 80 : i32
    %add3A_778 = vector.broadcast %add3A_777 : i32 to vector<16xi32>
    %add3A_779 = arith.addi %iota3A_776, %add3A_778 : vector<16xi32>
    %get3A_780 = arith.constant 336 : index
    %get3A_781 = tpu.vector_load %arg8[%get3A_780] {strides = array<i32>} : memref<384xi32, #tpu.memory_space<vmem>>, vector<16xi32>,
    %gather3A_782 = tpu.vector_load_idx %arg6[%add3A_779, %get3A_781] : memref<128x16xi32, #tpu.memory_space<vmem>>[vector<16xi32>, vector<16xi32>], vector<16xi32>,
    %add3A_783 = arith.constant 4096 : i32
    %add3A_784 = vector.broadcast %add3A_783 : i32 to vector<16xi32>
    %add3A_785 = arith.addi %gather3A_782, %add3A_784 : vector<16xi32>
    %swap3A_786 = arith.constant 80 : index
    %swap3A_787 = tpu.vector_load %arg7[%swap3A_786] {strides = array<i32>} : memref<128xi32, #tpu.memory_space<vmem>>, vector<16xi32>,
    tpu.vector_store %arg7[%swap3A_786], %add3A_785 {strides = array<i32>} : memref<128xi32, #tpu.memory_space<vmem>>, vector<16xi32>,
    %iota3A_788 = tpu.iota {dimensions = array<i32: 0>} : vector<16xi32>
    %add3A_789 = arith.constant 96 : i32
    %add3A_790 = vector.broadcast %add3A_789 : i32 to vector<16xi32>
    %add3A_791 = arith.addi %iota3A_788, %add3A_790 : vector<16xi32>
    %get3A_792 = arith.constant 352 : index
    %get3A_793 = tpu.vector_load %arg8[%get3A_792] {strides = array<i32>} : memref<384xi32, #tpu.memory_space<vmem>>, vector<16xi32>,
    %gather3A_794 = tpu.vector_load_idx %arg6[%add3A_791, %get3A_793] : memref<128x16xi32, #tpu.memory_space<vmem>>[vector<16xi32>, vector<16xi32>], vector<16xi32>,
    %add3A_795 = arith.constant 4096 : i32
    %add3A_796 = vector.broadcast %add3A_795 : i32 to vector<16xi32>
    %add3A_797 = arith.addi %gather3A_794, %add3A_796 : vector<16xi32>
    %swap3A_798 = arith.constant 96 : index
    %swap3A_799 = tpu.vector_load %arg7[%swap3A_798] {strides = array<i32>} : memref<128xi32, #tpu.memory_space<vmem>>, vector<16xi32>,
    tpu.vector_store %arg7[%swap3A_798], %add3A_797 {strides = array<i32>} : memref<128xi32, #tpu.memory_space<vmem>>, vector<16xi32>,
    %iota3A_800 = tpu.iota {dimensions = array<i32: 0>} : vector<16xi32>
    %add3A_801 = arith.constant 112 : i32
    %add3A_802 = vector.broadcast %add3A_801 : i32 to vector<16xi32>
    %add3A_803 = arith.addi %iota3A_800, %add3A_802 : vector<16xi32>
    %get3A_804 = arith.constant 368 : index
    %get3A_805 = tpu.vector_load %arg8[%get3A_804] {strides = array<i32>} : memref<384xi32, #tpu.memory_space<vmem>>, vector<16xi32>,
    %gather3A_806 = tpu.vector_load_idx %arg6[%add3A_803, %get3A_805] : memref<128x16xi32, #tpu.memory_space<vmem>>[vector<16xi32>, vector<16xi32>], vector<16xi32>,
    %add3A_807 = arith.constant 4096 : i32
    %add3A_808 = vector.broadcast %add3A_807 : i32 to vector<16xi32>
    %add3A_809 = arith.addi %gather3A_806, %add3A_808 : vector<16xi32>
    %swap3A_810 = arith.constant 112 : index
    %swap3A_811 = tpu.vector_load %arg7[%swap3A_810] {strides = array<i32>} : memref<128xi32, #tpu.memory_space<vmem>>, vector<16xi32>,
    tpu.vector_store %arg7[%swap3A_810], %add3A_809 {strides = array<i32>} : memref<128xi32, #tpu.memory_space<vmem>>, vector<16xi32>,
    %dma_start3A_812 = arith.constant 0 : i32
    %dma_start3A_813 = arith.constant 0 : i32
    %dma_start3A_814 = tpu.memref_slice %arg4[%dma_start3A_812, %dma_start3A_813] : memref<8192x128xf32, #tpu.memory_space<hbm>> -> memref<8192x128xf32, #tpu.memory_space<hbm>>
    tpu.enqueue_indirect_dma source(%dma_start3A_814 : memref<8192x128xf32, #tpu.memory_space<hbm>>) target(%arg9 : memref<128x128xf32, #tpu.memory_space<vmem>>) offsets(%arg7 : memref<128xi32, #tpu.memory_space<vmem>>) semaphore(%arg10 : memref<!tpu.dma_semaphore, #tpu.memory_space<semaphore_mem>>)
    %dma_wait3A_815 = arith.constant 0 : i32
    %dma_wait3A_816 = arith.constant 0 : i32
    %dma_wait3A_817 = tpu.memref_slice %arg4[%dma_wait3A_815, %dma_wait3A_816] : memref<8192x128xf32, #tpu.memory_space<hbm>> -> memref<8192x128xf32, #tpu.memory_space<hbm>>
    tpu.wait_indirect_dma semaphore(%arg10 : memref<!tpu.dma_semaphore, #tpu.memory_space<semaphore_mem>>) src(%dma_wait3A_817 : memref<8192x128xf32, #tpu.memory_space<hbm>>) dst(%arg9 : memref<128x128xf32, #tpu.memory_space<vmem>>)
    %add3A_818 = arith.constant 28672 : i32
    %add3A_819 = arith.addi %add3A_818, %mul3A_2 : i32
    "tpu.region"() ({
      %run_scoped3A_820 = tpu.sem_alloc : memref<!tpu.dma_semaphore, #tpu.memory_space<semaphore_mem>>
      %dma_start3A_821 = arith.constant 0 : i32
      %dma_start3A_822 = tpu.memref_slice %arg5[%add3A_819, %dma_start3A_821] : memref<32768x128xf32, #tpu.memory_space<hbm>> -> memref<128x128xf32, #tpu.memory_space<hbm>>
      %dma_start3A_823 = arith.constant 0 : i32
      %dma_start3A_824 = tpu.memref_slice %arg5[%add3A_819, %dma_start3A_823] : memref<32768x128xf32, #tpu.memory_space<hbm>> -> memref<128x128xf32, #tpu.memory_space<hbm>>
      tpu.enqueue_dma source(%arg9 : memref<128x128xf32, #tpu.memory_space<vmem>>) target(%dma_start3A_824 : memref<128x128xf32, #tpu.memory_space<hbm>>) target_semaphore(%run_scoped3A_820 : memref<!tpu.dma_semaphore, #tpu.memory_space<semaphore_mem>>)
      %dma_wait3A_825 = arith.constant 0 : i32
      %dma_wait3A_826 = tpu.memref_slice %arg5[%add3A_819, %dma_wait3A_825] : memref<32768x128xf32, #tpu.memory_space<hbm>> -> memref<128x128xf32, #tpu.memory_space<hbm>>
      %dma_wait3A_827 = arith.constant 0 : i32
      %dma_wait3A_828 = tpu.memref_slice %arg5[%add3A_819, %dma_wait3A_827] : memref<32768x128xf32, #tpu.memory_space<hbm>> -> memref<128x128xf32, #tpu.memory_space<hbm>>
      tpu.wait_dma2 semaphore(%run_scoped3A_820 : memref<!tpu.dma_semaphore, #tpu.memory_space<semaphore_mem>>) src(%arg9 : memref<128x128xf32, #tpu.memory_space<vmem>>) dst(%dma_wait3A_828 : memref<128x128xf32, #tpu.memory_space<hbm>>)
      tpu.yield
    }) : () -> ()
    return
  }
}

module attributes {stable_mosaic.version = 14 : i64} {
  func.func @_topk_body(%arg0: i32, %arg1: i32, %arg2: memref<1x512x3xf32, #tpu.memory_space<vmem>>, %arg3: memref<1x3x4096xf32, #tpu.memory_space<vmem>>, %arg4: memref<1x512x16xi32, #tpu.memory_space<vmem>>) attributes {dimension_semantics = [#tpu.dimension_semantics<arbitrary>, #tpu.dimension_semantics<arbitrary>], iteration_bounds = array<i64: 2, 8>, scalar_prefetch = 0 : i64, scratch_operands = 0 : i64, tpu.core_type = #tpu.core_type<tc>, window_params = [{transform_indices = @transform_0, window_bounds = array<i64: 1, 512, 3>}, {transform_indices = @transform_1, window_bounds = array<i64: 1, 3, 4096>}, {transform_indices = @transform_2, window_bounds = array<i64: 1, 512, 16>}]} {
    %get3A = arith.constant 0 : index
    %get3A_0 = arith.constant 0 : index
    %get3A_1 = arith.constant 0 : index
    %get3A_2 = vector.load %arg2[%get3A, %get3A_0, %get3A_1] : memref<1x512x3xf32, #tpu.memory_space<vmem>>, vector<1x512x1xf32>
    %get3A_3 = vector.shape_cast %get3A_2 : vector<1x512x1xf32> to vector<512x1xf32>
    %get3A_4 = arith.constant 0 : index
    %get3A_5 = arith.constant 0 : index
    %get3A_6 = arith.constant 1 : index
    %get3A_7 = vector.load %arg2[%get3A_4, %get3A_5, %get3A_6] : memref<1x512x3xf32, #tpu.memory_space<vmem>>, vector<1x512x1xf32>
    %get3A_8 = vector.shape_cast %get3A_7 : vector<1x512x1xf32> to vector<512x1xf32>
    %get3A_9 = arith.constant 0 : index
    %get3A_10 = arith.constant 0 : index
    %get3A_11 = arith.constant 2 : index
    %get3A_12 = vector.load %arg2[%get3A_9, %get3A_10, %get3A_11] : memref<1x512x3xf32, #tpu.memory_space<vmem>>, vector<1x512x1xf32>
    %get3A_13 = vector.shape_cast %get3A_12 : vector<1x512x1xf32> to vector<512x1xf32>
    %get3A_14 = arith.constant 0 : index
    %get3A_15 = arith.constant 0 : index
    %get3A_16 = arith.constant 0 : index
    %get3A_17 = vector.load %arg3[%get3A_14, %get3A_15, %get3A_16] : memref<1x3x4096xf32, #tpu.memory_space<vmem>>, vector<1x1x4096xf32>
    %get3A_18 = vector.shape_cast %get3A_17 : vector<1x1x4096xf32> to vector<1x4096xf32>
    %get3A_19 = arith.constant 0 : index
    %get3A_20 = arith.constant 1 : index
    %get3A_21 = arith.constant 0 : index
    %get3A_22 = vector.load %arg3[%get3A_19, %get3A_20, %get3A_21] : memref<1x3x4096xf32, #tpu.memory_space<vmem>>, vector<1x1x4096xf32>
    %get3A_23 = vector.shape_cast %get3A_22 : vector<1x1x4096xf32> to vector<1x4096xf32>
    %get3A_24 = arith.constant 0 : index
    %get3A_25 = arith.constant 2 : index
    %get3A_26 = arith.constant 0 : index
    %get3A_27 = vector.load %arg3[%get3A_24, %get3A_25, %get3A_26] : memref<1x3x4096xf32, #tpu.memory_space<vmem>>, vector<1x1x4096xf32>
    %get3A_28 = vector.shape_cast %get3A_27 : vector<1x1x4096xf32> to vector<1x4096xf32>
    %mul3A = arith.mulf %get3A_3, %get3A_3 : vector<512x1xf32>
    %mul3A_29 = arith.mulf %get3A_8, %get3A_8 : vector<512x1xf32>
    %add3A = arith.addf %mul3A, %mul3A_29 : vector<512x1xf32>
    %mul3A_30 = arith.mulf %get3A_13, %get3A_13 : vector<512x1xf32>
    %add3A_31 = arith.addf %add3A, %mul3A_30 : vector<512x1xf32>
    %mul3A_32 = arith.mulf %get3A_18, %get3A_18 : vector<1x4096xf32>
    %mul3A_33 = arith.mulf %get3A_23, %get3A_23 : vector<1x4096xf32>
    %add3A_34 = arith.addf %mul3A_32, %mul3A_33 : vector<1x4096xf32>
    %mul3A_35 = arith.mulf %get3A_28, %get3A_28 : vector<1x4096xf32>
    %add3A_36 = arith.addf %add3A_34, %mul3A_35 : vector<1x4096xf32>
    %convert_element_type3A = arith.truncf %get3A_3 : vector<512x1xf32> to vector<512x1xbf16>
    %convert_element_type3A_37 = arith.extf %convert_element_type3A : vector<512x1xbf16> to vector<512x1xf32>
    %convert_element_type3A_38 = arith.truncf %get3A_18 : vector<1x4096xf32> to vector<1x4096xbf16>
    %convert_element_type3A_39 = arith.extf %convert_element_type3A_38 : vector<1x4096xbf16> to vector<1x4096xf32>
    %mul3A_40 = vector.broadcast %convert_element_type3A_37 : vector<512x1xf32> to vector<512x4096xf32>
    %mul3A_41 = vector.broadcast %convert_element_type3A_39 : vector<1x4096xf32> to vector<512x4096xf32>
    %mul3A_42 = arith.mulf %mul3A_40, %mul3A_41 : vector<512x4096xf32>
    %convert_element_type3A_43 = arith.truncf %get3A_8 : vector<512x1xf32> to vector<512x1xbf16>
    %convert_element_type3A_44 = arith.extf %convert_element_type3A_43 : vector<512x1xbf16> to vector<512x1xf32>
    %convert_element_type3A_45 = arith.truncf %get3A_23 : vector<1x4096xf32> to vector<1x4096xbf16>
    %convert_element_type3A_46 = arith.extf %convert_element_type3A_45 : vector<1x4096xbf16> to vector<1x4096xf32>
    %mul3A_47 = vector.broadcast %convert_element_type3A_44 : vector<512x1xf32> to vector<512x4096xf32>
    %mul3A_48 = vector.broadcast %convert_element_type3A_46 : vector<1x4096xf32> to vector<512x4096xf32>
    %mul3A_49 = arith.mulf %mul3A_47, %mul3A_48 : vector<512x4096xf32>
    %add3A_50 = arith.addf %mul3A_42, %mul3A_49 : vector<512x4096xf32>
    %convert_element_type3A_51 = arith.truncf %get3A_13 : vector<512x1xf32> to vector<512x1xbf16>
    %convert_element_type3A_52 = arith.extf %convert_element_type3A_51 : vector<512x1xbf16> to vector<512x1xf32>
    %convert_element_type3A_53 = arith.truncf %get3A_28 : vector<1x4096xf32> to vector<1x4096xbf16>
    %convert_element_type3A_54 = arith.extf %convert_element_type3A_53 : vector<1x4096xbf16> to vector<1x4096xf32>
    %mul3A_55 = vector.broadcast %convert_element_type3A_52 : vector<512x1xf32> to vector<512x4096xf32>
    %mul3A_56 = vector.broadcast %convert_element_type3A_54 : vector<1x4096xf32> to vector<512x4096xf32>
    %mul3A_57 = arith.mulf %mul3A_55, %mul3A_56 : vector<512x4096xf32>
    %add3A_58 = arith.addf %add3A_50, %mul3A_57 : vector<512x4096xf32>
    %add3A_59 = vector.broadcast %add3A_31 : vector<512x1xf32> to vector<512x4096xf32>
    %add3A_60 = vector.broadcast %add3A_36 : vector<1x4096xf32> to vector<512x4096xf32>
    %add3A_61 = arith.addf %add3A_59, %add3A_60 : vector<512x4096xf32>
    %mul3A_62 = arith.constant 2.000000e+00 : f32
    %mul3A_63 = vector.broadcast %mul3A_62 : f32 to vector<512x4096xf32>
    %mul3A_64 = arith.mulf %mul3A_63, %add3A_58 : vector<512x4096xf32>
    %sub3A = arith.subf %add3A_61, %mul3A_64 : vector<512x4096xf32>
    %iota3A = tpu.iota {dimensions = array<i32: 1>} : vector<512x4096xi32>
    %convert_element_type3A_65 = arith.sitofp %iota3A : vector<512x4096xi32> to vector<512x4096xf32>
    %reduce_min3A = arith.constant dense<0x7F800000> : vector<512xf32>
    %reduce_min3A_66 = vector.multi_reduction <minimumf>, %sub3A, %reduce_min3A [1] : vector<512x4096xf32> to vector<512xf32>
    %broadcast_in_dim3A = vector.shape_cast %reduce_min3A_66 : vector<512xf32> to vector<512x1xf32>
    %eq3A = vector.broadcast %broadcast_in_dim3A : vector<512x1xf32> to vector<512x4096xf32>
    %eq3A_67 = arith.cmpf oeq, %sub3A, %eq3A : vector<512x4096xf32>
    %jit3A = arith.constant 1.000000e+09 : f32
    %broadcast_in_dim3A_68 = vector.broadcast %jit3A : f32 to vector<512x4096xf32>
    %select_n3A = arith.select %eq3A_67, %convert_element_type3A_65, %broadcast_in_dim3A_68 : vector<512x4096xi1>, vector<512x4096xf32>
    %reduce_min3A_69 = arith.constant dense<0x7F800000> : vector<512xf32>
    %reduce_min3A_70 = vector.multi_reduction <minimumf>, %select_n3A, %reduce_min3A_69 [1] : vector<512x4096xf32> to vector<512xf32>
    %broadcast_in_dim3A_71 = vector.shape_cast %reduce_min3A_70 : vector<512xf32> to vector<512x1xf32>
    %eq3A_72 = vector.broadcast %broadcast_in_dim3A_71 : vector<512x1xf32> to vector<512x4096xf32>
    %eq3A_73 = arith.cmpf oeq, %convert_element_type3A_65, %eq3A_72 : vector<512x4096xf32>
    %jit3A_74 = arith.constant 0x7F800000 : f32
    %broadcast_in_dim3A_75 = vector.broadcast %jit3A_74 : f32 to vector<512x4096xf32>
    %select_n3A_76 = arith.select %eq3A_73, %broadcast_in_dim3A_75, %sub3A : vector<512x4096xi1>, vector<512x4096xf32>
    %reduce_min3A_77 = arith.constant dense<0x7F800000> : vector<512xf32>
    %reduce_min3A_78 = vector.multi_reduction <minimumf>, %select_n3A_76, %reduce_min3A_77 [1] : vector<512x4096xf32> to vector<512xf32>
    %broadcast_in_dim3A_79 = vector.shape_cast %reduce_min3A_78 : vector<512xf32> to vector<512x1xf32>
    %eq3A_80 = vector.broadcast %broadcast_in_dim3A_79 : vector<512x1xf32> to vector<512x4096xf32>
    %eq3A_81 = arith.cmpf oeq, %select_n3A_76, %eq3A_80 : vector<512x4096xf32>
    %jit3A_82 = arith.constant 1.000000e+09 : f32
    %broadcast_in_dim3A_83 = vector.broadcast %jit3A_82 : f32 to vector<512x4096xf32>
    %select_n3A_84 = arith.select %eq3A_81, %convert_element_type3A_65, %broadcast_in_dim3A_83 : vector<512x4096xi1>, vector<512x4096xf32>
    %reduce_min3A_85 = arith.constant dense<0x7F800000> : vector<512xf32>
    %reduce_min3A_86 = vector.multi_reduction <minimumf>, %select_n3A_84, %reduce_min3A_85 [1] : vector<512x4096xf32> to vector<512xf32>
    %broadcast_in_dim3A_87 = vector.shape_cast %reduce_min3A_86 : vector<512xf32> to vector<512x1xf32>
    %eq3A_88 = vector.broadcast %broadcast_in_dim3A_87 : vector<512x1xf32> to vector<512x4096xf32>
    %eq3A_89 = arith.cmpf oeq, %convert_element_type3A_65, %eq3A_88 : vector<512x4096xf32>
    %jit3A_90 = arith.constant 0x7F800000 : f32
    %broadcast_in_dim3A_91 = vector.broadcast %jit3A_90 : f32 to vector<512x4096xf32>
    %select_n3A_92 = arith.select %eq3A_89, %broadcast_in_dim3A_91, %select_n3A_76 : vector<512x4096xi1>, vector<512x4096xf32>
    %reduce_min3A_93 = arith.constant dense<0x7F800000> : vector<512xf32>
    %reduce_min3A_94 = vector.multi_reduction <minimumf>, %select_n3A_92, %reduce_min3A_93 [1] : vector<512x4096xf32> to vector<512xf32>
    %broadcast_in_dim3A_95 = vector.shape_cast %reduce_min3A_94 : vector<512xf32> to vector<512x1xf32>
    %eq3A_96 = vector.broadcast %broadcast_in_dim3A_95 : vector<512x1xf32> to vector<512x4096xf32>
    %eq3A_97 = arith.cmpf oeq, %select_n3A_92, %eq3A_96 : vector<512x4096xf32>
    %jit3A_98 = arith.constant 1.000000e+09 : f32
    %broadcast_in_dim3A_99 = vector.broadcast %jit3A_98 : f32 to vector<512x4096xf32>
    %select_n3A_100 = arith.select %eq3A_97, %convert_element_type3A_65, %broadcast_in_dim3A_99 : vector<512x4096xi1>, vector<512x4096xf32>
    %reduce_min3A_101 = arith.constant dense<0x7F800000> : vector<512xf32>
    %reduce_min3A_102 = vector.multi_reduction <minimumf>, %select_n3A_100, %reduce_min3A_101 [1] : vector<512x4096xf32> to vector<512xf32>
    %broadcast_in_dim3A_103 = vector.shape_cast %reduce_min3A_102 : vector<512xf32> to vector<512x1xf32>
    %eq3A_104 = vector.broadcast %broadcast_in_dim3A_103 : vector<512x1xf32> to vector<512x4096xf32>
    %eq3A_105 = arith.cmpf oeq, %convert_element_type3A_65, %eq3A_104 : vector<512x4096xf32>
    %jit3A_106 = arith.constant 0x7F800000 : f32
    %broadcast_in_dim3A_107 = vector.broadcast %jit3A_106 : f32 to vector<512x4096xf32>
    %select_n3A_108 = arith.select %eq3A_105, %broadcast_in_dim3A_107, %select_n3A_92 : vector<512x4096xi1>, vector<512x4096xf32>
    %reduce_min3A_109 = arith.constant dense<0x7F800000> : vector<512xf32>
    %reduce_min3A_110 = vector.multi_reduction <minimumf>, %select_n3A_108, %reduce_min3A_109 [1] : vector<512x4096xf32> to vector<512xf32>
    %broadcast_in_dim3A_111 = vector.shape_cast %reduce_min3A_110 : vector<512xf32> to vector<512x1xf32>
    %eq3A_112 = vector.broadcast %broadcast_in_dim3A_111 : vector<512x1xf32> to vector<512x4096xf32>
    %eq3A_113 = arith.cmpf oeq, %select_n3A_108, %eq3A_112 : vector<512x4096xf32>
    %jit3A_114 = arith.constant 1.000000e+09 : f32
    %broadcast_in_dim3A_115 = vector.broadcast %jit3A_114 : f32 to vector<512x4096xf32>
    %select_n3A_116 = arith.select %eq3A_113, %convert_element_type3A_65, %broadcast_in_dim3A_115 : vector<512x4096xi1>, vector<512x4096xf32>
    %reduce_min3A_117 = arith.constant dense<0x7F800000> : vector<512xf32>
    %reduce_min3A_118 = vector.multi_reduction <minimumf>, %select_n3A_116, %reduce_min3A_117 [1] : vector<512x4096xf32> to vector<512xf32>
    %broadcast_in_dim3A_119 = vector.shape_cast %reduce_min3A_118 : vector<512xf32> to vector<512x1xf32>
    %eq3A_120 = vector.broadcast %broadcast_in_dim3A_119 : vector<512x1xf32> to vector<512x4096xf32>
    %eq3A_121 = arith.cmpf oeq, %convert_element_type3A_65, %eq3A_120 : vector<512x4096xf32>
    %jit3A_122 = arith.constant 0x7F800000 : f32
    %broadcast_in_dim3A_123 = vector.broadcast %jit3A_122 : f32 to vector<512x4096xf32>
    %select_n3A_124 = arith.select %eq3A_121, %broadcast_in_dim3A_123, %select_n3A_108 : vector<512x4096xi1>, vector<512x4096xf32>
    %reduce_min3A_125 = arith.constant dense<0x7F800000> : vector<512xf32>
    %reduce_min3A_126 = vector.multi_reduction <minimumf>, %select_n3A_124, %reduce_min3A_125 [1] : vector<512x4096xf32> to vector<512xf32>
    %broadcast_in_dim3A_127 = vector.shape_cast %reduce_min3A_126 : vector<512xf32> to vector<512x1xf32>
    %eq3A_128 = vector.broadcast %broadcast_in_dim3A_127 : vector<512x1xf32> to vector<512x4096xf32>
    %eq3A_129 = arith.cmpf oeq, %select_n3A_124, %eq3A_128 : vector<512x4096xf32>
    %jit3A_130 = arith.constant 1.000000e+09 : f32
    %broadcast_in_dim3A_131 = vector.broadcast %jit3A_130 : f32 to vector<512x4096xf32>
    %select_n3A_132 = arith.select %eq3A_129, %convert_element_type3A_65, %broadcast_in_dim3A_131 : vector<512x4096xi1>, vector<512x4096xf32>
    %reduce_min3A_133 = arith.constant dense<0x7F800000> : vector<512xf32>
    %reduce_min3A_134 = vector.multi_reduction <minimumf>, %select_n3A_132, %reduce_min3A_133 [1] : vector<512x4096xf32> to vector<512xf32>
    %broadcast_in_dim3A_135 = vector.shape_cast %reduce_min3A_134 : vector<512xf32> to vector<512x1xf32>
    %eq3A_136 = vector.broadcast %broadcast_in_dim3A_135 : vector<512x1xf32> to vector<512x4096xf32>
    %eq3A_137 = arith.cmpf oeq, %convert_element_type3A_65, %eq3A_136 : vector<512x4096xf32>
    %jit3A_138 = arith.constant 0x7F800000 : f32
    %broadcast_in_dim3A_139 = vector.broadcast %jit3A_138 : f32 to vector<512x4096xf32>
    %select_n3A_140 = arith.select %eq3A_137, %broadcast_in_dim3A_139, %select_n3A_124 : vector<512x4096xi1>, vector<512x4096xf32>
    %reduce_min3A_141 = arith.constant dense<0x7F800000> : vector<512xf32>
    %reduce_min3A_142 = vector.multi_reduction <minimumf>, %select_n3A_140, %reduce_min3A_141 [1] : vector<512x4096xf32> to vector<512xf32>
    %broadcast_in_dim3A_143 = vector.shape_cast %reduce_min3A_142 : vector<512xf32> to vector<512x1xf32>
    %eq3A_144 = vector.broadcast %broadcast_in_dim3A_143 : vector<512x1xf32> to vector<512x4096xf32>
    %eq3A_145 = arith.cmpf oeq, %select_n3A_140, %eq3A_144 : vector<512x4096xf32>
    %jit3A_146 = arith.constant 1.000000e+09 : f32
    %broadcast_in_dim3A_147 = vector.broadcast %jit3A_146 : f32 to vector<512x4096xf32>
    %select_n3A_148 = arith.select %eq3A_145, %convert_element_type3A_65, %broadcast_in_dim3A_147 : vector<512x4096xi1>, vector<512x4096xf32>
    %reduce_min3A_149 = arith.constant dense<0x7F800000> : vector<512xf32>
    %reduce_min3A_150 = vector.multi_reduction <minimumf>, %select_n3A_148, %reduce_min3A_149 [1] : vector<512x4096xf32> to vector<512xf32>
    %broadcast_in_dim3A_151 = vector.shape_cast %reduce_min3A_150 : vector<512xf32> to vector<512x1xf32>
    %eq3A_152 = vector.broadcast %broadcast_in_dim3A_151 : vector<512x1xf32> to vector<512x4096xf32>
    %eq3A_153 = arith.cmpf oeq, %convert_element_type3A_65, %eq3A_152 : vector<512x4096xf32>
    %jit3A_154 = arith.constant 0x7F800000 : f32
    %broadcast_in_dim3A_155 = vector.broadcast %jit3A_154 : f32 to vector<512x4096xf32>
    %select_n3A_156 = arith.select %eq3A_153, %broadcast_in_dim3A_155, %select_n3A_140 : vector<512x4096xi1>, vector<512x4096xf32>
    %reduce_min3A_157 = arith.constant dense<0x7F800000> : vector<512xf32>
    %reduce_min3A_158 = vector.multi_reduction <minimumf>, %select_n3A_156, %reduce_min3A_157 [1] : vector<512x4096xf32> to vector<512xf32>
    %broadcast_in_dim3A_159 = vector.shape_cast %reduce_min3A_158 : vector<512xf32> to vector<512x1xf32>
    %eq3A_160 = vector.broadcast %broadcast_in_dim3A_159 : vector<512x1xf32> to vector<512x4096xf32>
    %eq3A_161 = arith.cmpf oeq, %select_n3A_156, %eq3A_160 : vector<512x4096xf32>
    %jit3A_162 = arith.constant 1.000000e+09 : f32
    %broadcast_in_dim3A_163 = vector.broadcast %jit3A_162 : f32 to vector<512x4096xf32>
    %select_n3A_164 = arith.select %eq3A_161, %convert_element_type3A_65, %broadcast_in_dim3A_163 : vector<512x4096xi1>, vector<512x4096xf32>
    %reduce_min3A_165 = arith.constant dense<0x7F800000> : vector<512xf32>
    %reduce_min3A_166 = vector.multi_reduction <minimumf>, %select_n3A_164, %reduce_min3A_165 [1] : vector<512x4096xf32> to vector<512xf32>
    %broadcast_in_dim3A_167 = vector.shape_cast %reduce_min3A_166 : vector<512xf32> to vector<512x1xf32>
    %eq3A_168 = vector.broadcast %broadcast_in_dim3A_167 : vector<512x1xf32> to vector<512x4096xf32>
    %eq3A_169 = arith.cmpf oeq, %convert_element_type3A_65, %eq3A_168 : vector<512x4096xf32>
    %jit3A_170 = arith.constant 0x7F800000 : f32
    %broadcast_in_dim3A_171 = vector.broadcast %jit3A_170 : f32 to vector<512x4096xf32>
    %select_n3A_172 = arith.select %eq3A_169, %broadcast_in_dim3A_171, %select_n3A_156 : vector<512x4096xi1>, vector<512x4096xf32>
    %reduce_min3A_173 = arith.constant dense<0x7F800000> : vector<512xf32>
    %reduce_min3A_174 = vector.multi_reduction <minimumf>, %select_n3A_172, %reduce_min3A_173 [1] : vector<512x4096xf32> to vector<512xf32>
    %broadcast_in_dim3A_175 = vector.shape_cast %reduce_min3A_174 : vector<512xf32> to vector<512x1xf32>
    %eq3A_176 = vector.broadcast %broadcast_in_dim3A_175 : vector<512x1xf32> to vector<512x4096xf32>
    %eq3A_177 = arith.cmpf oeq, %select_n3A_172, %eq3A_176 : vector<512x4096xf32>
    %jit3A_178 = arith.constant 1.000000e+09 : f32
    %broadcast_in_dim3A_179 = vector.broadcast %jit3A_178 : f32 to vector<512x4096xf32>
    %select_n3A_180 = arith.select %eq3A_177, %convert_element_type3A_65, %broadcast_in_dim3A_179 : vector<512x4096xi1>, vector<512x4096xf32>
    %reduce_min3A_181 = arith.constant dense<0x7F800000> : vector<512xf32>
    %reduce_min3A_182 = vector.multi_reduction <minimumf>, %select_n3A_180, %reduce_min3A_181 [1] : vector<512x4096xf32> to vector<512xf32>
    %broadcast_in_dim3A_183 = vector.shape_cast %reduce_min3A_182 : vector<512xf32> to vector<512x1xf32>
    %eq3A_184 = vector.broadcast %broadcast_in_dim3A_183 : vector<512x1xf32> to vector<512x4096xf32>
    %eq3A_185 = arith.cmpf oeq, %convert_element_type3A_65, %eq3A_184 : vector<512x4096xf32>
    %jit3A_186 = arith.constant 0x7F800000 : f32
    %broadcast_in_dim3A_187 = vector.broadcast %jit3A_186 : f32 to vector<512x4096xf32>
    %select_n3A_188 = arith.select %eq3A_185, %broadcast_in_dim3A_187, %select_n3A_172 : vector<512x4096xi1>, vector<512x4096xf32>
    %reduce_min3A_189 = arith.constant dense<0x7F800000> : vector<512xf32>
    %reduce_min3A_190 = vector.multi_reduction <minimumf>, %select_n3A_188, %reduce_min3A_189 [1] : vector<512x4096xf32> to vector<512xf32>
    %broadcast_in_dim3A_191 = vector.shape_cast %reduce_min3A_190 : vector<512xf32> to vector<512x1xf32>
    %eq3A_192 = vector.broadcast %broadcast_in_dim3A_191 : vector<512x1xf32> to vector<512x4096xf32>
    %eq3A_193 = arith.cmpf oeq, %select_n3A_188, %eq3A_192 : vector<512x4096xf32>
    %jit3A_194 = arith.constant 1.000000e+09 : f32
    %broadcast_in_dim3A_195 = vector.broadcast %jit3A_194 : f32 to vector<512x4096xf32>
    %select_n3A_196 = arith.select %eq3A_193, %convert_element_type3A_65, %broadcast_in_dim3A_195 : vector<512x4096xi1>, vector<512x4096xf32>
    %reduce_min3A_197 = arith.constant dense<0x7F800000> : vector<512xf32>
    %reduce_min3A_198 = vector.multi_reduction <minimumf>, %select_n3A_196, %reduce_min3A_197 [1] : vector<512x4096xf32> to vector<512xf32>
    %broadcast_in_dim3A_199 = vector.shape_cast %reduce_min3A_198 : vector<512xf32> to vector<512x1xf32>
    %eq3A_200 = vector.broadcast %broadcast_in_dim3A_199 : vector<512x1xf32> to vector<512x4096xf32>
    %eq3A_201 = arith.cmpf oeq, %convert_element_type3A_65, %eq3A_200 : vector<512x4096xf32>
    %jit3A_202 = arith.constant 0x7F800000 : f32
    %broadcast_in_dim3A_203 = vector.broadcast %jit3A_202 : f32 to vector<512x4096xf32>
    %select_n3A_204 = arith.select %eq3A_201, %broadcast_in_dim3A_203, %select_n3A_188 : vector<512x4096xi1>, vector<512x4096xf32>
    %reduce_min3A_205 = arith.constant dense<0x7F800000> : vector<512xf32>
    %reduce_min3A_206 = vector.multi_reduction <minimumf>, %select_n3A_204, %reduce_min3A_205 [1] : vector<512x4096xf32> to vector<512xf32>
    %broadcast_in_dim3A_207 = vector.shape_cast %reduce_min3A_206 : vector<512xf32> to vector<512x1xf32>
    %eq3A_208 = vector.broadcast %broadcast_in_dim3A_207 : vector<512x1xf32> to vector<512x4096xf32>
    %eq3A_209 = arith.cmpf oeq, %select_n3A_204, %eq3A_208 : vector<512x4096xf32>
    %jit3A_210 = arith.constant 1.000000e+09 : f32
    %broadcast_in_dim3A_211 = vector.broadcast %jit3A_210 : f32 to vector<512x4096xf32>
    %select_n3A_212 = arith.select %eq3A_209, %convert_element_type3A_65, %broadcast_in_dim3A_211 : vector<512x4096xi1>, vector<512x4096xf32>
    %reduce_min3A_213 = arith.constant dense<0x7F800000> : vector<512xf32>
    %reduce_min3A_214 = vector.multi_reduction <minimumf>, %select_n3A_212, %reduce_min3A_213 [1] : vector<512x4096xf32> to vector<512xf32>
    %broadcast_in_dim3A_215 = vector.shape_cast %reduce_min3A_214 : vector<512xf32> to vector<512x1xf32>
    %eq3A_216 = vector.broadcast %broadcast_in_dim3A_215 : vector<512x1xf32> to vector<512x4096xf32>
    %eq3A_217 = arith.cmpf oeq, %convert_element_type3A_65, %eq3A_216 : vector<512x4096xf32>
    %jit3A_218 = arith.constant 0x7F800000 : f32
    %broadcast_in_dim3A_219 = vector.broadcast %jit3A_218 : f32 to vector<512x4096xf32>
    %select_n3A_220 = arith.select %eq3A_217, %broadcast_in_dim3A_219, %select_n3A_204 : vector<512x4096xi1>, vector<512x4096xf32>
    %reduce_min3A_221 = arith.constant dense<0x7F800000> : vector<512xf32>
    %reduce_min3A_222 = vector.multi_reduction <minimumf>, %select_n3A_220, %reduce_min3A_221 [1] : vector<512x4096xf32> to vector<512xf32>
    %broadcast_in_dim3A_223 = vector.shape_cast %reduce_min3A_222 : vector<512xf32> to vector<512x1xf32>
    %eq3A_224 = vector.broadcast %broadcast_in_dim3A_223 : vector<512x1xf32> to vector<512x4096xf32>
    %eq3A_225 = arith.cmpf oeq, %select_n3A_220, %eq3A_224 : vector<512x4096xf32>
    %jit3A_226 = arith.constant 1.000000e+09 : f32
    %broadcast_in_dim3A_227 = vector.broadcast %jit3A_226 : f32 to vector<512x4096xf32>
    %select_n3A_228 = arith.select %eq3A_225, %convert_element_type3A_65, %broadcast_in_dim3A_227 : vector<512x4096xi1>, vector<512x4096xf32>
    %reduce_min3A_229 = arith.constant dense<0x7F800000> : vector<512xf32>
    %reduce_min3A_230 = vector.multi_reduction <minimumf>, %select_n3A_228, %reduce_min3A_229 [1] : vector<512x4096xf32> to vector<512xf32>
    %broadcast_in_dim3A_231 = vector.shape_cast %reduce_min3A_230 : vector<512xf32> to vector<512x1xf32>
    %eq3A_232 = vector.broadcast %broadcast_in_dim3A_231 : vector<512x1xf32> to vector<512x4096xf32>
    %eq3A_233 = arith.cmpf oeq, %convert_element_type3A_65, %eq3A_232 : vector<512x4096xf32>
    %jit3A_234 = arith.constant 0x7F800000 : f32
    %broadcast_in_dim3A_235 = vector.broadcast %jit3A_234 : f32 to vector<512x4096xf32>
    %select_n3A_236 = arith.select %eq3A_233, %broadcast_in_dim3A_235, %select_n3A_220 : vector<512x4096xi1>, vector<512x4096xf32>
    %reduce_min3A_237 = arith.constant dense<0x7F800000> : vector<512xf32>
    %reduce_min3A_238 = vector.multi_reduction <minimumf>, %select_n3A_236, %reduce_min3A_237 [1] : vector<512x4096xf32> to vector<512xf32>
    %broadcast_in_dim3A_239 = vector.shape_cast %reduce_min3A_238 : vector<512xf32> to vector<512x1xf32>
    %eq3A_240 = vector.broadcast %broadcast_in_dim3A_239 : vector<512x1xf32> to vector<512x4096xf32>
    %eq3A_241 = arith.cmpf oeq, %select_n3A_236, %eq3A_240 : vector<512x4096xf32>
    %jit3A_242 = arith.constant 1.000000e+09 : f32
    %broadcast_in_dim3A_243 = vector.broadcast %jit3A_242 : f32 to vector<512x4096xf32>
    %select_n3A_244 = arith.select %eq3A_241, %convert_element_type3A_65, %broadcast_in_dim3A_243 : vector<512x4096xi1>, vector<512x4096xf32>
    %reduce_min3A_245 = arith.constant dense<0x7F800000> : vector<512xf32>
    %reduce_min3A_246 = vector.multi_reduction <minimumf>, %select_n3A_244, %reduce_min3A_245 [1] : vector<512x4096xf32> to vector<512xf32>
    %broadcast_in_dim3A_247 = vector.shape_cast %reduce_min3A_246 : vector<512xf32> to vector<512x1xf32>
    %eq3A_248 = vector.broadcast %broadcast_in_dim3A_247 : vector<512x1xf32> to vector<512x4096xf32>
    %eq3A_249 = arith.cmpf oeq, %convert_element_type3A_65, %eq3A_248 : vector<512x4096xf32>
    %jit3A_250 = arith.constant 0x7F800000 : f32
    %broadcast_in_dim3A_251 = vector.broadcast %jit3A_250 : f32 to vector<512x4096xf32>
    %select_n3A_252 = arith.select %eq3A_249, %broadcast_in_dim3A_251, %select_n3A_236 : vector<512x4096xi1>, vector<512x4096xf32>
    %reduce_min3A_253 = arith.constant dense<0x7F800000> : vector<512xf32>
    %reduce_min3A_254 = vector.multi_reduction <minimumf>, %select_n3A_252, %reduce_min3A_253 [1] : vector<512x4096xf32> to vector<512xf32>
    %broadcast_in_dim3A_255 = vector.shape_cast %reduce_min3A_254 : vector<512xf32> to vector<512x1xf32>
    %eq3A_256 = vector.broadcast %broadcast_in_dim3A_255 : vector<512x1xf32> to vector<512x4096xf32>
    %eq3A_257 = arith.cmpf oeq, %select_n3A_252, %eq3A_256 : vector<512x4096xf32>
    %jit3A_258 = arith.constant 1.000000e+09 : f32
    %broadcast_in_dim3A_259 = vector.broadcast %jit3A_258 : f32 to vector<512x4096xf32>
    %select_n3A_260 = arith.select %eq3A_257, %convert_element_type3A_65, %broadcast_in_dim3A_259 : vector<512x4096xi1>, vector<512x4096xf32>
    %reduce_min3A_261 = arith.constant dense<0x7F800000> : vector<512xf32>
    %reduce_min3A_262 = vector.multi_reduction <minimumf>, %select_n3A_260, %reduce_min3A_261 [1] : vector<512x4096xf32> to vector<512xf32>
    %broadcast_in_dim3A_263 = vector.shape_cast %reduce_min3A_262 : vector<512xf32> to vector<512x1xf32>
    %eq3A_264 = vector.broadcast %broadcast_in_dim3A_263 : vector<512x1xf32> to vector<512x4096xf32>
    %eq3A_265 = arith.cmpf oeq, %convert_element_type3A_65, %eq3A_264 : vector<512x4096xf32>
    %jit3A_266 = arith.constant 0x7F800000 : f32
    %broadcast_in_dim3A_267 = vector.broadcast %jit3A_266 : f32 to vector<512x4096xf32>
    %select_n3A_268 = arith.select %eq3A_265, %broadcast_in_dim3A_267, %select_n3A_252 : vector<512x4096xi1>, vector<512x4096xf32>
    %reduce_min3A_269 = arith.constant dense<0x7F800000> : vector<512xf32>
    %reduce_min3A_270 = vector.multi_reduction <minimumf>, %select_n3A_268, %reduce_min3A_269 [1] : vector<512x4096xf32> to vector<512xf32>
    %broadcast_in_dim3A_271 = vector.shape_cast %reduce_min3A_270 : vector<512xf32> to vector<512x1xf32>
    %eq3A_272 = vector.broadcast %broadcast_in_dim3A_271 : vector<512x1xf32> to vector<512x4096xf32>
    %eq3A_273 = arith.cmpf oeq, %select_n3A_268, %eq3A_272 : vector<512x4096xf32>
    %jit3A_274 = arith.constant 1.000000e+09 : f32
    %broadcast_in_dim3A_275 = vector.broadcast %jit3A_274 : f32 to vector<512x4096xf32>
    %select_n3A_276 = arith.select %eq3A_273, %convert_element_type3A_65, %broadcast_in_dim3A_275 : vector<512x4096xi1>, vector<512x4096xf32>
    %reduce_min3A_277 = arith.constant dense<0x7F800000> : vector<512xf32>
    %reduce_min3A_278 = vector.multi_reduction <minimumf>, %select_n3A_276, %reduce_min3A_277 [1] : vector<512x4096xf32> to vector<512xf32>
    %broadcast_in_dim3A_279 = vector.shape_cast %reduce_min3A_278 : vector<512xf32> to vector<512x1xf32>
    %eq3A_280 = vector.broadcast %broadcast_in_dim3A_279 : vector<512x1xf32> to vector<512x4096xf32>
    %eq3A_281 = arith.cmpf oeq, %convert_element_type3A_65, %eq3A_280 : vector<512x4096xf32>
    %jit3A_282 = arith.constant 0x7F800000 : f32
    %broadcast_in_dim3A_283 = vector.broadcast %jit3A_282 : f32 to vector<512x4096xf32>
    %select_n3A_284 = arith.select %eq3A_281, %broadcast_in_dim3A_283, %select_n3A_268 : vector<512x4096xi1>, vector<512x4096xf32>
    %reduce_min3A_285 = arith.constant dense<0x7F800000> : vector<512xf32>
    %reduce_min3A_286 = vector.multi_reduction <minimumf>, %select_n3A_284, %reduce_min3A_285 [1] : vector<512x4096xf32> to vector<512xf32>
    %broadcast_in_dim3A_287 = vector.shape_cast %reduce_min3A_286 : vector<512xf32> to vector<512x1xf32>
    %eq3A_288 = vector.broadcast %broadcast_in_dim3A_287 : vector<512x1xf32> to vector<512x4096xf32>
    %eq3A_289 = arith.cmpf oeq, %select_n3A_284, %eq3A_288 : vector<512x4096xf32>
    %jit3A_290 = arith.constant 1.000000e+09 : f32
    %broadcast_in_dim3A_291 = vector.broadcast %jit3A_290 : f32 to vector<512x4096xf32>
    %select_n3A_292 = arith.select %eq3A_289, %convert_element_type3A_65, %broadcast_in_dim3A_291 : vector<512x4096xi1>, vector<512x4096xf32>
    %reduce_min3A_293 = arith.constant dense<0x7F800000> : vector<512xf32>
    %reduce_min3A_294 = vector.multi_reduction <minimumf>, %select_n3A_292, %reduce_min3A_293 [1] : vector<512x4096xf32> to vector<512xf32>
    %broadcast_in_dim3A_295 = vector.shape_cast %reduce_min3A_294 : vector<512xf32> to vector<512x1xf32>
    %eq3A_296 = vector.broadcast %broadcast_in_dim3A_295 : vector<512x1xf32> to vector<512x4096xf32>
    %eq3A_297 = arith.cmpf oeq, %convert_element_type3A_65, %eq3A_296 : vector<512x4096xf32>
    %jit3A_298 = arith.constant 0x7F800000 : f32
    %broadcast_in_dim3A_299 = vector.broadcast %jit3A_298 : f32 to vector<512x4096xf32>
    %select_n3A_300 = arith.select %eq3A_297, %broadcast_in_dim3A_299, %select_n3A_284 : vector<512x4096xi1>, vector<512x4096xf32>
    %reduce_min3A_301 = arith.constant dense<0x7F800000> : vector<512xf32>
    %reduce_min3A_302 = vector.multi_reduction <minimumf>, %select_n3A_300, %reduce_min3A_301 [1] : vector<512x4096xf32> to vector<512xf32>
    %broadcast_in_dim3A_303 = vector.shape_cast %reduce_min3A_302 : vector<512xf32> to vector<512x1xf32>
    %eq3A_304 = vector.broadcast %broadcast_in_dim3A_303 : vector<512x1xf32> to vector<512x4096xf32>
    %eq3A_305 = arith.cmpf oeq, %select_n3A_300, %eq3A_304 : vector<512x4096xf32>
    %jit3A_306 = arith.constant 1.000000e+09 : f32
    %broadcast_in_dim3A_307 = vector.broadcast %jit3A_306 : f32 to vector<512x4096xf32>
    %select_n3A_308 = arith.select %eq3A_305, %convert_element_type3A_65, %broadcast_in_dim3A_307 : vector<512x4096xi1>, vector<512x4096xf32>
    %reduce_min3A_309 = arith.constant dense<0x7F800000> : vector<512xf32>
    %reduce_min3A_310 = vector.multi_reduction <minimumf>, %select_n3A_308, %reduce_min3A_309 [1] : vector<512x4096xf32> to vector<512xf32>
    %broadcast_in_dim3A_311 = vector.shape_cast %reduce_min3A_310 : vector<512xf32> to vector<512x1xf32>
    %concatenate3A = tpu.concatenate %broadcast_in_dim3A_71, %broadcast_in_dim3A_87, %broadcast_in_dim3A_103, %broadcast_in_dim3A_119, %broadcast_in_dim3A_135, %broadcast_in_dim3A_151, %broadcast_in_dim3A_167, %broadcast_in_dim3A_183, %broadcast_in_dim3A_199, %broadcast_in_dim3A_215, %broadcast_in_dim3A_231, %broadcast_in_dim3A_247, %broadcast_in_dim3A_263, %broadcast_in_dim3A_279, %broadcast_in_dim3A_295, %broadcast_in_dim3A_311 in 1 : vector<512x1xf32>, vector<512x1xf32>, vector<512x1xf32>, vector<512x1xf32>, vector<512x1xf32>, vector<512x1xf32>, vector<512x1xf32>, vector<512x1xf32>, vector<512x1xf32>, vector<512x1xf32>, vector<512x1xf32>, vector<512x1xf32>, vector<512x1xf32>, vector<512x1xf32>, vector<512x1xf32>, vector<512x1xf32> -> vector<512x16xf32>
    %convert_element_type3A_312 = arith.fptosi %concatenate3A : vector<512x16xf32> to vector<512x16xi32>
    %swap3A = arith.constant 0 : index
    %swap3A_313 = arith.constant 0 : index
    %swap3A_314 = arith.constant 0 : index
    %swap3A_315 = vector.load %arg4[%swap3A, %swap3A_313, %swap3A_314] : memref<1x512x16xi32, #tpu.memory_space<vmem>>, vector<1x512x16xi32>
    %swap3A_316 = vector.shape_cast %swap3A_315 : vector<1x512x16xi32> to vector<512x16xi32>
    %swap3A_317 = vector.shape_cast %convert_element_type3A_312 : vector<512x16xi32> to vector<1x512x16xi32>
    tpu.vector_store %arg4[%swap3A, %swap3A_313, %swap3A_314], %swap3A_317 {strides = array<i32>} : memref<1x512x16xi32, #tpu.memory_space<vmem>>, vector<1x512x16xi32>,
    return
  }
  func.func @transform_0(%arg0: i32, %arg1: i32) -> (i32, i32, i32) {
    %c0_i32 = arith.constant 0 : i32
    %c0_i32_0 = arith.constant 0 : i32
    return %arg0, %arg1, %c0_i32 : i32, i32, i32
  }
  func.func @transform_1(%arg0: i32, %arg1: i32) -> (i32, i32, i32) {
    %c0_i32 = arith.constant 0 : i32
    %c0_i32_0 = arith.constant 0 : i32
    %c0_i32_1 = arith.constant 0 : i32
    return %arg0, %c0_i32, %c0_i32_0 : i32, i32, i32
  }
  func.func @transform_2(%arg0: i32, %arg1: i32) -> (i32, i32, i32) {
    %c0_i32 = arith.constant 0 : i32
    %c0_i32_0 = arith.constant 0 : i32
    return %arg0, %arg1, %c0_i32 : i32, i32, i32
  }
}

module attributes {stable_mosaic.version = 14 : i64} {
  func.func @_proj_body(%arg0: i32, %arg1: i32, %arg2: memref<1x128x1024xf32, #tpu.memory_space<vmem>>, %arg3: memref<1x1024x3xf32, #tpu.memory_space<vmem>>, %arg4: memref<128x131xf32, #tpu.memory_space<vmem>>, %arg5: memref<1x1024x128xf32, #tpu.memory_space<vmem>>, %arg6: memref<1x1024x128xf32, #tpu.memory_space<vmem>>) attributes {dimension_semantics = [#tpu.dimension_semantics<arbitrary>, #tpu.dimension_semantics<arbitrary>], iteration_bounds = array<i64: 2, 4>, scalar_prefetch = 0 : i64, scratch_operands = 0 : i64, tpu.core_type = #tpu.core_type<tc>, window_params = [{transform_indices = @transform_0, window_bounds = array<i64: 1, 128, 1024>}, {transform_indices = @transform_1, window_bounds = array<i64: 1, 1024, 3>}, {pipeline_mode = #tpu.pipeline_mode<synchronous>, transform_indices = @transform_2, window_bounds = array<i64: 128, 131>}, {transform_indices = @transform_3, window_bounds = array<i64: 1, 1024, 128>}, {transform_indices = @transform_4, window_bounds = array<i64: 1, 1024, 128>}]} {
    %get3A = arith.constant 0 : index
    %get3A_0 = arith.constant 0 : index
    %get3A_1 = vector.load %arg4[%get3A, %get3A_0] : memref<128x131xf32, #tpu.memory_space<vmem>>, vector<128x128xf32>
    %get3A_2 = arith.constant 0 : index
    %get3A_3 = arith.constant 0 : index
    %get3A_4 = arith.constant 0 : index
    %get3A_5 = vector.load %arg2[%get3A_2, %get3A_3, %get3A_4] : memref<1x128x1024xf32, #tpu.memory_space<vmem>>, vector<1x128x1024xf32>
    %get3A_6 = vector.shape_cast %get3A_5 : vector<1x128x1024xf32> to vector<128x1024xf32>
    %dot_general3A = arith.constant dense<0.000000e+00> : vector<1024x128xf32>
    %dot_general3A_7 = tpu.matmul %get3A_6, %get3A_1, %dot_general3A {dimension_numbers = #tpu.dot_dimension_numbers<[0], [1], [1], [0], [0, 1, 1, 0], [], []>, transpose_lhs_hint = false} : vector<128x1024xf32>, vector<128x128xf32>, vector<1024x128xf32> -> vector<1024x128xf32>
    %get3A_8 = arith.constant 0 : index
    %get3A_9 = arith.constant 0 : index
    %get3A_10 = arith.constant 0 : index
    %get3A_11 = vector.load %arg3[%get3A_8, %get3A_9, %get3A_10] : memref<1x1024x3xf32, #tpu.memory_space<vmem>>, vector<1x1024x3xf32>
    %get3A_12 = vector.shape_cast %get3A_11 : vector<1x1024x3xf32> to vector<1024x3xf32>
    %slice3A = vector.extract_strided_slice %get3A_12 {offsets = [0, 0], sizes = [1024, 1], strides = [1, 1]} : vector<1024x3xf32> to vector<1024x1xf32>
    %get3A_13 = arith.constant 0 : index
    %get3A_14 = arith.constant 128 : index
    %get3A_15 = vector.load %arg4[%get3A_13, %get3A_14] : memref<128x131xf32, #tpu.memory_space<vmem>>, vector<128x1xf32>
    %transpose3A = tpu.transpose %get3A_15, [1, 0] : vector<128x1xf32> -> vector<1x128xf32>
    %mul3A = vector.broadcast %slice3A : vector<1024x1xf32> to vector<1024x128xf32>
    %mul3A_16 = vector.broadcast %transpose3A : vector<1x128xf32> to vector<1024x128xf32>
    %mul3A_17 = arith.mulf %mul3A, %mul3A_16 : vector<1024x128xf32>
    %slice3A_18 = vector.extract_strided_slice %get3A_12 {offsets = [0, 1], sizes = [1024, 1], strides = [1, 1]} : vector<1024x3xf32> to vector<1024x1xf32>
    %get3A_19 = arith.constant 0 : index
    %get3A_20 = arith.constant 129 : index
    %get3A_21 = vector.load %arg4[%get3A_19, %get3A_20] : memref<128x131xf32, #tpu.memory_space<vmem>>, vector<128x1xf32>
    %transpose3A_22 = tpu.transpose %get3A_21, [1, 0] : vector<128x1xf32> -> vector<1x128xf32>
    %mul3A_23 = vector.broadcast %slice3A_18 : vector<1024x1xf32> to vector<1024x128xf32>
    %mul3A_24 = vector.broadcast %transpose3A_22 : vector<1x128xf32> to vector<1024x128xf32>
    %mul3A_25 = arith.mulf %mul3A_23, %mul3A_24 : vector<1024x128xf32>
    %add3A = arith.addf %mul3A_17, %mul3A_25 : vector<1024x128xf32>
    %slice3A_26 = vector.extract_strided_slice %get3A_12 {offsets = [0, 2], sizes = [1024, 1], strides = [1, 1]} : vector<1024x3xf32> to vector<1024x1xf32>
    %get3A_27 = arith.constant 0 : index
    %get3A_28 = arith.constant 130 : index
    %get3A_29 = vector.load %arg4[%get3A_27, %get3A_28] : memref<128x131xf32, #tpu.memory_space<vmem>>, vector<128x1xf32>
    %transpose3A_30 = tpu.transpose %get3A_29, [1, 0] : vector<128x1xf32> -> vector<1x128xf32>
    %mul3A_31 = vector.broadcast %slice3A_26 : vector<1024x1xf32> to vector<1024x128xf32>
    %mul3A_32 = vector.broadcast %transpose3A_30 : vector<1x128xf32> to vector<1024x128xf32>
    %mul3A_33 = arith.mulf %mul3A_31, %mul3A_32 : vector<1024x128xf32>
    %add3A_34 = arith.addf %add3A, %mul3A_33 : vector<1024x128xf32>
    %swap3A = arith.constant 0 : index
    %swap3A_35 = arith.constant 0 : index
    %swap3A_36 = arith.constant 0 : index
    %swap3A_37 = vector.load %arg6[%swap3A, %swap3A_35, %swap3A_36] : memref<1x1024x128xf32, #tpu.memory_space<vmem>>, vector<1x1024x128xf32>
    %swap3A_38 = vector.shape_cast %swap3A_37 : vector<1x1024x128xf32> to vector<1024x128xf32>
    %swap3A_39 = vector.shape_cast %add3A_34 : vector<1024x128xf32> to vector<1x1024x128xf32>
    tpu.vector_store %arg6[%swap3A, %swap3A_35, %swap3A_36], %swap3A_39 {strides = array<i32>} : memref<1x1024x128xf32, #tpu.memory_space<vmem>>, vector<1x1024x128xf32>,
    %add3A_40 = arith.addf %dot_general3A_7, %add3A_34 : vector<1024x128xf32>
    %swap3A_41 = arith.constant 0 : index
    %swap3A_42 = arith.constant 0 : index
    %swap3A_43 = arith.constant 0 : index
    %swap3A_44 = vector.load %arg5[%swap3A_41, %swap3A_42, %swap3A_43] : memref<1x1024x128xf32, #tpu.memory_space<vmem>>, vector<1x1024x128xf32>
    %swap3A_45 = vector.shape_cast %swap3A_44 : vector<1x1024x128xf32> to vector<1024x128xf32>
    %swap3A_46 = vector.shape_cast %add3A_40 : vector<1024x128xf32> to vector<1x1024x128xf32>
    tpu.vector_store %arg5[%swap3A_41, %swap3A_42, %swap3A_43], %swap3A_46 {strides = array<i32>} : memref<1x1024x128xf32, #tpu.memory_space<vmem>>, vector<1x1024x128xf32>,
    return
  }
  func.func @transform_0(%arg0: i32, %arg1: i32) -> (i32, i32, i32) {
    %c0_i32 = arith.constant 0 : i32
    %c0_i32_0 = arith.constant 0 : i32
    return %arg0, %c0_i32, %arg1 : i32, i32, i32
  }
  func.func @transform_1(%arg0: i32, %arg1: i32) -> (i32, i32, i32) {
    %c0_i32 = arith.constant 0 : i32
    %c0_i32_0 = arith.constant 0 : i32
    return %arg0, %arg1, %c0_i32 : i32, i32, i32
  }
  func.func @transform_2(%arg0: i32, %arg1: i32) -> (i32, i32) {
    %c0_i32 = arith.constant 0 : i32
    %c0_i32_0 = arith.constant 0 : i32
    %c0_i32_1 = arith.constant 0 : i32
    return %c0_i32, %c0_i32_0 : i32, i32
  }
  func.func @transform_3(%arg0: i32, %arg1: i32) -> (i32, i32, i32) {
    %c0_i32 = arith.constant 0 : i32
    %c0_i32_0 = arith.constant 0 : i32
    return %arg0, %arg1, %c0_i32 : i32, i32, i32
  }
  func.func @transform_4(%arg0: i32, %arg1: i32) -> (i32, i32, i32) {
    %c0_i32 = arith.constant 0 : i32
    %c0_i32_0 = arith.constant 0 : i32
    return %arg0, %arg1, %c0_i32 : i32, i32, i32
  }
}

module attributes {stable_mosaic.version = 14 : i64} {
  func.func @_conv2_body(%arg0: i32, %arg1: i32, %arg2: i32, %arg3: i32, %arg4: memref<1x1x2048x128xf32, #tpu.memory_space<vmem>>, %arg5: memref<1x1x2048x128xf32, #tpu.memory_space<vmem>>, %arg6: memref<128x128xf32, #tpu.memory_space<vmem>>, %arg7: memref<128xf32, #tpu.memory_space<vmem>>, %arg8: memref<128xf32, #tpu.memory_space<vmem>>, %arg9: memref<1x2048x128xf32, #tpu.memory_space<vmem>>, %arg10: memref<2x128xf32, #tpu.memory_space<vmem>>, %arg11: memref<2x128xf32, #tpu.memory_space<vmem>>) attributes {dimension_semantics = [#tpu.dimension_semantics<arbitrary>, #tpu.dimension_semantics<arbitrary>, #tpu.dimension_semantics<arbitrary>, #tpu.dimension_semantics<arbitrary>], iteration_bounds = array<i64: 2, 2, 2, 4>, scalar_prefetch = 0 : i64, scratch_operands = 1 : i64, tpu.core_type = #tpu.core_type<tc>, window_params = [{transform_indices = @transform_0, window_bounds = array<i64: 1, 1, 2048, 128>}, {transform_indices = @transform_1, window_bounds = array<i64: 1, 1, 2048, 128>}, {pipeline_mode = #tpu.pipeline_mode<synchronous>, transform_indices = @transform_2, window_bounds = array<i64: 128, 128>}, {pipeline_mode = #tpu.pipeline_mode<synchronous>, transform_indices = @transform_3, window_bounds = array<i64: 128>}, {pipeline_mode = #tpu.pipeline_mode<synchronous>, transform_indices = @transform_4, window_bounds = array<i64: 128>}, {transform_indices = @transform_5, window_bounds = array<i64: 1, 2048, 128>}, {pipeline_mode = #tpu.pipeline_mode<synchronous>, transform_indices = @transform_6, window_bounds = array<i64: 2, 128>}]} {
    %eq3A = arith.constant 0 : i32
    %eq3A_0 = arith.cmpi eq, %arg1, %eq3A : i32
    %eq3A_1 = arith.constant 0 : i32
    %eq3A_2 = arith.cmpi eq, %arg2, %eq3A_1 : i32
    %and3A = arith.andi %eq3A_0, %eq3A_2 : i1
    %eq3A_3 = arith.constant 0 : i32
    %eq3A_4 = arith.cmpi eq, %arg3, %eq3A_3 : i32
    %and3A_5 = arith.andi %and3A, %eq3A_4 : i1
    %get3A = arith.constant 0 : index
    %get3A_6 = arith.constant 0 : index
    %get3A_7 = arith.constant 0 : index
    %get3A_8 = arith.constant 0 : index
    %get3A_9 = vector.load %arg4[%get3A, %get3A_6, %get3A_7, %get3A_8] : memref<1x1x2048x128xf32, #tpu.memory_space<vmem>>, vector<1x1x2048x128xf32>
    %get3A_10 = vector.shape_cast %get3A_9 : vector<1x1x2048x128xf32> to vector<2048x128xf32>
    %get3A_11 = arith.constant 0 : index
    %get3A_12 = arith.constant 0 : index
    %get3A_13 = arith.constant 0 : index
    %get3A_14 = arith.constant 0 : index
    %get3A_15 = vector.load %arg5[%get3A_11, %get3A_12, %get3A_13, %get3A_14] : memref<1x1x2048x128xf32, #tpu.memory_space<vmem>>, vector<1x1x2048x128xf32>
    %get3A_16 = vector.shape_cast %get3A_15 : vector<1x1x2048x128xf32> to vector<2048x128xf32>
    %sub3A = arith.subf %get3A_10, %get3A_16 : vector<2048x128xf32>
    %eq3A_17 = arith.constant 0 : i32
    %eq3A_18 = arith.cmpi eq, %arg0, %eq3A_17 : i32
    %and3A_19 = arith.andi %eq3A_18, %and3A_5 : i1
    %convert_element_type3A = arith.extui %and3A_19 : i1 to i32
    %cond3A = arith.constant 0 : i32
    %cond3A_20 = arith.cmpi ne, %convert_element_type3A, %cond3A : i32
    scf.if %cond3A_20 {
      %broadcast_in_dim3A = arith.constant 0.000000e+00 : f32
      %broadcast_in_dim3A_31 = vector.broadcast %broadcast_in_dim3A : f32 to vector<2x128xf32>
      %swap3A = arith.constant 0 : index
      %swap3A_32 = arith.constant 0 : index
      %swap3A_33 = vector.load %arg11[%swap3A, %swap3A_32] : memref<2x128xf32, #tpu.memory_space<vmem>>, vector<2x128xf32>
      tpu.vector_store %arg11[%swap3A, %swap3A_32], %broadcast_in_dim3A_31 {strides = array<i32>} : memref<2x128xf32, #tpu.memory_space<vmem>>, vector<2x128xf32>,
      %broadcast_in_dim3A_34 = arith.constant 0.000000e+00 : f32
      %broadcast_in_dim3A_35 = vector.broadcast %broadcast_in_dim3A_34 : f32 to vector<2x128xf32>
      %swap3A_36 = arith.constant 0 : index
      %swap3A_37 = arith.constant 0 : index
      %swap3A_38 = vector.load %arg10[%swap3A_36, %swap3A_37] : memref<2x128xf32, #tpu.memory_space<vmem>>, vector<2x128xf32>
      tpu.vector_store %arg10[%swap3A_36, %swap3A_37], %broadcast_in_dim3A_35 {strides = array<i32>} : memref<2x128xf32, #tpu.memory_space<vmem>>, vector<2x128xf32>,
    } else {
    }
    %eq3A_21 = arith.constant 0 : i32
    %eq3A_22 = arith.cmpi eq, %arg0, %eq3A_21 : i32
    %convert_element_type3A_23 = arith.extui %eq3A_22 : i1 to i32
    %cond3A_24 = arith.constant 0 : i32
    %cond3A_25 = arith.cmpi ne, %convert_element_type3A_23, %cond3A_24 : i32
    scf.if %cond3A_25 {
      %get3A_31 = arith.constant 0 : index
      %get3A_32 = arith.constant 0 : index
      %get3A_33 = vector.load %arg11[%get3A_31, %get3A_32] : memref<2x128xf32, #tpu.memory_space<vmem>>, vector<1x128xf32>
      %reduce_sum3A = arith.constant dense<0.000000e+00> : vector<128xf32>
      %reduce_sum3A_34 = vector.multi_reduction <add>, %sub3A, %reduce_sum3A [0] : vector<2048x128xf32> to vector<128xf32>
      %broadcast_in_dim3A = vector.shape_cast %reduce_sum3A_34 : vector<128xf32> to vector<1x128xf32>
      %add3A = arith.addf %get3A_33, %broadcast_in_dim3A : vector<1x128xf32>
      %swap3A = arith.constant 0 : index
      %swap3A_35 = arith.constant 0 : index
      %swap3A_36 = vector.load %arg11[%swap3A, %swap3A_35] : memref<2x128xf32, #tpu.memory_space<vmem>>, vector<1x128xf32>
      tpu.vector_store %arg11[%swap3A, %swap3A_35], %add3A {strides = array<i32>} : memref<2x128xf32, #tpu.memory_space<vmem>>, vector<1x128xf32>,
      %get3A_37 = arith.constant 1 : index
      %get3A_38 = arith.constant 0 : index
      %get3A_39 = vector.load %arg11[%get3A_37, %get3A_38] : memref<2x128xf32, #tpu.memory_space<vmem>>, vector<1x128xf32>
      %mul3A = arith.mulf %sub3A, %sub3A : vector<2048x128xf32>
      %reduce_sum3A_40 = arith.constant dense<0.000000e+00> : vector<128xf32>
      %reduce_sum3A_41 = vector.multi_reduction <add>, %mul3A, %reduce_sum3A_40 [0] : vector<2048x128xf32> to vector<128xf32>
      %broadcast_in_dim3A_42 = vector.shape_cast %reduce_sum3A_41 : vector<128xf32> to vector<1x128xf32>
      %add3A_43 = arith.addf %get3A_39, %broadcast_in_dim3A_42 : vector<1x128xf32>
      %swap3A_44 = arith.constant 1 : index
      %swap3A_45 = arith.constant 0 : index
      %swap3A_46 = vector.load %arg11[%swap3A_44, %swap3A_45] : memref<2x128xf32, #tpu.memory_space<vmem>>, vector<1x128xf32>
      tpu.vector_store %arg11[%swap3A_44, %swap3A_45], %add3A_43 {strides = array<i32>} : memref<2x128xf32, #tpu.memory_space<vmem>>, vector<1x128xf32>,
    } else {
    }
    %eq3A_26 = arith.constant 1 : i32
    %eq3A_27 = arith.cmpi eq, %arg0, %eq3A_26 : i32
    %convert_element_type3A_28 = arith.extui %eq3A_27 : i1 to i32
    %cond3A_29 = arith.constant 0 : i32
    %cond3A_30 = arith.cmpi ne, %convert_element_type3A_28, %cond3A_29 : i32
    scf.if %cond3A_30 {
      %get3A_31 = arith.constant 0 : index
      %get3A_32 = vector.load %arg7[%get3A_31] : memref<128xf32, #tpu.memory_space<vmem>>, vector<128xf32>
      %get3A_33 = arith.constant 0 : index
      %get3A_34 = vector.load %arg8[%get3A_33] : memref<128xf32, #tpu.memory_space<vmem>>, vector<128xf32>
      %get3A_35 = arith.constant 0 : index
      %get3A_36 = arith.constant 0 : index
      %get3A_37 = vector.load %arg11[%get3A_35, %get3A_36] : memref<2x128xf32, #tpu.memory_space<vmem>>, vector<1x128xf32>
      %div3A = arith.constant 3.276800e+04 : f32
      %div3A_38 = vector.broadcast %div3A : f32 to vector<1x128xf32>
      %div3A_39 = arith.divf %get3A_37, %div3A_38 : vector<1x128xf32>
      %get3A_40 = arith.constant 1 : index
      %get3A_41 = arith.constant 0 : index
      %get3A_42 = vector.load %arg11[%get3A_40, %get3A_41] : memref<2x128xf32, #tpu.memory_space<vmem>>, vector<1x128xf32>
      %div3A_43 = arith.constant 3.276800e+04 : f32
      %div3A_44 = vector.broadcast %div3A_43 : f32 to vector<1x128xf32>
      %div3A_45 = arith.divf %get3A_42, %div3A_44 : vector<1x128xf32>
      %mul3A = arith.mulf %div3A_39, %div3A_39 : vector<1x128xf32>
      %sub3A_46 = arith.subf %div3A_45, %mul3A : vector<1x128xf32>
      %add3A = arith.constant 9.99999974E-6 : f32
      %add3A_47 = vector.broadcast %add3A : f32 to vector<1x128xf32>
      %add3A_48 = arith.addf %sub3A_46, %add3A_47 : vector<1x128xf32>
      %rsqrt3A = math.rsqrt %add3A_48 : vector<1x128xf32>
      %reshape3A = vector.shape_cast %get3A_32 : vector<128xf32> to vector<1x128xf32>
      %mul3A_49 = arith.mulf %rsqrt3A, %reshape3A : vector<1x128xf32>
      %reshape3A_50 = vector.shape_cast %get3A_34 : vector<128xf32> to vector<1x128xf32>
      %mul3A_51 = arith.mulf %div3A_39, %mul3A_49 : vector<1x128xf32>
      %sub3A_52 = arith.subf %reshape3A_50, %mul3A_51 : vector<1x128xf32>
      %mul3A_53 = vector.broadcast %mul3A_49 : vector<1x128xf32> to vector<2048x128xf32>
      %mul3A_54 = arith.mulf %sub3A, %mul3A_53 : vector<2048x128xf32>
      %add3A_55 = vector.broadcast %sub3A_52 : vector<1x128xf32> to vector<2048x128xf32>
      %add3A_56 = arith.addf %mul3A_54, %add3A_55 : vector<2048x128xf32>
      %max3A = arith.constant 0.000000e+00 : f32
      %max3A_57 = vector.broadcast %max3A : f32 to vector<2048x128xf32>
      %max3A_58 = arith.maximumf %add3A_56, %max3A_57 : vector<2048x128xf32>
      %get3A_59 = arith.constant 0 : index
      %get3A_60 = arith.constant 0 : index
      %get3A_61 = vector.load %arg6[%get3A_59, %get3A_60] : memref<128x128xf32, #tpu.memory_space<vmem>>, vector<128x128xf32>
      %dot_general3A = arith.constant dense<0.000000e+00> : vector<2048x128xf32>
      %dot_general3A_62 = tpu.matmul %max3A_58, %get3A_61, %dot_general3A {dimension_numbers = #tpu.dot_dimension_numbers<[1], [1], [0], [0], [0, 0, 1, 0], [], []>, transpose_lhs_hint = false} : vector<2048x128xf32>, vector<128x128xf32>, vector<2048x128xf32> -> vector<2048x128xf32>
      %get3A_63 = arith.constant 0 : index
      %get3A_64 = arith.constant 0 : index
      %get3A_65 = vector.load %arg10[%get3A_63, %get3A_64] : memref<2x128xf32, #tpu.memory_space<vmem>>, vector<1x128xf32>
      %reduce_sum3A = arith.constant dense<0.000000e+00> : vector<128xf32>
      %reduce_sum3A_66 = vector.multi_reduction <add>, %dot_general3A_62, %reduce_sum3A [0] : vector<2048x128xf32> to vector<128xf32>
      %broadcast_in_dim3A = vector.shape_cast %reduce_sum3A_66 : vector<128xf32> to vector<1x128xf32>
      %add3A_67 = arith.addf %get3A_65, %broadcast_in_dim3A : vector<1x128xf32>
      %swap3A = arith.constant 0 : index
      %swap3A_68 = arith.constant 0 : index
      %swap3A_69 = vector.load %arg10[%swap3A, %swap3A_68] : memref<2x128xf32, #tpu.memory_space<vmem>>, vector<1x128xf32>
      tpu.vector_store %arg10[%swap3A, %swap3A_68], %add3A_67 {strides = array<i32>} : memref<2x128xf32, #tpu.memory_space<vmem>>, vector<1x128xf32>,
      %get3A_70 = arith.constant 1 : index
      %get3A_71 = arith.constant 0 : index
      %get3A_72 = vector.load %arg10[%get3A_70, %get3A_71] : memref<2x128xf32, #tpu.memory_space<vmem>>, vector<1x128xf32>
      %mul3A_73 = arith.mulf %dot_general3A_62, %dot_general3A_62 : vector<2048x128xf32>
      %reduce_sum3A_74 = arith.constant dense<0.000000e+00> : vector<128xf32>
      %reduce_sum3A_75 = vector.multi_reduction <add>, %mul3A_73, %reduce_sum3A_74 [0] : vector<2048x128xf32> to vector<128xf32>
      %broadcast_in_dim3A_76 = vector.shape_cast %reduce_sum3A_75 : vector<128xf32> to vector<1x128xf32>
      %add3A_77 = arith.addf %get3A_72, %broadcast_in_dim3A_76 : vector<1x128xf32>
      %swap3A_78 = arith.constant 1 : index
      %swap3A_79 = arith.constant 0 : index
      %swap3A_80 = vector.load %arg10[%swap3A_78, %swap3A_79] : memref<2x128xf32, #tpu.memory_space<vmem>>, vector<1x128xf32>
      tpu.vector_store %arg10[%swap3A_78, %swap3A_79], %add3A_77 {strides = array<i32>} : memref<2x128xf32, #tpu.memory_space<vmem>>, vector<1x128xf32>,
      %eq3A_81 = arith.constant 0 : i32
      %eq3A_82 = arith.cmpi eq, %arg3, %eq3A_81 : i32
      %convert_element_type3A_83 = arith.extui %eq3A_82 : i1 to i32
      %cond3A_84 = arith.constant 0 : i32
      %cond3A_85 = arith.cmpi ne, %convert_element_type3A_83, %cond3A_84 : i32
      scf.if %cond3A_85 {
        %swap3A_90 = arith.constant 0 : index
        %swap3A_91 = arith.constant 0 : index
        %swap3A_92 = arith.constant 0 : index
        %swap3A_93 = vector.load %arg9[%swap3A_90, %swap3A_91, %swap3A_92] : memref<1x2048x128xf32, #tpu.memory_space<vmem>>, vector<1x2048x128xf32>
        %swap3A_94 = vector.shape_cast %swap3A_93 : vector<1x2048x128xf32> to vector<2048x128xf32>
        %swap3A_95 = vector.shape_cast %dot_general3A_62 : vector<2048x128xf32> to vector<1x2048x128xf32>
        tpu.vector_store %arg9[%swap3A_90, %swap3A_91, %swap3A_92], %swap3A_95 {strides = array<i32>} : memref<1x2048x128xf32, #tpu.memory_space<vmem>>, vector<1x2048x128xf32>,
      } else {
      }
      %gt3A = arith.constant 0 : i32
      %gt3A_86 = arith.cmpi sgt, %arg3, %gt3A : i32
      %convert_element_type3A_87 = arith.extui %gt3A_86 : i1 to i32
      %cond3A_88 = arith.constant 0 : i32
      %cond3A_89 = arith.cmpi ne, %convert_element_type3A_87, %cond3A_88 : i32
      scf.if %cond3A_89 {
        %get3A_90 = arith.constant 0 : index
        %get3A_91 = arith.constant 0 : index
        %get3A_92 = arith.constant 0 : index
        %get3A_93 = vector.load %arg9[%get3A_90, %get3A_91, %get3A_92] : memref<1x2048x128xf32, #tpu.memory_space<vmem>>, vector<1x2048x128xf32>
        %get3A_94 = vector.shape_cast %get3A_93 : vector<1x2048x128xf32> to vector<2048x128xf32>
        %max3A_95 = arith.maximumf %get3A_94, %dot_general3A_62 : vector<2048x128xf32>
        %swap3A_96 = arith.constant 0 : index
        %swap3A_97 = arith.constant 0 : index
        %swap3A_98 = arith.constant 0 : index
        %swap3A_99 = vector.load %arg9[%swap3A_96, %swap3A_97, %swap3A_98] : memref<1x2048x128xf32, #tpu.memory_space<vmem>>, vector<1x2048x128xf32>
        %swap3A_100 = vector.shape_cast %swap3A_99 : vector<1x2048x128xf32> to vector<2048x128xf32>
        %swap3A_101 = vector.shape_cast %max3A_95 : vector<2048x128xf32> to vector<1x2048x128xf32>
        tpu.vector_store %arg9[%swap3A_96, %swap3A_97, %swap3A_98], %swap3A_101 {strides = array<i32>} : memref<1x2048x128xf32, #tpu.memory_space<vmem>>, vector<1x2048x128xf32>,
      } else {
      }
    } else {
    }
    return
  }
  func.func @transform_0(%arg0: i32, %arg1: i32, %arg2: i32, %arg3: i32) -> (i32, i32, i32, i32) {
    %c0_i32 = arith.constant 0 : i32
    %c0_i32_0 = arith.constant 0 : i32
    return %arg1, %arg3, %arg2, %c0_i32 : i32, i32, i32, i32
  }
  func.func @transform_1(%arg0: i32, %arg1: i32, %arg2: i32, %arg3: i32) -> (i32, i32, i32, i32) {
    %c0_i32 = arith.constant 0 : i32
    %c0_i32_0 = arith.constant 0 : i32
    %c0_i32_1 = arith.constant 0 : i32
    return %arg1, %c0_i32, %arg2, %c0_i32_0 : i32, i32, i32, i32
  }
  func.func @transform_2(%arg0: i32, %arg1: i32, %arg2: i32, %arg3: i32) -> (i32, i32) {
    %c0_i32 = arith.constant 0 : i32
    %c0_i32_0 = arith.constant 0 : i32
    %c0_i32_1 = arith.constant 0 : i32
    return %c0_i32, %c0_i32_0 : i32, i32
  }
  func.func @transform_3(%arg0: i32, %arg1: i32, %arg2: i32, %arg3: i32) -> i32 {
    %c0_i32 = arith.constant 0 : i32
    %c0_i32_0 = arith.constant 0 : i32
    return %c0_i32 : i32
  }
  func.func @transform_4(%arg0: i32, %arg1: i32, %arg2: i32, %arg3: i32) -> i32 {
    %c0_i32 = arith.constant 0 : i32
    %c0_i32_0 = arith.constant 0 : i32
    return %c0_i32 : i32
  }
  func.func @transform_5(%arg0: i32, %arg1: i32, %arg2: i32, %arg3: i32) -> (i32, i32, i32) {
    %mul3A = arith.muli %arg1, %arg0 : i32
    %mul3A_0 = arith.muli %arg2, %arg0 : i32
    %c0_i32 = arith.constant 0 : i32
    %c0_i32_1 = arith.constant 0 : i32
    return %mul3A, %mul3A_0, %c0_i32 : i32, i32, i32
  }
  func.func @transform_6(%arg0: i32, %arg1: i32, %arg2: i32, %arg3: i32) -> (i32, i32) {
    %c0_i32 = arith.constant 0 : i32
    %c0_i32_0 = arith.constant 0 : i32
    %c0_i32_1 = arith.constant 0 : i32
    return %c0_i32, %c0_i32_0 : i32, i32
  }
}

module attributes {stable_mosaic.version = 14 : i64} {
  func.func @_resid_body(%arg0: i32, %arg1: i32, %arg2: memref<1x2048x128xf32, #tpu.memory_space<vmem>>, %arg3: memref<1x128x2048xf32, #tpu.memory_space<vmem>>, %arg4: memref<2x128xf32, #tpu.memory_space<vmem>>, %arg5: memref<128xf32, #tpu.memory_space<vmem>>, %arg6: memref<128xf32, #tpu.memory_space<vmem>>, %arg7: memref<1x2048x128xf32, #tpu.memory_space<vmem>>, %arg8: memref<2x128xf32, #tpu.memory_space<vmem>>) attributes {dimension_semantics = [#tpu.dimension_semantics<arbitrary>, #tpu.dimension_semantics<arbitrary>], iteration_bounds = array<i64: 2, 2>, scalar_prefetch = 0 : i64, scratch_operands = 0 : i64, tpu.core_type = #tpu.core_type<tc>, window_params = [{transform_indices = @transform_0, window_bounds = array<i64: 1, 2048, 128>}, {transform_indices = @transform_1, window_bounds = array<i64: 1, 128, 2048>}, {pipeline_mode = #tpu.pipeline_mode<synchronous>, transform_indices = @transform_2, window_bounds = array<i64: 2, 128>}, {pipeline_mode = #tpu.pipeline_mode<synchronous>, transform_indices = @transform_3, window_bounds = array<i64: 128>}, {pipeline_mode = #tpu.pipeline_mode<synchronous>, transform_indices = @transform_4, window_bounds = array<i64: 128>}, {transform_indices = @transform_5, window_bounds = array<i64: 1, 2048, 128>}, {pipeline_mode = #tpu.pipeline_mode<synchronous>, transform_indices = @transform_6, window_bounds = array<i64: 2, 128>}]} {
    %eq3A = arith.constant 0 : i32
    %eq3A_0 = arith.cmpi eq, %arg0, %eq3A : i32
    %eq3A_1 = arith.constant 0 : i32
    %eq3A_2 = arith.cmpi eq, %arg1, %eq3A_1 : i32
    %and3A = arith.andi %eq3A_0, %eq3A_2 : i1
    %convert_element_type3A = arith.extui %and3A : i1 to i32
    %cond3A = arith.constant 0 : i32
    %cond3A_3 = arith.cmpi ne, %convert_element_type3A, %cond3A : i32
    scf.if %cond3A_3 {
      %broadcast_in_dim3A_65 = arith.constant 0.000000e+00 : f32
      %broadcast_in_dim3A_66 = vector.broadcast %broadcast_in_dim3A_65 : f32 to vector<2x128xf32>
      %swap3A_67 = arith.constant 0 : index
      %swap3A_68 = arith.constant 0 : index
      %swap3A_69 = vector.load %arg8[%swap3A_67, %swap3A_68] : memref<2x128xf32, #tpu.memory_space<vmem>>, vector<2x128xf32>
      tpu.vector_store %arg8[%swap3A_67, %swap3A_68], %broadcast_in_dim3A_66 {strides = array<i32>} : memref<2x128xf32, #tpu.memory_space<vmem>>, vector<2x128xf32>,
    } else {
    }
    %get3A = arith.constant 0 : index
    %get3A_4 = vector.load %arg5[%get3A] : memref<128xf32, #tpu.memory_space<vmem>>, vector<128xf32>
    %get3A_5 = arith.constant 0 : index
    %get3A_6 = vector.load %arg6[%get3A_5] : memref<128xf32, #tpu.memory_space<vmem>>, vector<128xf32>
    %get3A_7 = arith.constant 0 : index
    %get3A_8 = arith.constant 0 : index
    %get3A_9 = vector.load %arg4[%get3A_7, %get3A_8] : memref<2x128xf32, #tpu.memory_space<vmem>>, vector<1x128xf32>
    %div3A = arith.constant 3.276800e+04 : f32
    %div3A_10 = vector.broadcast %div3A : f32 to vector<1x128xf32>
    %div3A_11 = arith.divf %get3A_9, %div3A_10 : vector<1x128xf32>
    %get3A_12 = arith.constant 1 : index
    %get3A_13 = arith.constant 0 : index
    %get3A_14 = vector.load %arg4[%get3A_12, %get3A_13] : memref<2x128xf32, #tpu.memory_space<vmem>>, vector<1x128xf32>
    %div3A_15 = arith.constant 3.276800e+04 : f32
    %div3A_16 = vector.broadcast %div3A_15 : f32 to vector<1x128xf32>
    %div3A_17 = arith.divf %get3A_14, %div3A_16 : vector<1x128xf32>
    %mul3A = arith.mulf %div3A_11, %div3A_11 : vector<1x128xf32>
    %sub3A = arith.subf %div3A_17, %mul3A : vector<1x128xf32>
    %add3A = arith.constant 9.99999974E-6 : f32
    %add3A_18 = vector.broadcast %add3A : f32 to vector<1x128xf32>
    %add3A_19 = arith.addf %sub3A, %add3A_18 : vector<1x128xf32>
    %rsqrt3A = math.rsqrt %add3A_19 : vector<1x128xf32>
    %reshape3A = vector.shape_cast %get3A_4 : vector<128xf32> to vector<1x128xf32>
    %mul3A_20 = arith.mulf %rsqrt3A, %reshape3A : vector<1x128xf32>
    %reshape3A_21 = vector.shape_cast %get3A_6 : vector<128xf32> to vector<1x128xf32>
    %mul3A_22 = arith.mulf %div3A_11, %mul3A_20 : vector<1x128xf32>
    %sub3A_23 = arith.subf %reshape3A_21, %mul3A_22 : vector<1x128xf32>
    %get3A_24 = arith.constant 0 : index
    %get3A_25 = arith.constant 0 : index
    %get3A_26 = arith.constant 0 : index
    %get3A_27 = vector.load %arg2[%get3A_24, %get3A_25, %get3A_26] : memref<1x2048x128xf32, #tpu.memory_space<vmem>>, vector<1x2048x128xf32>
    %get3A_28 = vector.shape_cast %get3A_27 : vector<1x2048x128xf32> to vector<2048x128xf32>
    %mul3A_29 = vector.broadcast %mul3A_20 : vector<1x128xf32> to vector<2048x128xf32>
    %mul3A_30 = arith.mulf %get3A_28, %mul3A_29 : vector<2048x128xf32>
    %add3A_31 = vector.broadcast %sub3A_23 : vector<1x128xf32> to vector<2048x128xf32>
    %add3A_32 = arith.addf %mul3A_30, %add3A_31 : vector<2048x128xf32>
    %max3A = arith.constant 0.000000e+00 : f32
    %max3A_33 = vector.broadcast %max3A : f32 to vector<2048x128xf32>
    %max3A_34 = arith.maximumf %add3A_32, %max3A_33 : vector<2048x128xf32>
    %get3A_35 = arith.constant 0 : index
    %get3A_36 = arith.constant 0 : index
    %get3A_37 = arith.constant 0 : index
    %get3A_38 = vector.load %arg3[%get3A_35, %get3A_36, %get3A_37] : memref<1x128x2048xf32, #tpu.memory_space<vmem>>, vector<1x128x2048xf32>
    %get3A_39 = vector.shape_cast %get3A_38 : vector<1x128x2048xf32> to vector<128x2048xf32>
    %transpose3A = tpu.transpose %get3A_39, [1, 0] : vector<128x2048xf32> -> vector<2048x128xf32>
    %add3A_40 = arith.addf %transpose3A, %max3A_34 : vector<2048x128xf32>
    %swap3A = arith.constant 0 : index
    %swap3A_41 = arith.constant 0 : index
    %swap3A_42 = arith.constant 0 : index
    %swap3A_43 = vector.load %arg7[%swap3A, %swap3A_41, %swap3A_42] : memref<1x2048x128xf32, #tpu.memory_space<vmem>>, vector<1x2048x128xf32>
    %swap3A_44 = vector.shape_cast %swap3A_43 : vector<1x2048x128xf32> to vector<2048x128xf32>
    %swap3A_45 = vector.shape_cast %add3A_40 : vector<2048x128xf32> to vector<1x2048x128xf32>
    tpu.vector_store %arg7[%swap3A, %swap3A_41, %swap3A_42], %swap3A_45 {strides = array<i32>} : memref<1x2048x128xf32, #tpu.memory_space<vmem>>, vector<1x2048x128xf32>,
    %get3A_46 = arith.constant 0 : index
    %get3A_47 = arith.constant 0 : index
    %get3A_48 = vector.load %arg8[%get3A_46, %get3A_47] : memref<2x128xf32, #tpu.memory_space<vmem>>, vector<1x128xf32>
    %reduce_sum3A = arith.constant dense<0.000000e+00> : vector<128xf32>
    %reduce_sum3A_49 = vector.multi_reduction <add>, %add3A_40, %reduce_sum3A [0] : vector<2048x128xf32> to vector<128xf32>
    %broadcast_in_dim3A = vector.shape_cast %reduce_sum3A_49 : vector<128xf32> to vector<1x128xf32>
    %add3A_50 = arith.addf %get3A_48, %broadcast_in_dim3A : vector<1x128xf32>
    %swap3A_51 = arith.constant 0 : index
    %swap3A_52 = arith.constant 0 : index
    %swap3A_53 = vector.load %arg8[%swap3A_51, %swap3A_52] : memref<2x128xf32, #tpu.memory_space<vmem>>, vector<1x128xf32>
    tpu.vector_store %arg8[%swap3A_51, %swap3A_52], %add3A_50 {strides = array<i32>} : memref<2x128xf32, #tpu.memory_space<vmem>>, vector<1x128xf32>,
    %get3A_54 = arith.constant 1 : index
    %get3A_55 = arith.constant 0 : index
    %get3A_56 = vector.load %arg8[%get3A_54, %get3A_55] : memref<2x128xf32, #tpu.memory_space<vmem>>, vector<1x128xf32>
    %mul3A_57 = arith.mulf %add3A_40, %add3A_40 : vector<2048x128xf32>
    %reduce_sum3A_58 = arith.constant dense<0.000000e+00> : vector<128xf32>
    %reduce_sum3A_59 = vector.multi_reduction <add>, %mul3A_57, %reduce_sum3A_58 [0] : vector<2048x128xf32> to vector<128xf32>
    %broadcast_in_dim3A_60 = vector.shape_cast %reduce_sum3A_59 : vector<128xf32> to vector<1x128xf32>
    %add3A_61 = arith.addf %get3A_56, %broadcast_in_dim3A_60 : vector<1x128xf32>
    %swap3A_62 = arith.constant 1 : index
    %swap3A_63 = arith.constant 0 : index
    %swap3A_64 = vector.load %arg8[%swap3A_62, %swap3A_63] : memref<2x128xf32, #tpu.memory_space<vmem>>, vector<1x128xf32>
    tpu.vector_store %arg8[%swap3A_62, %swap3A_63], %add3A_61 {strides = array<i32>} : memref<2x128xf32, #tpu.memory_space<vmem>>, vector<1x128xf32>,
    return
  }
  func.func @transform_0(%arg0: i32, %arg1: i32) -> (i32, i32, i32) {
    %c0_i32 = arith.constant 0 : i32
    %c0_i32_0 = arith.constant 0 : i32
    return %arg0, %arg1, %c0_i32 : i32, i32, i32
  }
  func.func @transform_1(%arg0: i32, %arg1: i32) -> (i32, i32, i32) {
    %c0_i32 = arith.constant 0 : i32
    %c0_i32_0 = arith.constant 0 : i32
    return %arg0, %c0_i32, %arg1 : i32, i32, i32
  }
  func.func @transform_2(%arg0: i32, %arg1: i32) -> (i32, i32) {
    %c0_i32 = arith.constant 0 : i32
    %c0_i32_0 = arith.constant 0 : i32
    %c0_i32_1 = arith.constant 0 : i32
    return %c0_i32, %c0_i32_0 : i32, i32
  }
  func.func @transform_3(%arg0: i32, %arg1: i32) -> i32 {
    %c0_i32 = arith.constant 0 : i32
    %c0_i32_0 = arith.constant 0 : i32
    return %c0_i32 : i32
  }
  func.func @transform_4(%arg0: i32, %arg1: i32) -> i32 {
    %c0_i32 = arith.constant 0 : i32
    %c0_i32_0 = arith.constant 0 : i32
    return %c0_i32 : i32
  }
  func.func @transform_5(%arg0: i32, %arg1: i32) -> (i32, i32, i32) {
    %c0_i32 = arith.constant 0 : i32
    %c0_i32_0 = arith.constant 0 : i32
    return %arg0, %arg1, %c0_i32 : i32, i32, i32
  }
  func.func @transform_6(%arg0: i32, %arg1: i32) -> (i32, i32) {
    %c0_i32 = arith.constant 0 : i32
    %c0_i32_0 = arith.constant 0 : i32
    %c0_i32_1 = arith.constant 0 : i32
    return %c0_i32, %c0_i32_0 : i32, i32
  }
}

module attributes {stable_mosaic.version = 14 : i64} {
  func.func @_mlp1_body(%arg0: i32, %arg1: i32, %arg2: memref<1x2048x128xf32, #tpu.memory_space<vmem>>, %arg3: memref<2x128xf32, #tpu.memory_space<vmem>>, %arg4: memref<256x128xf32, #tpu.memory_space<vmem>>, %arg5: memref<128xf32, #tpu.memory_space<vmem>>, %arg6: memref<128xf32, #tpu.memory_space<vmem>>, %arg7: memref<1x2048x256xf32, #tpu.memory_space<vmem>>, %arg8: memref<2x256xf32, #tpu.memory_space<vmem>>) attributes {dimension_semantics = [#tpu.dimension_semantics<arbitrary>, #tpu.dimension_semantics<arbitrary>], iteration_bounds = array<i64: 2, 2>, scalar_prefetch = 0 : i64, scratch_operands = 0 : i64, tpu.core_type = #tpu.core_type<tc>, window_params = [{transform_indices = @transform_0, window_bounds = array<i64: 1, 2048, 128>}, {pipeline_mode = #tpu.pipeline_mode<synchronous>, transform_indices = @transform_1, window_bounds = array<i64: 2, 128>}, {pipeline_mode = #tpu.pipeline_mode<synchronous>, transform_indices = @transform_2, window_bounds = array<i64: 256, 128>}, {pipeline_mode = #tpu.pipeline_mode<synchronous>, transform_indices = @transform_3, window_bounds = array<i64: 128>}, {pipeline_mode = #tpu.pipeline_mode<synchronous>, transform_indices = @transform_4, window_bounds = array<i64: 128>}, {transform_indices = @transform_5, window_bounds = array<i64: 1, 2048, 256>}, {pipeline_mode = #tpu.pipeline_mode<synchronous>, transform_indices = @transform_6, window_bounds = array<i64: 2, 256>}]} {
    %eq3A = arith.constant 0 : i32
    %eq3A_0 = arith.cmpi eq, %arg0, %eq3A : i32
    %eq3A_1 = arith.constant 0 : i32
    %eq3A_2 = arith.cmpi eq, %arg1, %eq3A_1 : i32
    %and3A = arith.andi %eq3A_0, %eq3A_2 : i1
    %convert_element_type3A = arith.extui %and3A : i1 to i32
    %cond3A = arith.constant 0 : i32
    %cond3A_3 = arith.cmpi ne, %convert_element_type3A, %cond3A : i32
    scf.if %cond3A_3 {
      %broadcast_in_dim3A_61 = arith.constant 0.000000e+00 : f32
      %broadcast_in_dim3A_62 = vector.broadcast %broadcast_in_dim3A_61 : f32 to vector<2x256xf32>
      %swap3A_63 = arith.constant 0 : index
      %swap3A_64 = arith.constant 0 : index
      %swap3A_65 = vector.load %arg8[%swap3A_63, %swap3A_64] : memref<2x256xf32, #tpu.memory_space<vmem>>, vector<2x256xf32>
      tpu.vector_store %arg8[%swap3A_63, %swap3A_64], %broadcast_in_dim3A_62 {strides = array<i32>} : memref<2x256xf32, #tpu.memory_space<vmem>>, vector<2x256xf32>,
    } else {
    }
    %get3A = arith.constant 0 : index
    %get3A_4 = vector.load %arg5[%get3A] : memref<128xf32, #tpu.memory_space<vmem>>, vector<128xf32>
    %get3A_5 = arith.constant 0 : index
    %get3A_6 = vector.load %arg6[%get3A_5] : memref<128xf32, #tpu.memory_space<vmem>>, vector<128xf32>
    %get3A_7 = arith.constant 0 : index
    %get3A_8 = arith.constant 0 : index
    %get3A_9 = vector.load %arg3[%get3A_7, %get3A_8] : memref<2x128xf32, #tpu.memory_space<vmem>>, vector<1x128xf32>
    %div3A = arith.constant 8.192000e+03 : f32
    %div3A_10 = vector.broadcast %div3A : f32 to vector<1x128xf32>
    %div3A_11 = arith.divf %get3A_9, %div3A_10 : vector<1x128xf32>
    %get3A_12 = arith.constant 1 : index
    %get3A_13 = arith.constant 0 : index
    %get3A_14 = vector.load %arg3[%get3A_12, %get3A_13] : memref<2x128xf32, #tpu.memory_space<vmem>>, vector<1x128xf32>
    %div3A_15 = arith.constant 8.192000e+03 : f32
    %div3A_16 = vector.broadcast %div3A_15 : f32 to vector<1x128xf32>
    %div3A_17 = arith.divf %get3A_14, %div3A_16 : vector<1x128xf32>
    %mul3A = arith.mulf %div3A_11, %div3A_11 : vector<1x128xf32>
    %sub3A = arith.subf %div3A_17, %mul3A : vector<1x128xf32>
    %add3A = arith.constant 9.99999974E-6 : f32
    %add3A_18 = vector.broadcast %add3A : f32 to vector<1x128xf32>
    %add3A_19 = arith.addf %sub3A, %add3A_18 : vector<1x128xf32>
    %rsqrt3A = math.rsqrt %add3A_19 : vector<1x128xf32>
    %reshape3A = vector.shape_cast %get3A_4 : vector<128xf32> to vector<1x128xf32>
    %mul3A_20 = arith.mulf %rsqrt3A, %reshape3A : vector<1x128xf32>
    %reshape3A_21 = vector.shape_cast %get3A_6 : vector<128xf32> to vector<1x128xf32>
    %mul3A_22 = arith.mulf %div3A_11, %mul3A_20 : vector<1x128xf32>
    %sub3A_23 = arith.subf %reshape3A_21, %mul3A_22 : vector<1x128xf32>
    %get3A_24 = arith.constant 0 : index
    %get3A_25 = arith.constant 0 : index
    %get3A_26 = arith.constant 0 : index
    %get3A_27 = vector.load %arg2[%get3A_24, %get3A_25, %get3A_26] : memref<1x2048x128xf32, #tpu.memory_space<vmem>>, vector<1x2048x128xf32>
    %get3A_28 = vector.shape_cast %get3A_27 : vector<1x2048x128xf32> to vector<2048x128xf32>
    %mul3A_29 = vector.broadcast %mul3A_20 : vector<1x128xf32> to vector<2048x128xf32>
    %mul3A_30 = arith.mulf %get3A_28, %mul3A_29 : vector<2048x128xf32>
    %add3A_31 = vector.broadcast %sub3A_23 : vector<1x128xf32> to vector<2048x128xf32>
    %add3A_32 = arith.addf %mul3A_30, %add3A_31 : vector<2048x128xf32>
    %get3A_33 = arith.constant 0 : index
    %get3A_34 = arith.constant 0 : index
    %get3A_35 = vector.load %arg4[%get3A_33, %get3A_34] : memref<256x128xf32, #tpu.memory_space<vmem>>, vector<256x128xf32>
    %dot_general3A = arith.constant dense<0.000000e+00> : vector<2048x256xf32>
    %dot_general3A_36 = tpu.matmul %add3A_32, %get3A_35, %dot_general3A {dimension_numbers = #tpu.dot_dimension_numbers<[1], [1], [0], [0], [0, 0, 1, 0], [], []>, transpose_lhs_hint = false} : vector<2048x128xf32>, vector<256x128xf32>, vector<2048x256xf32> -> vector<2048x256xf32>
    %swap3A = arith.constant 0 : index
    %swap3A_37 = arith.constant 0 : index
    %swap3A_38 = arith.constant 0 : index
    %swap3A_39 = vector.load %arg7[%swap3A, %swap3A_37, %swap3A_38] : memref<1x2048x256xf32, #tpu.memory_space<vmem>>, vector<1x2048x256xf32>
    %swap3A_40 = vector.shape_cast %swap3A_39 : vector<1x2048x256xf32> to vector<2048x256xf32>
    %swap3A_41 = vector.shape_cast %dot_general3A_36 : vector<2048x256xf32> to vector<1x2048x256xf32>
    tpu.vector_store %arg7[%swap3A, %swap3A_37, %swap3A_38], %swap3A_41 {strides = array<i32>} : memref<1x2048x256xf32, #tpu.memory_space<vmem>>, vector<1x2048x256xf32>,
    %get3A_42 = arith.constant 0 : index
    %get3A_43 = arith.constant 0 : index
    %get3A_44 = vector.load %arg8[%get3A_42, %get3A_43] : memref<2x256xf32, #tpu.memory_space<vmem>>, vector<1x256xf32>
    %reduce_sum3A = arith.constant dense<0.000000e+00> : vector<256xf32>
    %reduce_sum3A_45 = vector.multi_reduction <add>, %dot_general3A_36, %reduce_sum3A [0] : vector<2048x256xf32> to vector<256xf32>
    %broadcast_in_dim3A = vector.shape_cast %reduce_sum3A_45 : vector<256xf32> to vector<1x256xf32>
    %add3A_46 = arith.addf %get3A_44, %broadcast_in_dim3A : vector<1x256xf32>
    %swap3A_47 = arith.constant 0 : index
    %swap3A_48 = arith.constant 0 : index
    %swap3A_49 = vector.load %arg8[%swap3A_47, %swap3A_48] : memref<2x256xf32, #tpu.memory_space<vmem>>, vector<1x256xf32>
    tpu.vector_store %arg8[%swap3A_47, %swap3A_48], %add3A_46 {strides = array<i32>} : memref<2x256xf32, #tpu.memory_space<vmem>>, vector<1x256xf32>,
    %get3A_50 = arith.constant 1 : index
    %get3A_51 = arith.constant 0 : index
    %get3A_52 = vector.load %arg8[%get3A_50, %get3A_51] : memref<2x256xf32, #tpu.memory_space<vmem>>, vector<1x256xf32>
    %mul3A_53 = arith.mulf %dot_general3A_36, %dot_general3A_36 : vector<2048x256xf32>
    %reduce_sum3A_54 = arith.constant dense<0.000000e+00> : vector<256xf32>
    %reduce_sum3A_55 = vector.multi_reduction <add>, %mul3A_53, %reduce_sum3A_54 [0] : vector<2048x256xf32> to vector<256xf32>
    %broadcast_in_dim3A_56 = vector.shape_cast %reduce_sum3A_55 : vector<256xf32> to vector<1x256xf32>
    %add3A_57 = arith.addf %get3A_52, %broadcast_in_dim3A_56 : vector<1x256xf32>
    %swap3A_58 = arith.constant 1 : index
    %swap3A_59 = arith.constant 0 : index
    %swap3A_60 = vector.load %arg8[%swap3A_58, %swap3A_59] : memref<2x256xf32, #tpu.memory_space<vmem>>, vector<1x256xf32>
    tpu.vector_store %arg8[%swap3A_58, %swap3A_59], %add3A_57 {strides = array<i32>} : memref<2x256xf32, #tpu.memory_space<vmem>>, vector<1x256xf32>,
    return
  }
  func.func @transform_0(%arg0: i32, %arg1: i32) -> (i32, i32, i32) {
    %c0_i32 = arith.constant 0 : i32
    %c0_i32_0 = arith.constant 0 : i32
    return %arg0, %arg1, %c0_i32 : i32, i32, i32
  }
  func.func @transform_1(%arg0: i32, %arg1: i32) -> (i32, i32) {
    %c0_i32 = arith.constant 0 : i32
    %c0_i32_0 = arith.constant 0 : i32
    %c0_i32_1 = arith.constant 0 : i32
    return %c0_i32, %c0_i32_0 : i32, i32
  }
  func.func @transform_2(%arg0: i32, %arg1: i32) -> (i32, i32) {
    %c0_i32 = arith.constant 0 : i32
    %c0_i32_0 = arith.constant 0 : i32
    %c0_i32_1 = arith.constant 0 : i32
    return %c0_i32, %c0_i32_0 : i32, i32
  }
  func.func @transform_3(%arg0: i32, %arg1: i32) -> i32 {
    %c0_i32 = arith.constant 0 : i32
    %c0_i32_0 = arith.constant 0 : i32
    return %c0_i32 : i32
  }
  func.func @transform_4(%arg0: i32, %arg1: i32) -> i32 {
    %c0_i32 = arith.constant 0 : i32
    %c0_i32_0 = arith.constant 0 : i32
    return %c0_i32 : i32
  }
  func.func @transform_5(%arg0: i32, %arg1: i32) -> (i32, i32, i32) {
    %c0_i32 = arith.constant 0 : i32
    %c0_i32_0 = arith.constant 0 : i32
    return %arg0, %arg1, %c0_i32 : i32, i32, i32
  }
  func.func @transform_6(%arg0: i32, %arg1: i32) -> (i32, i32) {
    %c0_i32 = arith.constant 0 : i32
    %c0_i32_0 = arith.constant 0 : i32
    %c0_i32_1 = arith.constant 0 : i32
    return %c0_i32, %c0_i32_0 : i32, i32
  }
}

module attributes {stable_mosaic.version = 14 : i64} {
  func.func @_mlp2_body(%arg0: i32, %arg1: i32, %arg2: memref<1x2048x256xf32, #tpu.memory_space<vmem>>, %arg3: memref<2x256xf32, #tpu.memory_space<vmem>>, %arg4: memref<1x2048x128xf32, #tpu.memory_space<vmem>>, %arg5: memref<2x128xf32, #tpu.memory_space<vmem>>, %arg6: memref<128x256xf32, #tpu.memory_space<vmem>>, %arg7: memref<256xf32, #tpu.memory_space<vmem>>, %arg8: memref<256xf32, #tpu.memory_space<vmem>>, %arg9: memref<128xf32, #tpu.memory_space<vmem>>, %arg10: memref<128xf32, #tpu.memory_space<vmem>>, %arg11: memref<1x2048x128xf32, #tpu.memory_space<vmem>>, %arg12: memref<2x128xf32, #tpu.memory_space<vmem>>) attributes {dimension_semantics = [#tpu.dimension_semantics<arbitrary>, #tpu.dimension_semantics<arbitrary>], iteration_bounds = array<i64: 2, 2>, scalar_prefetch = 0 : i64, scratch_operands = 0 : i64, tpu.core_type = #tpu.core_type<tc>, window_params = [{transform_indices = @transform_0, window_bounds = array<i64: 1, 2048, 256>}, {pipeline_mode = #tpu.pipeline_mode<synchronous>, transform_indices = @transform_1, window_bounds = array<i64: 2, 256>}, {transform_indices = @transform_2, window_bounds = array<i64: 1, 2048, 128>}, {pipeline_mode = #tpu.pipeline_mode<synchronous>, transform_indices = @transform_3, window_bounds = array<i64: 2, 128>}, {pipeline_mode = #tpu.pipeline_mode<synchronous>, transform_indices = @transform_4, window_bounds = array<i64: 128, 256>}, {pipeline_mode = #tpu.pipeline_mode<synchronous>, transform_indices = @transform_5, window_bounds = array<i64: 256>}, {pipeline_mode = #tpu.pipeline_mode<synchronous>, transform_indices = @transform_6, window_bounds = array<i64: 256>}, {pipeline_mode = #tpu.pipeline_mode<synchronous>, transform_indices = @transform_7, window_bounds = array<i64: 128>}, {pipeline_mode = #tpu.pipeline_mode<synchronous>, transform_indices = @transform_8, window_bounds = array<i64: 128>}, {transform_indices = @transform_9, window_bounds = array<i64: 1, 2048, 128>}, {pipeline_mode = #tpu.pipeline_mode<synchronous>, transform_indices = @transform_10, window_bounds = array<i64: 2, 128>}]} {
    %eq3A = arith.constant 0 : i32
    %eq3A_0 = arith.cmpi eq, %arg0, %eq3A : i32
    %eq3A_1 = arith.constant 0 : i32
    %eq3A_2 = arith.cmpi eq, %arg1, %eq3A_1 : i32
    %and3A = arith.andi %eq3A_0, %eq3A_2 : i1
    %convert_element_type3A = arith.extui %and3A : i1 to i32
    %cond3A = arith.constant 0 : i32
    %cond3A_3 = arith.cmpi ne, %convert_element_type3A, %cond3A : i32
    scf.if %cond3A_3 {
      %broadcast_in_dim3A_100 = arith.constant 0.000000e+00 : f32
      %broadcast_in_dim3A_101 = vector.broadcast %broadcast_in_dim3A_100 : f32 to vector<2x128xf32>
      %swap3A_102 = arith.constant 0 : index
      %swap3A_103 = arith.constant 0 : index
      %swap3A_104 = vector.load %arg12[%swap3A_102, %swap3A_103] : memref<2x128xf32, #tpu.memory_space<vmem>>, vector<2x128xf32>
      tpu.vector_store %arg12[%swap3A_102, %swap3A_103], %broadcast_in_dim3A_101 {strides = array<i32>} : memref<2x128xf32, #tpu.memory_space<vmem>>, vector<2x128xf32>,
    } else {
    }
    %get3A = arith.constant 0 : index
    %get3A_4 = vector.load %arg7[%get3A] : memref<256xf32, #tpu.memory_space<vmem>>, vector<256xf32>
    %get3A_5 = arith.constant 0 : index
    %get3A_6 = vector.load %arg8[%get3A_5] : memref<256xf32, #tpu.memory_space<vmem>>, vector<256xf32>
    %get3A_7 = arith.constant 0 : index
    %get3A_8 = arith.constant 0 : index
    %get3A_9 = vector.load %arg3[%get3A_7, %get3A_8] : memref<2x256xf32, #tpu.memory_space<vmem>>, vector<1x256xf32>
    %div3A = arith.constant 8.192000e+03 : f32
    %div3A_10 = vector.broadcast %div3A : f32 to vector<1x256xf32>
    %div3A_11 = arith.divf %get3A_9, %div3A_10 : vector<1x256xf32>
    %get3A_12 = arith.constant 1 : index
    %get3A_13 = arith.constant 0 : index
    %get3A_14 = vector.load %arg3[%get3A_12, %get3A_13] : memref<2x256xf32, #tpu.memory_space<vmem>>, vector<1x256xf32>
    %div3A_15 = arith.constant 8.192000e+03 : f32
    %div3A_16 = vector.broadcast %div3A_15 : f32 to vector<1x256xf32>
    %div3A_17 = arith.divf %get3A_14, %div3A_16 : vector<1x256xf32>
    %mul3A = arith.mulf %div3A_11, %div3A_11 : vector<1x256xf32>
    %sub3A = arith.subf %div3A_17, %mul3A : vector<1x256xf32>
    %add3A = arith.constant 9.99999974E-6 : f32
    %add3A_18 = vector.broadcast %add3A : f32 to vector<1x256xf32>
    %add3A_19 = arith.addf %sub3A, %add3A_18 : vector<1x256xf32>
    %rsqrt3A = math.rsqrt %add3A_19 : vector<1x256xf32>
    %reshape3A = vector.shape_cast %get3A_4 : vector<256xf32> to vector<1x256xf32>
    %mul3A_20 = arith.mulf %rsqrt3A, %reshape3A : vector<1x256xf32>
    %reshape3A_21 = vector.shape_cast %get3A_6 : vector<256xf32> to vector<1x256xf32>
    %mul3A_22 = arith.mulf %div3A_11, %mul3A_20 : vector<1x256xf32>
    %sub3A_23 = arith.subf %reshape3A_21, %mul3A_22 : vector<1x256xf32>
    %get3A_24 = arith.constant 0 : index
    %get3A_25 = arith.constant 0 : index
    %get3A_26 = arith.constant 0 : index
    %get3A_27 = vector.load %arg2[%get3A_24, %get3A_25, %get3A_26] : memref<1x2048x256xf32, #tpu.memory_space<vmem>>, vector<1x2048x256xf32>
    %get3A_28 = vector.shape_cast %get3A_27 : vector<1x2048x256xf32> to vector<2048x256xf32>
    %mul3A_29 = vector.broadcast %mul3A_20 : vector<1x256xf32> to vector<2048x256xf32>
    %mul3A_30 = arith.mulf %get3A_28, %mul3A_29 : vector<2048x256xf32>
    %add3A_31 = vector.broadcast %sub3A_23 : vector<1x256xf32> to vector<2048x256xf32>
    %add3A_32 = arith.addf %mul3A_30, %add3A_31 : vector<2048x256xf32>
    %max3A = arith.constant 0.000000e+00 : f32
    %max3A_33 = vector.broadcast %max3A : f32 to vector<2048x256xf32>
    %max3A_34 = arith.maximumf %add3A_32, %max3A_33 : vector<2048x256xf32>
    %get3A_35 = arith.constant 0 : index
    %get3A_36 = arith.constant 0 : index
    %get3A_37 = vector.load %arg6[%get3A_35, %get3A_36] : memref<128x256xf32, #tpu.memory_space<vmem>>, vector<128x256xf32>
    %dot_general3A = arith.constant dense<0.000000e+00> : vector<2048x128xf32>
    %dot_general3A_38 = tpu.matmul %max3A_34, %get3A_37, %dot_general3A {dimension_numbers = #tpu.dot_dimension_numbers<[1], [1], [0], [0], [0, 0, 1, 0], [], []>, transpose_lhs_hint = false} : vector<2048x256xf32>, vector<128x256xf32>, vector<2048x128xf32> -> vector<2048x128xf32>
    %get3A_39 = arith.constant 0 : index
    %get3A_40 = vector.load %arg9[%get3A_39] : memref<128xf32, #tpu.memory_space<vmem>>, vector<128xf32>
    %get3A_41 = arith.constant 0 : index
    %get3A_42 = vector.load %arg10[%get3A_41] : memref<128xf32, #tpu.memory_space<vmem>>, vector<128xf32>
    %get3A_43 = arith.constant 0 : index
    %get3A_44 = arith.constant 0 : index
    %get3A_45 = vector.load %arg5[%get3A_43, %get3A_44] : memref<2x128xf32, #tpu.memory_space<vmem>>, vector<1x128xf32>
    %div3A_46 = arith.constant 8.192000e+03 : f32
    %div3A_47 = vector.broadcast %div3A_46 : f32 to vector<1x128xf32>
    %div3A_48 = arith.divf %get3A_45, %div3A_47 : vector<1x128xf32>
    %get3A_49 = arith.constant 1 : index
    %get3A_50 = arith.constant 0 : index
    %get3A_51 = vector.load %arg5[%get3A_49, %get3A_50] : memref<2x128xf32, #tpu.memory_space<vmem>>, vector<1x128xf32>
    %div3A_52 = arith.constant 8.192000e+03 : f32
    %div3A_53 = vector.broadcast %div3A_52 : f32 to vector<1x128xf32>
    %div3A_54 = arith.divf %get3A_51, %div3A_53 : vector<1x128xf32>
    %mul3A_55 = arith.mulf %div3A_48, %div3A_48 : vector<1x128xf32>
    %sub3A_56 = arith.subf %div3A_54, %mul3A_55 : vector<1x128xf32>
    %add3A_57 = arith.constant 9.99999974E-6 : f32
    %add3A_58 = vector.broadcast %add3A_57 : f32 to vector<1x128xf32>
    %add3A_59 = arith.addf %sub3A_56, %add3A_58 : vector<1x128xf32>
    %rsqrt3A_60 = math.rsqrt %add3A_59 : vector<1x128xf32>
    %reshape3A_61 = vector.shape_cast %get3A_40 : vector<128xf32> to vector<1x128xf32>
    %mul3A_62 = arith.mulf %rsqrt3A_60, %reshape3A_61 : vector<1x128xf32>
    %reshape3A_63 = vector.shape_cast %get3A_42 : vector<128xf32> to vector<1x128xf32>
    %mul3A_64 = arith.mulf %div3A_48, %mul3A_62 : vector<1x128xf32>
    %sub3A_65 = arith.subf %reshape3A_63, %mul3A_64 : vector<1x128xf32>
    %get3A_66 = arith.constant 0 : index
    %get3A_67 = arith.constant 0 : index
    %get3A_68 = arith.constant 0 : index
    %get3A_69 = vector.load %arg4[%get3A_66, %get3A_67, %get3A_68] : memref<1x2048x128xf32, #tpu.memory_space<vmem>>, vector<1x2048x128xf32>
    %get3A_70 = vector.shape_cast %get3A_69 : vector<1x2048x128xf32> to vector<2048x128xf32>
    %mul3A_71 = vector.broadcast %mul3A_62 : vector<1x128xf32> to vector<2048x128xf32>
    %mul3A_72 = arith.mulf %get3A_70, %mul3A_71 : vector<2048x128xf32>
    %add3A_73 = vector.broadcast %sub3A_65 : vector<1x128xf32> to vector<2048x128xf32>
    %add3A_74 = arith.addf %mul3A_72, %add3A_73 : vector<2048x128xf32>
    %add3A_75 = arith.addf %add3A_74, %dot_general3A_38 : vector<2048x128xf32>
    %swap3A = arith.constant 0 : index
    %swap3A_76 = arith.constant 0 : index
    %swap3A_77 = arith.constant 0 : index
    %swap3A_78 = vector.load %arg11[%swap3A, %swap3A_76, %swap3A_77] : memref<1x2048x128xf32, #tpu.memory_space<vmem>>, vector<1x2048x128xf32>
    %swap3A_79 = vector.shape_cast %swap3A_78 : vector<1x2048x128xf32> to vector<2048x128xf32>
    %swap3A_80 = vector.shape_cast %add3A_75 : vector<2048x128xf32> to vector<1x2048x128xf32>
    tpu.vector_store %arg11[%swap3A, %swap3A_76, %swap3A_77], %swap3A_80 {strides = array<i32>} : memref<1x2048x128xf32, #tpu.memory_space<vmem>>, vector<1x2048x128xf32>,
    %get3A_81 = arith.constant 0 : index
    %get3A_82 = arith.constant 0 : index
    %get3A_83 = vector.load %arg12[%get3A_81, %get3A_82] : memref<2x128xf32, #tpu.memory_space<vmem>>, vector<1x128xf32>
    %reduce_sum3A = arith.constant dense<0.000000e+00> : vector<128xf32>
    %reduce_sum3A_84 = vector.multi_reduction <add>, %add3A_75, %reduce_sum3A [0] : vector<2048x128xf32> to vector<128xf32>
    %broadcast_in_dim3A = vector.shape_cast %reduce_sum3A_84 : vector<128xf32> to vector<1x128xf32>
    %add3A_85 = arith.addf %get3A_83, %broadcast_in_dim3A : vector<1x128xf32>
    %swap3A_86 = arith.constant 0 : index
    %swap3A_87 = arith.constant 0 : index
    %swap3A_88 = vector.load %arg12[%swap3A_86, %swap3A_87] : memref<2x128xf32, #tpu.memory_space<vmem>>, vector<1x128xf32>
    tpu.vector_store %arg12[%swap3A_86, %swap3A_87], %add3A_85 {strides = array<i32>} : memref<2x128xf32, #tpu.memory_space<vmem>>, vector<1x128xf32>,
    %get3A_89 = arith.constant 1 : index
    %get3A_90 = arith.constant 0 : index
    %get3A_91 = vector.load %arg12[%get3A_89, %get3A_90] : memref<2x128xf32, #tpu.memory_space<vmem>>, vector<1x128xf32>
    %mul3A_92 = arith.mulf %add3A_75, %add3A_75 : vector<2048x128xf32>
    %reduce_sum3A_93 = arith.constant dense<0.000000e+00> : vector<128xf32>
    %reduce_sum3A_94 = vector.multi_reduction <add>, %mul3A_92, %reduce_sum3A_93 [0] : vector<2048x128xf32> to vector<128xf32>
    %broadcast_in_dim3A_95 = vector.shape_cast %reduce_sum3A_94 : vector<128xf32> to vector<1x128xf32>
    %add3A_96 = arith.addf %get3A_91, %broadcast_in_dim3A_95 : vector<1x128xf32>
    %swap3A_97 = arith.constant 1 : index
    %swap3A_98 = arith.constant 0 : index
    %swap3A_99 = vector.load %arg12[%swap3A_97, %swap3A_98] : memref<2x128xf32, #tpu.memory_space<vmem>>, vector<1x128xf32>
    tpu.vector_store %arg12[%swap3A_97, %swap3A_98], %add3A_96 {strides = array<i32>} : memref<2x128xf32, #tpu.memory_space<vmem>>, vector<1x128xf32>,
    return
  }
  func.func @transform_0(%arg0: i32, %arg1: i32) -> (i32, i32, i32) {
    %c0_i32 = arith.constant 0 : i32
    %c0_i32_0 = arith.constant 0 : i32
    return %arg0, %arg1, %c0_i32 : i32, i32, i32
  }
  func.func @transform_1(%arg0: i32, %arg1: i32) -> (i32, i32) {
    %c0_i32 = arith.constant 0 : i32
    %c0_i32_0 = arith.constant 0 : i32
    %c0_i32_1 = arith.constant 0 : i32
    return %c0_i32, %c0_i32_0 : i32, i32
  }
  func.func @transform_2(%arg0: i32, %arg1: i32) -> (i32, i32, i32) {
    %c0_i32 = arith.constant 0 : i32
    %c0_i32_0 = arith.constant 0 : i32
    return %arg0, %arg1, %c0_i32 : i32, i32, i32
  }
  func.func @transform_3(%arg0: i32, %arg1: i32) -> (i32, i32) {
    %c0_i32 = arith.constant 0 : i32
    %c0_i32_0 = arith.constant 0 : i32
    %c0_i32_1 = arith.constant 0 : i32
    return %c0_i32, %c0_i32_0 : i32, i32
  }
  func.func @transform_4(%arg0: i32, %arg1: i32) -> (i32, i32) {
    %c0_i32 = arith.constant 0 : i32
    %c0_i32_0 = arith.constant 0 : i32
    %c0_i32_1 = arith.constant 0 : i32
    return %c0_i32, %c0_i32_0 : i32, i32
  }
  func.func @transform_5(%arg0: i32, %arg1: i32) -> i32 {
    %c0_i32 = arith.constant 0 : i32
    %c0_i32_0 = arith.constant 0 : i32
    return %c0_i32 : i32
  }
  func.func @transform_6(%arg0: i32, %arg1: i32) -> i32 {
    %c0_i32 = arith.constant 0 : i32
    %c0_i32_0 = arith.constant 0 : i32
    return %c0_i32 : i32
  }
  func.func @transform_7(%arg0: i32, %arg1: i32) -> i32 {
    %c0_i32 = arith.constant 0 : i32
    %c0_i32_0 = arith.constant 0 : i32
    return %c0_i32 : i32
  }
  func.func @transform_8(%arg0: i32, %arg1: i32) -> i32 {
    %c0_i32 = arith.constant 0 : i32
    %c0_i32_0 = arith.constant 0 : i32
    return %c0_i32 : i32
  }
  func.func @transform_9(%arg0: i32, %arg1: i32) -> (i32, i32, i32) {
    %c0_i32 = arith.constant 0 : i32
    %c0_i32_0 = arith.constant 0 : i32
    return %arg0, %arg1, %c0_i32 : i32, i32, i32
  }
  func.func @transform_10(%arg0: i32, %arg1: i32) -> (i32, i32) {
    %c0_i32 = arith.constant 0 : i32
    %c0_i32_0 = arith.constant 0 : i32
    %c0_i32_1 = arith.constant 0 : i32
    return %c0_i32, %c0_i32_0 : i32, i32
  }
}

module attributes {stable_mosaic.version = 14 : i64} {
  func.func @_final_body(%arg0: i32, %arg1: i32, %arg2: memref<1x2048x128xf32, #tpu.memory_space<vmem>>, %arg3: memref<2x128xf32, #tpu.memory_space<vmem>>, %arg4: memref<128xf32, #tpu.memory_space<vmem>>, %arg5: memref<128xf32, #tpu.memory_space<vmem>>, %arg6: memref<1x128x2048xf32, #tpu.memory_space<vmem>>) attributes {dimension_semantics = [#tpu.dimension_semantics<arbitrary>, #tpu.dimension_semantics<arbitrary>], iteration_bounds = array<i64: 2, 2>, scalar_prefetch = 0 : i64, scratch_operands = 0 : i64, tpu.core_type = #tpu.core_type<tc>, window_params = [{transform_indices = @transform_0, window_bounds = array<i64: 1, 2048, 128>}, {pipeline_mode = #tpu.pipeline_mode<synchronous>, transform_indices = @transform_1, window_bounds = array<i64: 2, 128>}, {pipeline_mode = #tpu.pipeline_mode<synchronous>, transform_indices = @transform_2, window_bounds = array<i64: 128>}, {pipeline_mode = #tpu.pipeline_mode<synchronous>, transform_indices = @transform_3, window_bounds = array<i64: 128>}, {transform_indices = @transform_4, window_bounds = array<i64: 1, 128, 2048>}]} {
    %get3A = arith.constant 0 : index
    %get3A_0 = vector.load %arg4[%get3A] : memref<128xf32, #tpu.memory_space<vmem>>, vector<128xf32>
    %get3A_1 = arith.constant 0 : index
    %get3A_2 = vector.load %arg5[%get3A_1] : memref<128xf32, #tpu.memory_space<vmem>>, vector<128xf32>
    %get3A_3 = arith.constant 0 : index
    %get3A_4 = arith.constant 0 : index
    %get3A_5 = vector.load %arg3[%get3A_3, %get3A_4] : memref<2x128xf32, #tpu.memory_space<vmem>>, vector<1x128xf32>
    %div3A = arith.constant 8.192000e+03 : f32
    %div3A_6 = vector.broadcast %div3A : f32 to vector<1x128xf32>
    %div3A_7 = arith.divf %get3A_5, %div3A_6 : vector<1x128xf32>
    %get3A_8 = arith.constant 1 : index
    %get3A_9 = arith.constant 0 : index
    %get3A_10 = vector.load %arg3[%get3A_8, %get3A_9] : memref<2x128xf32, #tpu.memory_space<vmem>>, vector<1x128xf32>
    %div3A_11 = arith.constant 8.192000e+03 : f32
    %div3A_12 = vector.broadcast %div3A_11 : f32 to vector<1x128xf32>
    %div3A_13 = arith.divf %get3A_10, %div3A_12 : vector<1x128xf32>
    %mul3A = arith.mulf %div3A_7, %div3A_7 : vector<1x128xf32>
    %sub3A = arith.subf %div3A_13, %mul3A : vector<1x128xf32>
    %add3A = arith.constant 9.99999974E-6 : f32
    %add3A_14 = vector.broadcast %add3A : f32 to vector<1x128xf32>
    %add3A_15 = arith.addf %sub3A, %add3A_14 : vector<1x128xf32>
    %rsqrt3A = math.rsqrt %add3A_15 : vector<1x128xf32>
    %reshape3A = vector.shape_cast %get3A_0 : vector<128xf32> to vector<1x128xf32>
    %mul3A_16 = arith.mulf %rsqrt3A, %reshape3A : vector<1x128xf32>
    %reshape3A_17 = vector.shape_cast %get3A_2 : vector<128xf32> to vector<1x128xf32>
    %mul3A_18 = arith.mulf %div3A_7, %mul3A_16 : vector<1x128xf32>
    %sub3A_19 = arith.subf %reshape3A_17, %mul3A_18 : vector<1x128xf32>
    %get3A_20 = arith.constant 0 : index
    %get3A_21 = arith.constant 0 : index
    %get3A_22 = arith.constant 0 : index
    %get3A_23 = vector.load %arg2[%get3A_20, %get3A_21, %get3A_22] : memref<1x2048x128xf32, #tpu.memory_space<vmem>>, vector<1x2048x128xf32>
    %get3A_24 = vector.shape_cast %get3A_23 : vector<1x2048x128xf32> to vector<2048x128xf32>
    %mul3A_25 = vector.broadcast %mul3A_16 : vector<1x128xf32> to vector<2048x128xf32>
    %mul3A_26 = arith.mulf %get3A_24, %mul3A_25 : vector<2048x128xf32>
    %add3A_27 = vector.broadcast %sub3A_19 : vector<1x128xf32> to vector<2048x128xf32>
    %add3A_28 = arith.addf %mul3A_26, %add3A_27 : vector<2048x128xf32>
    %transpose3A = tpu.transpose %add3A_28, [1, 0] : vector<2048x128xf32> -> vector<128x2048xf32>
    %swap3A = arith.constant 0 : index
    %swap3A_29 = arith.constant 0 : index
    %swap3A_30 = arith.constant 0 : index
    %swap3A_31 = vector.load %arg6[%swap3A, %swap3A_29, %swap3A_30] : memref<1x128x2048xf32, #tpu.memory_space<vmem>>, vector<1x128x2048xf32>
    %swap3A_32 = vector.shape_cast %swap3A_31 : vector<1x128x2048xf32> to vector<128x2048xf32>
    %swap3A_33 = vector.shape_cast %transpose3A : vector<128x2048xf32> to vector<1x128x2048xf32>
    tpu.vector_store %arg6[%swap3A, %swap3A_29, %swap3A_30], %swap3A_33 {strides = array<i32>} : memref<1x128x2048xf32, #tpu.memory_space<vmem>>, vector<1x128x2048xf32>,
    return
  }
  func.func @transform_0(%arg0: i32, %arg1: i32) -> (i32, i32, i32) {
    %c0_i32 = arith.constant 0 : i32
    %c0_i32_0 = arith.constant 0 : i32
    return %arg0, %arg1, %c0_i32 : i32, i32, i32
  }
  func.func @transform_1(%arg0: i32, %arg1: i32) -> (i32, i32) {
    %c0_i32 = arith.constant 0 : i32
    %c0_i32_0 = arith.constant 0 : i32
    %c0_i32_1 = arith.constant 0 : i32
    return %c0_i32, %c0_i32_0 : i32, i32
  }
  func.func @transform_2(%arg0: i32, %arg1: i32) -> i32 {
    %c0_i32 = arith.constant 0 : i32
    %c0_i32_0 = arith.constant 0 : i32
    return %c0_i32 : i32
  }
  func.func @transform_3(%arg0: i32, %arg1: i32) -> i32 {
    %c0_i32 = arith.constant 0 : i32
    %c0_i32_0 = arith.constant 0 : i32
    return %c0_i32 : i32
  }
  func.func @transform_4(%arg0: i32, %arg1: i32) -> (i32, i32, i32) {
    %c0_i32 = arith.constant 0 : i32
    %c0_i32_0 = arith.constant 0 : i32
    return %arg0, %c0_i32, %arg1 : i32, i32, i32
  }
}

</mosaic_0001>

<sc_bundles>
// kernel: kernel.10.cloned.1.call-start
scs
__scs_entry_jumppad:
0x0: {  	(pc) =	sbr.rel $0x88, $3  }
0x1: {  	(tag) =	ssettag $0x0;
	lr =	simm.s32 $0x1  }
0x2: {  	[smem:$0x3F90] =	sst lr;
	_ =	strace $0xD0000000  }
0x3: {  	_ = 	snop  }
0x4: {  	_ = 	snop  }
0x5: {  	_ = 	snop  }
0x6: {  	_ = 	snop  }
0x7: {  	_ = 	snop  }
__scs_overlays_trampoline_lowered:
0x8: {  	[smem:$0x3F9F] =	sst s0  }
0x9: {  	[smem:$0x3FA0] =	sst s1  }
0xa: {  	[smem:$0x3FA1] =	sst s2  }
0xb: {  	[smem:$0x3FA2] =	sst s3  }
0xc: {  	[smem:$0x3FA3] =	sst s4  }
0xd: {  	[smem:$0x3FA4] =	sst s5  }
0xe: {  	[smem:$0x3FA5] =	sst s6  }
0xf: {  	[smem:$0x3FA6] =	sst s7  }
0x10: {  	[smem:$0x3FA7] =	sst s8  }
0x11: {  	[smem:$0x3FA8] =	sst s9;
	s0 =	simm.s32 @!p0 $0x0  }
0x12: {  	s1 =	sld [smem:$0x3F8E];
	s0 =	simm.s32 @p0 $0x1  }
0x13: {  	[smem:$0x3FA9] =	sst s0;
	s0 =	simm.s32 @!p1 $0x0  }
0x14: {  	s2 =	sld [smem:$0x3F8D];
	s0 =	simm.s32 @p1 $0x1  }
0x15: {  	[smem:$0x3FAA] =	sst s0;
	s0 =	simm.s32 @!p2 $0x0  }
0x16: {  	s3 =	sld [smem:$0x3FDB];
	s0 =	simm.s32 @p2 $0x1  }
0x17: {  	s4 =	simm.s32 $0x1BF5;
	[smem:$0x3FAC] =	sst s0  }
0x18: {  	s0 =	sld [smem:$0x3F8F];
	_ =	swait.ge [sflag:s4], $0x0  }
0x19: {  	s7 =	sld [smem:$0x3F90]  }
0x1a: {  	s8 =	sadd.s32 $0xFFFFE003, lr  }
0x1b: {  	s9 =	sadd.s32 $0xFFFFFEF7, lr;
	s5 =	simm.s32 $0xFFFFFFFF;
	p2 =	slt.u32 s8, $0xFFFFF086  }
0x1c: {  	p1 =	slt.u32 s9, $0xF7A;
	s5 =	simm.s32 @!p2 $0x0  }
0x1d: {  	s5 =	simm.s32 @p1 $0x1;
	p0 =	seq.s32 s7, s2  }
0x1e: {  	s7 =	smul.u32 @!p0 $0xF7A, s2;
	p2 =	seq.s32 @!p0 s5, $0x0  }
0x1f: {  	s9 =	smul.u32 $0xF7A, s1;
	s8 =	simm.s32 @!p0 $0x1BF5;
	p2 =	por !p2, p0  }
0x20: {  	[sflag:s8] =	ssyncset.s32 @!p0 $0xFFFFF086;
	s6 =	sadd.s32 @!p0 s3, s7;
	s7 =	simm.s32 @!p0 $0x108  }
0x21: {  	s3 =	sadd.s32 s3, s9;
	s6 =	sadd.s32 @!p0 $0x88, s6;
	s7 =	simm.s32 @p2 $0x1082  }
0x22: {  	[simem:s7], [sflag:s8] =	dma.local @!p0 [hbm:s6], $0xF7A  }
0x23: {  	s9 =	sor.u32 $0xD0000000, s2;
	s6 =	simm.s32 $0x108;
	_ =	swait.ge @!p0 [sflag:s8], $0x0  }
0x24: {  	s3 =	sadd.s32 $0x88, s3;
	s6 =	simm.s32 @!p1 $0x1082;
	[sflag:s4] =	ssyncset.s32 $0xFFFFF086  }
0x25: {  	[simem:s6], [sflag:s4] =	dma.local [hbm:s3], $0xF7A  }
0x26: {  	[smem:$0x3F90] =	sst s1;
	(tag) =	ssettag s2;
	_ =	strace s9  }
0x27: {  	s1 =	sld [smem:$0x3FA0]  }
0x28: {  	s2 =	sld [smem:$0x3FA1]  }
0x29: {  	s4 =	sld [smem:$0x3FA3]  }
0x2a: {  	p0 =	seq.s32 s5, $0x0;
	s5 =	sld [smem:$0x3FA4]  }
0x2b: {  	s6 =	sld [smem:$0x3FA5]  }
0x2c: {  	s7 =	sld [smem:$0x3FA6]  }
0x2d: {  	s3 =	simm.s32 $0x108;
	s8 =	sld [smem:$0x3FA7]  }
0x2e: {  	s3 =	simm.s32 @!p0 $0x1082;
	s9 =	sld [smem:$0x3FA8]  }
0x2f: {  	lr =	sadd.s32 s0, s3;
	s0 =	sld [smem:$0x3F9F]  }
0x30: {  	s3 =	sld [smem:$0x3FA2]  }
0x31: {  	[smem:$0x3FAB] =	sst s10  }
0x32: {  	s10 =	sld [smem:$0x3FA9];
	_ =	sdelay $0x3  }
0x33: {  	p0 =	seq.s32 s10, $0x1;
	s10 =	sld [smem:$0x3FAB];
	_ =	sdelay $0x3  }
0x34: {  	[smem:$0x3FAB] =	sst s10  }
0x35: {  	s10 =	sld [smem:$0x3FAA];
	_ =	sdelay $0x3  }
0x36: {  	p1 =	seq.s32 s10, $0x1;
	s10 =	sld [smem:$0x3FAB];
	_ =	sdelay $0x3  }
0x37: {  	[smem:$0x3FAB] =	sst s10  }
0x38: {  	s10 =	sld [smem:$0x3FAC]  }
0x39: {  	_ = 	snop;
	(pc) =	sbr.ind lr, $3  }
0x3a: {  	_ = 	snop  }
0x3b: {  	_ = 	snop  }
0x3c: {  	p2 =	seq.s32 s10, $0x1;
	s10 =	sld [smem:$0x3FAB]  }
0x3d: {  	_ =	shalt  }
0x3e: {  	_ =	shalt  }
0x3f: {  	_ =	shalt  }
0x40: {  	_ =	shalt  }
0x41: {  	_ =	shalt  }
0x42: {  	_ =	shalt  }
0x43: {  	_ =	shalt  }
0x44: {  	_ =	shalt  }
0x45: {  	_ =	shalt  }
0x46: {  	_ =	shalt  }
0x47: {  	_ =	shalt  }
0x48: {  	_ =	shalt  }
0x49: {  	_ =	shalt  }
0x4a: {  	_ =	shalt  }
0x4b: {  	_ =	shalt  }
0x4c: {  	_ =	shalt  }
0x4d: {  	_ =	shalt  }
0x4e: {  	_ =	shalt  }
0x4f: {  	_ =	shalt  }
0x50: {  	_ =	shalt  }
0x51: {  	_ =	shalt  }
0x52: {  	_ =	shalt  }
0x53: {  	_ =	shalt  }
0x54: {  	_ =	shalt  }
0x55: {  	_ =	shalt  }
0x56: {  	_ =	shalt  }
0x57: {  	_ =	shalt  }
0x58: {  	_ =	shalt  }
0x59: {  	_ =	shalt  }
0x5a: {  	_ =	shalt  }
0x5b: {  	_ =	shalt  }
0x5c: {  	_ =	shalt  }
0x5d: {  	_ =	shalt  }
0x5e: {  	_ =	shalt  }
0x5f: {  	_ =	shalt  }
0x60: {  	_ =	shalt  }
0x61: {  	_ =	shalt  }
0x62: {  	_ =	shalt  }
0x63: {  	_ =	shalt  }
0x64: {  	_ =	shalt  }
0x65: {  	_ =	shalt  }
0x66: {  	_ =	shalt  }
0x67: {  	_ =	shalt  }
0x68: {  	_ =	shalt  }
0x69: {  	_ =	shalt  }
0x6a: {  	_ =	shalt  }
0x6b: {  	_ =	shalt  }
0x6c: {  	_ =	shalt  }
0x6d: {  	_ =	shalt  }
0x6e: {  	_ =	shalt  }
0x6f: {  	_ =	shalt  }
0x70: {  	_ =	shalt  }
0x71: {  	_ =	shalt  }
0x72: {  	_ =	shalt  }
0x73: {  	_ =	shalt  }
0x74: {  	_ =	shalt  }
0x75: {  	_ =	shalt  }
0x76: {  	_ =	shalt  }
0x77: {  	_ =	shalt  }
0x78: {  	_ =	shalt  }
0x79: {  	_ =	shalt  }
0x7a: {  	_ =	shalt  }
0x7b: {  	_ =	shalt  }
0x7c: {  	_ =	shalt  }
0x7d: {  	_ =	shalt  }
0x7e: {  	_ =	shalt  }
0x7f: {  	_ =	shalt  }
0x80: {  	_ =	shalt  }
0x81: {  	_ =	shalt  }
0x82: {  	_ =	shalt  }
0x83: {  	_ =	shalt  }
0x84: {  	_ =	shalt  }
0x85: {  	_ =	shalt  }
0x86: {  	_ =	shalt  }
0x87: {  	_ =	shalt  }
.Lfunc_end0:
.L_simem_size_0:
called_computation_lowered:
.L_overlay_start_0:
0x88: {  	s2 =	sld [smem:$0x3FD9]  }
0x89: {  	s3 =	sld [smem:$0x3FFE];
	_ =	sdelay $0x1  }
0x8a: {  	s1 =	srdreg.scid  }
0x8b: {  	s0 =	sand.u32 $0x1, s1  }
0x8c: {  	s17 =	sshll.u32 s0, $0xA;
	s2 =	sadd.s32 s3, s2  }
0x8d: {  	s2 =	sadd.s32 s2, s17  }
0x8e: {  	[smem:$0x3FB7] =	sst s2  }
0x8f: {  	_ = 	snop  }
0x90: {  	s2 =	sld [smem:$0x3FD0];
	(tm) =	ssettm $0x1  }
0x91: {  	s18 =	sld [smem:$0x3FFB];
	_ =	sdelay $0x3  }
0x92: {  	_ =	strace s18  }
0x93: {  	s3 =	sld [smem:$0x3FFC];
	_ =	sdelay $0x3  }
0x94: {  	_ =	strace s3  }
0x95: {  	s3 =	sld [smem:$0x3FFD];
	_ =	sdelay $0x3  }
0x96: {  	_ =	strace s3  }
0x97: {  	_ =	strace $0x8FFFFFFF  }
0x98: {  	s19 =	sld [smem:$0x3FDB];
	_ =	sdelay $0x1  }
0x99: {  	s4 =	simm.s32 $_scs_section_size  }
0x9a: {  	s5 =	simm.s32 $_size__tile_overlayer_lowered;
	s6 =	simm.s32 $_tile_overlayer_lowered  }
0x9b: {  	s22 =	simm.s32 $0x1BFF;
	s21 =	sshll.u32 s6, $0x1;
	s3 =	sadd.s32 s4, s19  }
0x9c: {  	s7 =	simm.s32 $0x0;
	s20 =	sshll.u32 s5, $0x1;
	s5 =	sadd.s32 s21, s3  }
0x9d: {  	[timem:s7], [sflag:s22] =	dma.local [hbm:s5], s20  }
0x9e: {  	_ =	swait.ge [sflag:s22], s20  }
0x9f: {  	s4 =	ssub.s32 $0x0, s20;
	[sflag:s22] =	ssyncset.done $0x0  }
0xa0: {  	[sflag:s22] =	ssyncadd.s32 s4;
	_ =	sdelay $0x1  }
0xa1: {  	s23 =	simm.s32 $0x1B8B  }
0xa2: {  	_ =	swait.ge [sflag:s23], $0x1  }
0xa3: {  	[sflag:s23] =	ssyncset.done $0x0  }
0xa4: {  	s25 =	simm.s32 $0x1B8E;
	s24 =	sld [smem:$0x3FFE];
	[sflag:s23] =	ssyncadd.s32 $0xFFFFFFFF  }
0xa5: {  	s26 =	simm.s32 $execute0_lowered;
	[smem:$0x3FD2] =	sst s25  }
0xa6: {  	s5 =	sshll.u32 s26, $0x1;
	_ =	strace $0x80000046;
	[dreg:$0x1] =	wrdreg $0xFFFFFFFF  }
0xa7: {  	s28 =	simm.s32 $_size_execute0_lowered;
	s3 =	sadd.s32 s3, s5;
	[dreg:$0x0] =	wrdreg $0x0  }
0xa8: {  	s5 =	sshll.u32 s28, $0x1;
	[dreg:$0x2] =	wrdreg s3  }
0xa9: {  	[dreg:$0x3] =	wrdreg s5  }
0xaa: {  	[dreg:$0x4] =	wrdreg $0xC0  }
0xab: {  	_ =	task [dreg:s7], $0x5FFFF  }
0xac: {  	[dreg:$0x1] =	wrdreg $0xFFFFFFFF  }
0xad: {  	[dreg:$0x0] =	wrdreg $0x60  }
0xae: {  	[dreg:$0x2] =	wrdreg s24  }
0xaf: {  	[dreg:$0x3] =	wrdreg s2  }
0xb0: {  	[dreg:$0x4] =	wrdreg $0x9  }
0xb1: {  	_ =	task.clear_ibuf [dreg:s7], $0x5FFFF;
	_ =	strace $0x90000046  }
0xb2: {  	s29 =	simm.s32 $0x9;
	_ =	strace $0x80000048  }
0xb3: {  	_ =	swait.ge [sflag:s29], $0x1  }
0xb4: {  	[sflag:s29] =	ssyncadd.s32 $0xFFFFFFFF  }
0xb5: {  	_ =	strace $0x90000048  }
0xb6: {  	_ =	sfence  }
0xb7: {  	s30 =	sld [smem:$0x0];
	_ =	sdelay $0x2  }
0xb8: {  	s31 =	sshll.u32 s1, $0xD;
	s1 =	sshrl.u32 s1, $0x2  }
0xb9: {  	s3 =	sand.u32 $0x4000, s31;
	s1 =	sadd.s32 s1, s30  }
0xba: {  	s0 =	sor.u32 s3, s0;
	s1 =	sshll.u32 s1, $0x11  }
0xbb: {  	s0 =	sor.u32 s1, s0  }
0xbc: {  	s0 =	sadd.s32 $0x8F2B, s0  }
0xbd: {  	[sflag:s0] =	ssyncadd.remote.s32 $0x1  }
0xbe: {  	_ =	sfence.sel $0xFFFF  }
0xbf: {  	[dreg:$0x0] =	wrdreg $0xFFFFFFFF;
	(pc) =	sbr.abs _section_cstart, $3  }
0xc0: {  	[dreg:$0x1] =	wrdreg $0xFFFFFFFF  }
0xc1: {  	_ =	task.clear_ibuf [dreg:s7], $0x2FFFF;
	_ =	strace $0x9FFFFFFF  }
0xc2: {  	(tm) =	ssettm $0x7FFFFFFF  }
0xc3: {  	_ =	shalt  }
tec
execute0_lowered:
.L_overlay_start_1:
0x0: {  	(tag) =	ssettag $0x1  }
0x1: {  	s6 =	rddreg [dreg:$0x0]  }
0x2: {  	s2 =	rddreg [dreg:$0x1]  }
0x3: {  	s0 =	rddreg [dreg:$0x2]  }
0x4: {  	s4 =	srdreg.scid;
	s3 =	simm.s32 $0x0;
	s1 =	stileid.u32  }
0x5: {  	s28 =	simm.s32 $0x800;
	s29 =	simm.s32 $0xA00;
	s30 =	simm.s32 $0x2  }
0x6: {  	s31 =	simm.s32 $0x1;
	s4 =	sand.u32 $0x1, s4;
	[smem:$0x7FF] =	sst s3  }
0x7: {  	s5 =	sshll.u32 s1, $0x8;
	s13 =	sadd.s32 $0x3400, s6;
	s10 =	sadd.s32 $0x8000, s6  }
0x8: {  	s7 =	sshll.u32 s4, $0x7;
	_ =	strace $0x80000047;
	s17 =	ssub.s32 $0x2, s4  }
0x9: {  	s4 =	sadd.s32 $0x4000, s6;
	s16 =	sor.u32 s7, s5;
	s8 =	sshrl.u32 s17, $0x1  }
0xa: {  	s5 =	sshrl.u32 s16, $0x3;
	s21 =	ssub.s32 s17, s8;
	s14 =	sor.u32 $0x10, s16  }
0xb: {  	s15 =	sor.u32 $0x20, s16;
	s17 =	sor.u32 $0x30, s16;
	s18 =	sor.u32 $0x40, s16  }
0xc: {  	s19 =	sor.u32 $0x50, s16;
	s20 =	sor.u32 $0x60, s16;
	s9 =	sshll.u32 s16, $0x4  }
0xd: {  	s22 =	sor.u32 $0x1000, s16;
	s23 =	sor.u32 $0x70, s16;
	s26 =	sor.u32 $0x1040, s16  }
0xe: {  	v16 =	vlaneseq.u32;
	s5 =	sadd.s32 s13, s5;
	s8 =	sadd.s32 s2, s9;
	s24 =	sshll.u32 s22, $0x4  }
0xf: {  	v11 =	vmul.u32 $0x10, v16;
	s9 =	sadd.s32 s10, s9;
	s25 =	sshrl.u32 s22, $0x3;
	v4 =	vor.u32 s18, v16;
	s18 =	sor.u32 $0x1020, s16  }
0x10: {  	v5 =	vor.u32 s19, v16;
	s19 =	sor.u32 $0x1030, s16;
	v6 =	vor.u32 s20, v16;
	v8 =	vor.u32 s22, v16;
	s20 =	sor.u32 $0x1050, s16;
	s22 =	sor.u32 $0x1060, s16  }
0x11: {  	v7 =	vor.u32 s23, v16;
	s23 =	sor.u32 $0x1070, s16;
	v13 =	vor.u32 s26, v16;
	s21 =	smax.u32 s21, $0x1;
	s26 =	simm.s32 $0x80  }
0x12: {  	v17 =	vor.u32 $0x100, v11;
	v18 =	vor.u32 $0x200, v11;
	s6 =	sadd.s32 $0x400, s5;
	s7 =	sadd.s32 $0x800, s5;
	s10 =	sadd.s32 s10, s24  }
0x13: {  	v19 =	vor.u32 $0x300, v11;
	v20 =	vor.u32 $0x400, v11;
	v21 =	vor.u32 $0x500, v11;
	s11 =	sadd.s32 $0x20000, s9;
	s12 =	sadd.s32 $0x30000, s9;
	s13 =	sadd.s32 s13, s25  }
0x14: {  	v22 =	vor.u32 $0x600, v11;
	v1 =	vor.u32 s14, v16;
	v2 =	vor.u32 s15, v16;
	s14 =	sadd.s32 $0x600, s5;
	s15 =	sadd.s32 $0xA00, s5;
	s25 =	sor.u32 $0x1010, s16  }
0x15: {  	v0 =	vor.u32 s16, v16;
	v3 =	vor.u32 s17, v16;
	v10 =	vor.u32 s18, v16;
	s16 =	sadd.s32 s2, s24;
	s17 =	sadd.s32 $0x40000, s9;
	s18 =	sadd.s32 $0x50000, s9  }
0x16: {  	v12 =	vor.u32 s19, v16;
	v14 =	vor.u32 s20, v16;
	s19 =	sadd.s32 $0x60000, s9;
	s20 =	sadd.s32 $0x70000, s9;
	v15 =	vor.u32 s22, v16;
	s22 =	simm.s32 $0x880  }
0x17: {  	v23 =	vor.u32 $0x700, v11;
	s24 =	simm.s32 $0x900;
	v9 =	vor.u32 s25, v16;
	v16 =	vor.u32 s23, v16;
	s23 =	simm.s32 $0x3;
	s25 =	simm.s32 $0x980  }
.LBB2_1:
0x18: {  	[tilespmem:s22], [sflag:$0x3] =	stream.linear.gather [hbm4b:s5+s3], $0x80, $0x38;
	[tilespmem:$0x4A00] =	vst v63  }
0x19: {  	_ =	swait.ge [sflag:s23], $0x80  }
0x1a: {  	[sflag:s23] =	ssyncset.done $0x0  }
0x1b: {  	[sflag:s23] =	ssyncadd.s32 $0xFFFFFF80  }
0x1c: {  	[tilespmem:s24], [sflag:$0x3] =	stream.linear.gather [hbm4b:s6+s3], $0x80, $0x38;
	[tilespmem:$0x4A00] =	vst v63  }
0x1d: {  	_ =	swait.ge [sflag:s23], $0x80  }
0x1e: {  	[sflag:s23] =	ssyncset.done $0x0  }
0x1f: {  	[sflag:s23] =	ssyncadd.s32 $0xFFFFFF80  }
0x20: {  	[tilespmem:s25], [sflag:$0x3] =	stream.linear.gather [hbm4b:s7+s3], $0x80, $0x38;
	[tilespmem:$0x4A00] =	vst v63  }
0x21: {  	_ =	swait.ge [sflag:s23], $0x80  }
0x22: {  	[sflag:s23] =	ssyncset.done $0x0  }
0x23: {  	[sflag:s23] =	ssyncadd.s32 $0xFFFFFF80  }
0x24: {  	[tilespmem:$0x800] =	vst v0  }
0x25: {  	[tilespmem:$0x810] =	vst v1  }
0x26: {  	[tilespmem:$0x820] =	vst v2  }
0x27: {  	[tilespmem:$0x830] =	vst v3  }
0x28: {  	[tilespmem:$0x840] =	vst v4  }
0x29: {  	[tilespmem:$0x850] =	vst v5  }
0x2a: {  	[tilespmem:$0x860] =	vst v6  }
0x2b: {  	[tilespmem:$0x870] =	vst v7  }
0x2c: {  	[tilespmem:s3], [sflag:$0x2] =	stream.indirect.gather [hbm4b:s4+s26], $0x10, s28, s26, $0xb8;
	[tilespmem:$0x4A00] =	vst v63  }
0x2d: {  	_ = 	snop  }
0x2e: {  	[tilespmem:s29], [sflag:$0x3] =	stream.linear.gather [hbm4b:s8+s3], $0x4000, $0x38;
	[tilespmem:$0x4A00] =	vst v63  }
0x2f: {  	_ =	swait.ge [sflag:s23], $0x4000  }
0x30: {  	[sflag:s23] =	ssyncset.done $0x0  }
0x31: {  	[sflag:s23] =	ssyncadd.s32 $0xFFFFC000  }
0x32: {  	[hbm4b:s9+s3] =	stream.linear.scatter [tilespmem:s29], [sflag:$0x3], $0x4000, $0x38;
	[tilespmem:$0x4A00] =	vst v63  }
0x33: {  	_ =	swait.ge [sflag:s23], $0x4000  }
0x34: {  	[sflag:s23] =	ssyncset.done $0x0  }
0x35: {  	[sflag:s23] =	ssyncadd.s32 $0xFFFFC000  }
0x36: {  	_ =	swait.ge [sflag:s30], $0x800  }
0x37: {  	[sflag:s30] =	ssyncset.done $0x0  }
0x38: {  	[sflag:s30] =	ssyncadd.s32 $0xFFFFF800  }
0x39: {  	v24 =	vld [tilespmem:$0x880];
	_ =	sdelay $0x4  }
0x3a: {  	v24 =	vadd.s32 v11, v24  }
0x3b: {  	v25 =	vld [tilespmem:$0x890];
	_ =	sdelay $0x3  }
0x3c: {  	v24 =	vld.idx.msk [tilespmem:v24+s3+$0x0], $0xffff  }
0x3d: {  	v25 =	vadd.s32 v17, v25  }
0x3e: {  	v26 =	vld [tilespmem:$0x8A0];
	_ =	sdelay $0x2  }
0x3f: {  	[tilespmem:$0x800] =	vst v24  }
0x40: {  	v24 =	vld.idx.msk [tilespmem:v25+s3+$0x0], $0xffff  }
0x41: {  	v55 =	vadd.s32 v18, v26  }
0x42: {  	v56 =	vld [tilespmem:$0x8B0];
	_ =	sdelay $0x2  }
0x43: {  	[tilespmem:$0x810] =	vst v24  }
0x44: {  	v24 =	vld.idx.msk [tilespmem:v55+s3+$0x0], $0xffff  }
0x45: {  	v57 =	vadd.s32 v19, v56  }
0x46: {  	v58 =	vld [tilespmem:$0x8C0];
	_ =	sdelay $0x2  }
0x47: {  	[tilespmem:$0x820] =	vst v24  }
0x48: {  	v24 =	vld.idx.msk [tilespmem:v57+s3+$0x0], $0xffff  }
0x49: {  	v59 =	vadd.s32 v20, v58  }
0x4a: {  	v60 =	vld [tilespmem:$0x8D0];
	_ =	sdelay $0x2  }
0x4b: {  	[tilespmem:$0x830] =	vst v24  }
0x4c: {  	v24 =	vld.idx.msk [tilespmem:v59+s3+$0x0], $0xffff  }
0x4d: {  	v61 =	vadd.s32 v21, v60  }
0x4e: {  	v62 =	vld [tilespmem:$0x8E0];
	_ =	sdelay $0x2  }
0x4f: {  	[tilespmem:$0x840] =	vst v24  }
0x50: {  	v24 =	vld.idx.msk [tilespmem:v61+s3+$0x0], $0xffff  }
0x51: {  	v63 =	vadd.s32 v22, v62  }
0x52: {  	v28 =	vld [tilespmem:$0x8F0];
	_ =	sdelay $0x2  }
0x53: {  	[tilespmem:$0x850] =	vst v24  }
0x54: {  	v24 =	vld.idx.msk [tilespmem:v63+s3+$0x0], $0xffff  }
0x55: {  	v29 =	vadd.s32 v23, v28;
	_ =	sdelay $0x3  }
0x56: {  	[tilespmem:$0x860] =	vst v24  }
0x57: {  	v24 =	vld.idx.msk [tilespmem:v29+s3+$0x0], $0xffff;
	_ =	sdelay $0x4  }
0x58: {  	[tilespmem:$0x870] =	vst v24  }
0x59: {  	[tilespmem:s29], [sflag:$0x1] =	stream.indirect.gather [hbm4b:s2+s26], $0x80, s28, s26, $0xb8;
	[tilespmem:$0x4A00] =	vst v63  }
0x5a: {  	_ = 	snop  }
0x5b: {  	[tilespmem:s3], [sflag:$0x2] =	stream.indirect.gather [hbm4b:s4+s26], $0x10, s28, s26, $0xb8;
	[tilespmem:$0x4A00] =	vst v63  }
0x5c: {  	_ =	swait.ge [sflag:s31], $0x4000  }
0x5d: {  	[sflag:s31] =	ssyncset.done $0x0  }
0x5e: {  	[sflag:s31] =	ssyncadd.s32 $0xFFFFC000  }
0x5f: {  	[hbm4b:s10+s3] =	stream.linear.scatter [tilespmem:s29], [sflag:$0x3], $0x4000, $0x38;
	[tilespmem:$0x4A00] =	vst v63  }
0x60: {  	_ =	swait.ge [sflag:s23], $0x4000  }
0x61: {  	[sflag:s23] =	ssyncset.done $0x0  }
0x62: {  	[sflag:s23] =	ssyncadd.s32 $0xFFFFC000  }
0x63: {  	_ =	swait.ge [sflag:s30], $0x800  }
0x64: {  	[sflag:s30] =	ssyncset.done $0x0  }
0x65: {  	[sflag:s30] =	ssyncadd.s32 $0xFFFFF800  }
0x66: {  	v30 =	vld [tilespmem:$0x900];
	_ =	sdelay $0x4  }
0x67: {  	v24 =	vadd.s32 v11, v30  }
0x68: {  	v31 =	vld [tilespmem:$0x910];
	_ =	sdelay $0x3  }
0x69: {  	v24 =	vld.idx.msk [tilespmem:v24+s3+$0x0], $0xffff  }
0x6a: {  	v25 =	vadd.s32 v17, v31  }
0x6b: {  	v32 =	vld [tilespmem:$0x920];
	_ =	sdelay $0x2  }
0x6c: {  	[tilespmem:$0x800] =	vst v24  }
0x6d: {  	v24 =	vld.idx.msk [tilespmem:v25+s3+$0x0], $0xffff  }
0x6e: {  	v33 =	vadd.s32 v18, v32  }
0x6f: {  	v34 =	vld [tilespmem:$0x930];
	_ =	sdelay $0x2  }
0x70: {  	[tilespmem:$0x810] =	vst v24  }
0x71: {  	v24 =	vld.idx.msk [tilespmem:v33+s3+$0x0], $0xffff  }
0x72: {  	v35 =	vadd.s32 v19, v34  }
0x73: {  	v36 =	vld [tilespmem:$0x940];
	_ =	sdelay $0x2  }
0x74: {  	[tilespmem:$0x820] =	vst v24  }
0x75: {  	v24 =	vld.idx.msk [tilespmem:v35+s3+$0x0], $0xffff  }
0x76: {  	v37 =	vadd.s32 v20, v36  }
0x77: {  	v38 =	vld [tilespmem:$0x950];
	_ =	sdelay $0x2  }
0x78: {  	[tilespmem:$0x830] =	vst v24  }
0x79: {  	v24 =	vld.idx.msk [tilespmem:v37+s3+$0x0], $0xffff  }
0x7a: {  	v39 =	vadd.s32 v21, v38  }
0x7b: {  	v40 =	vld [tilespmem:$0x960];
	_ =	sdelay $0x2  }
0x7c: {  	[tilespmem:$0x840] =	vst v24  }
0x7d: {  	v24 =	vld.idx.msk [tilespmem:v39+s3+$0x0], $0xffff  }
0x7e: {  	v41 =	vadd.s32 v22, v40  }
0x7f: {  	v42 =	vld [tilespmem:$0x970];
	_ =	sdelay $0x2  }
0x80: {  	[tilespmem:$0x850] =	vst v24  }
0x81: {  	v24 =	vld.idx.msk [tilespmem:v41+s3+$0x0], $0xffff  }
0x82: {  	v43 =	vadd.s32 v23, v42;
	_ =	sdelay $0x3  }
0x83: {  	[tilespmem:$0x860] =	vst v24  }
0x84: {  	v24 =	vld.idx.msk [tilespmem:v43+s3+$0x0], $0xffff;
	_ =	sdelay $0x4  }
0x85: {  	[tilespmem:$0x870] =	vst v24  }
0x86: {  	[tilespmem:s29], [sflag:$0x1] =	stream.indirect.gather [hbm4b:s2+s26], $0x80, s28, s26, $0xb8;
	[tilespmem:$0x4A00] =	vst v63  }
0x87: {  	_ = 	snop  }
0x88: {  	[tilespmem:s3], [sflag:$0x2] =	stream.indirect.gather [hbm4b:s4+s26], $0x10, s28, s26, $0xb8;
	[tilespmem:$0x4A00] =	vst v63  }
0x89: {  	_ =	swait.ge [sflag:s31], $0x4000  }
0x8a: {  	[sflag:s31] =	ssyncset.done $0x0  }
0x8b: {  	[sflag:s31] =	ssyncadd.s32 $0xFFFFC000  }
0x8c: {  	[hbm4b:s11+s3] =	stream.linear.scatter [tilespmem:s29], [sflag:$0x3], $0x4000, $0x38;
	[tilespmem:$0x4A00] =	vst v63  }
0x8d: {  	_ =	swait.ge [sflag:s23], $0x4000  }
0x8e: {  	[sflag:s23] =	ssyncset.done $0x0  }
0x8f: {  	[sflag:s23] =	ssyncadd.s32 $0xFFFFC000  }
0x90: {  	_ =	swait.ge [sflag:s30], $0x800  }
0x91: {  	[sflag:s30] =	ssyncset.done $0x0  }
0x92: {  	[sflag:s30] =	ssyncadd.s32 $0xFFFFF800  }
0x93: {  	v44 =	vld [tilespmem:$0x980];
	_ =	sdelay $0x4  }
0x94: {  	v24 =	vadd.s32 v11, v44  }
0x95: {  	v45 =	vld [tilespmem:$0x990];
	_ =	sdelay $0x3  }
0x96: {  	v24 =	vld.idx.msk [tilespmem:v24+s3+$0x0], $0xffff  }
0x97: {  	v25 =	vadd.s32 v17, v45  }
0x98: {  	v46 =	vld [tilespmem:$0x9A0];
	_ =	sdelay $0x2  }
0x99: {  	[tilespmem:$0x800] =	vst v24  }
0x9a: {  	v24 =	vld.idx.msk [tilespmem:v25+s3+$0x0], $0xffff  }
0x9b: {  	v47 =	vadd.s32 v18, v46  }
0x9c: {  	v48 =	vld [tilespmem:$0x9B0];
	_ =	sdelay $0x2  }
0x9d: {  	[tilespmem:$0x810] =	vst v24  }
0x9e: {  	v24 =	vld.idx.msk [tilespmem:v47+s3+$0x0], $0xffff  }
0x9f: {  	v49 =	vadd.s32 v19, v48  }
0xa0: {  	v50 =	vld [tilespmem:$0x9C0];
	_ =	sdelay $0x2  }
0xa1: {  	[tilespmem:$0x820] =	vst v24  }
0xa2: {  	v24 =	vld.idx.msk [tilespmem:v49+s3+$0x0], $0xffff  }
0xa3: {  	v51 =	vadd.s32 v20, v50  }
0xa4: {  	v52 =	vld [tilespmem:$0x9D0];
	_ =	sdelay $0x2  }
0xa5: {  	[tilespmem:$0x830] =	vst v24  }
0xa6: {  	v24 =	vld.idx.msk [tilespmem:v51+s3+$0x0], $0xffff  }
0xa7: {  	v53 =	vadd.s32 v21, v52  }
0xa8: {  	v54 =	vld [tilespmem:$0x9E0];
	_ =	sdelay $0x2  }
0xa9: {  	[tilespmem:$0x840] =	vst v24  }
0xaa: {  	v24 =	vld.idx.msk [tilespmem:v53+s3+$0x0], $0xffff  }
0xab: {  	v55 =	vadd.s32 v22, v54  }
0xac: {  	v56 =	vld [tilespmem:$0x9F0];
	_ =	sdelay $0x2  }
0xad: {  	[tilespmem:$0x850] =	vst v24  }
0xae: {  	v24 =	vld.idx.msk [tilespmem:v55+s3+$0x0], $0xffff  }
0xaf: {  	v57 =	vadd.s32 v23, v56;
	_ =	sdelay $0x3  }
0xb0: {  	[tilespmem:$0x860] =	vst v24  }
0xb1: {  	v24 =	vld.idx.msk [tilespmem:v57+s3+$0x0], $0xffff;
	_ =	sdelay $0x4  }
0xb2: {  	[tilespmem:$0x870] =	vst v24  }
0xb3: {  	[tilespmem:s29], [sflag:$0x1] =	stream.indirect.gather [hbm4b:s2+s26], $0x80, s28, s26, $0xb8;
	[tilespmem:$0x4A00] =	vst v63  }
0xb4: {  	_ =	swait.ge [sflag:s31], $0x4000  }
0xb5: {  	[sflag:s31] =	ssyncset.done $0x0  }
0xb6: {  	[sflag:s31] =	ssyncadd.s32 $0xFFFFC000  }
0xb7: {  	[hbm4b:s12+s3] =	stream.linear.scatter [tilespmem:s29], [sflag:$0x3], $0x4000, $0x38;
	[tilespmem:$0x4A00] =	vst v63  }
0xb8: {  	_ =	swait.ge [sflag:s23], $0x4000  }
0xb9: {  	[sflag:s23] =	ssyncset.done $0x0  }
0xba: {  	[sflag:s23] =	ssyncadd.s32 $0xFFFFC000  }
0xbb: {  	[tilespmem:s22], [sflag:$0x3] =	stream.linear.gather [hbm4b:s13+s3], $0x80, $0x38;
	[tilespmem:$0x4A00] =	vst v63  }
0xbc: {  	_ =	swait.ge [sflag:s23], $0x80  }
0xbd: {  	[sflag:s23] =	ssyncset.done $0x0  }
0xbe: {  	[sflag:s23] =	ssyncadd.s32 $0xFFFFFF80  }
0xbf: {  	[tilespmem:s24], [sflag:$0x3] =	stream.linear.gather [hbm4b:s14+s3], $0x80, $0x38;
	[tilespmem:$0x4A00] =	vst v63  }
0xc0: {  	_ =	swait.ge [sflag:s23], $0x80  }
0xc1: {  	[sflag:s23] =	ssyncset.done $0x0  }
0xc2: {  	[sflag:s23] =	ssyncadd.s32 $0xFFFFFF80  }
0xc3: {  	[tilespmem:s25], [sflag:$0x3] =	stream.linear.gather [hbm4b:s15+s3], $0x80, $0x38;
	[tilespmem:$0x4A00] =	vst v63  }
0xc4: {  	_ =	swait.ge [sflag:s23], $0x80  }
0xc5: {  	[sflag:s23] =	ssyncset.done $0x0  }
0xc6: {  	[sflag:s23] =	ssyncadd.s32 $0xFFFFFF80  }
0xc7: {  	[tilespmem:$0x800] =	vst v8  }
0xc8: {  	[tilespmem:$0x810] =	vst v9  }
0xc9: {  	[tilespmem:$0x820] =	vst v10  }
0xca: {  	[tilespmem:$0x830] =	vst v12  }
0xcb: {  	[tilespmem:$0x840] =	vst v13  }
0xcc: {  	[tilespmem:$0x850] =	vst v14  }
0xcd: {  	[tilespmem:$0x860] =	vst v15  }
0xce: {  	[tilespmem:$0x870] =	vst v16  }
0xcf: {  	[tilespmem:s3], [sflag:$0x2] =	stream.indirect.gather [hbm4b:s4+s26], $0x10, s28, s26, $0xb8;
	[tilespmem:$0x4A00] =	vst v63  }
0xd0: {  	_ = 	snop  }
0xd1: {  	[tilespmem:s29], [sflag:$0x3] =	stream.linear.gather [hbm4b:s16+s3], $0x4000, $0x38;
	[tilespmem:$0x4A00] =	vst v63  }
0xd2: {  	_ =	swait.ge [sflag:s23], $0x4000  }
0xd3: {  	[sflag:s23] =	ssyncset.done $0x0  }
0xd4: {  	[sflag:s23] =	ssyncadd.s32 $0xFFFFC000  }
0xd5: {  	[hbm4b:s17+s3] =	stream.linear.scatter [tilespmem:s29], [sflag:$0x3], $0x4000, $0x38;
	[tilespmem:$0x4A00] =	vst v63  }
0xd6: {  	_ =	swait.ge [sflag:s23], $0x4000  }
0xd7: {  	[sflag:s23] =	ssyncset.done $0x0  }
0xd8: {  	[sflag:s23] =	ssyncadd.s32 $0xFFFFC000  }
0xd9: {  	_ =	swait.ge [sflag:s30], $0x800  }
0xda: {  	[sflag:s30] =	ssyncset.done $0x0  }
0xdb: {  	[sflag:s30] =	ssyncadd.s32 $0xFFFFF800  }
0xdc: {  	v58 =	vld [tilespmem:$0x880];
	_ =	sdelay $0x4  }
0xdd: {  	v24 =	vadd.s32 v11, v58;
	_ =	sdelay $0x1  }
0xde: {  	v59 =	vld [tilespmem:$0x890];
	_ =	sdelay $0x2  }
0xdf: {  	v24 =	vld.idx.msk [tilespmem:v24+s3+$0x0], $0xffff;
	_ =	sdelay $0x1  }
0xe0: {  	v25 =	vadd.s32 v17, v59;
	_ =	sdelay $0x1  }
0xe1: {  	v60 =	vld [tilespmem:$0x8A0]  }
0xe2: {  	v24 =	vadd.s32 $0x1000, v24  }
0xe3: {  	[tilespmem:$0x800] =	vst v24  }
0xe4: {  	v24 =	vld.idx.msk [tilespmem:v25+s3+$0x0], $0xffff;
	_ =	sdelay $0x1  }
0xe5: {  	v61 =	vadd.s32 v18, v60;
	_ =	sdelay $0x1  }
0xe6: {  	v62 =	vld [tilespmem:$0x8B0]  }
0xe7: {  	v24 =	vadd.s32 $0x1000, v24  }
0xe8: {  	[tilespmem:$0x810] =	vst v24  }
0xe9: {  	v24 =	vld.idx.msk [tilespmem:v61+s3+$0x0], $0xffff;
	_ =	sdelay $0x1  }
0xea: {  	v63 =	vadd.s32 v19, v62;
	_ =	sdelay $0x1  }
0xeb: {  	v28 =	vld [tilespmem:$0x8C0]  }
0xec: {  	v24 =	vadd.s32 $0x1000, v24  }
0xed: {  	[tilespmem:$0x820] =	vst v24  }
0xee: {  	v24 =	vld.idx.msk [tilespmem:v63+s3+$0x0], $0xffff;
	_ =	sdelay $0x1  }
0xef: {  	v29 =	vadd.s32 v20, v28;
	_ =	sdelay $0x1  }
0xf0: {  	v30 =	vld [tilespmem:$0x8D0]  }
0xf1: {  	v24 =	vadd.s32 $0x1000, v24  }
0xf2: {  	[tilespmem:$0x830] =	vst v24  }
0xf3: {  	v24 =	vld.idx.msk [tilespmem:v29+s3+$0x0], $0xffff;
	_ =	sdelay $0x1  }
0xf4: {  	v31 =	vadd.s32 v21, v30;
	_ =	sdelay $0x1  }
0xf5: {  	v32 =	vld [tilespmem:$0x8E0]  }
0xf6: {  	v24 =	vadd.s32 $0x1000, v24  }
0xf7: {  	[tilespmem:$0x840] =	vst v24  }
0xf8: {  	v24 =	vld.idx.msk [tilespmem:v31+s3+$0x0], $0xffff;
	_ =	sdelay $0x1  }
0xf9: {  	v33 =	vadd.s32 v22, v32;
	_ =	sdelay $0x1  }
0xfa: {  	v34 =	vld [tilespmem:$0x8F0]  }
0xfb: {  	v24 =	vadd.s32 $0x1000, v24  }
0xfc: {  	[tilespmem:$0x850] =	vst v24  }
0xfd: {  	v24 =	vld.idx.msk [tilespmem:v33+s3+$0x0], $0xffff;
	_ =	sdelay $0x1  }
0xfe: {  	v35 =	vadd.s32 v23, v34;
	_ =	sdelay $0x2  }
0xff: {  	v24 =	vadd.s32 $0x1000, v24  }
0x100: {  	[tilespmem:$0x860] =	vst v24  }
0x101: {  	v24 =	vld.idx.msk [tilespmem:v35+s3+$0x0], $0xffff;
	_ =	sdelay $0x4  }
0x102: {  	v24 =	vadd.s32 $0x1000, v24  }
0x103: {  	[tilespmem:$0x870] =	vst v24  }
0x104: {  	[tilespmem:s29], [sflag:$0x1] =	stream.indirect.gather [hbm4b:s2+s26], $0x80, s28, s26, $0xb8;
	[tilespmem:$0x4A00] =	vst v63  }
0x105: {  	_ = 	snop  }
0x106: {  	[tilespmem:s3], [sflag:$0x2] =	stream.indirect.gather [hbm4b:s4+s26], $0x10, s28, s26, $0xb8;
	[tilespmem:$0x4A00] =	vst v63  }
0x107: {  	_ =	swait.ge [sflag:s31], $0x4000  }
0x108: {  	[sflag:s31] =	ssyncset.done $0x0  }
0x109: {  	[sflag:s31] =	ssyncadd.s32 $0xFFFFC000  }
0x10a: {  	[hbm4b:s18+s3] =	stream.linear.scatter [tilespmem:s29], [sflag:$0x3], $0x4000, $0x38;
	[tilespmem:$0x4A00] =	vst v63  }
0x10b: {  	_ =	swait.ge [sflag:s23], $0x4000  }
0x10c: {  	[sflag:s23] =	ssyncset.done $0x0  }
0x10d: {  	[sflag:s23] =	ssyncadd.s32 $0xFFFFC000  }
0x10e: {  	_ =	swait.ge [sflag:s30], $0x800  }
0x10f: {  	[sflag:s30] =	ssyncset.done $0x0  }
0x110: {  	[sflag:s30] =	ssyncadd.s32 $0xFFFFF800  }
0x111: {  	v36 =	vld [tilespmem:$0x900];
	_ =	sdelay $0x4  }
0x112: {  	v24 =	vadd.s32 v11, v36;
	_ =	sdelay $0x1  }
0x113: {  	v37 =	vld [tilespmem:$0x910];
	_ =	sdelay $0x2  }
0x114: {  	v24 =	vld.idx.msk [tilespmem:v24+s3+$0x0], $0xffff;
	_ =	sdelay $0x1  }
0x115: {  	v25 =	vadd.s32 v17, v37;
	_ =	sdelay $0x1  }
0x116: {  	v38 =	vld [tilespmem:$0x920]  }
0x117: {  	v24 =	vadd.s32 $0x1000, v24  }
0x118: {  	[tilespmem:$0x800] =	vst v24  }
0x119: {  	v24 =	vld.idx.msk [tilespmem:v25+s3+$0x0], $0xffff;
	_ =	sdelay $0x1  }
0x11a: {  	v39 =	vadd.s32 v18, v38;
	_ =	sdelay $0x1  }
0x11b: {  	v40 =	vld [tilespmem:$0x930]  }
0x11c: {  	v24 =	vadd.s32 $0x1000, v24  }
0x11d: {  	[tilespmem:$0x810] =	vst v24  }
0x11e: {  	v24 =	vld.idx.msk [tilespmem:v39+s3+$0x0], $0xffff;
	_ =	sdelay $0x1  }
0x11f: {  	v41 =	vadd.s32 v19, v40;
	_ =	sdelay $0x1  }
0x120: {  	v42 =	vld [tilespmem:$0x940]  }
0x121: {  	v24 =	vadd.s32 $0x1000, v24  }
0x122: {  	[tilespmem:$0x820] =	vst v24  }
0x123: {  	v24 =	vld.idx.msk [tilespmem:v41+s3+$0x0], $0xffff;
	_ =	sdelay $0x1  }
0x124: {  	v43 =	vadd.s32 v20, v42;
	_ =	sdelay $0x1  }
0x125: {  	v44 =	vld [tilespmem:$0x950]  }
0x126: {  	v24 =	vadd.s32 $0x1000, v24  }
0x127: {  	[tilespmem:$0x830] =	vst v24  }
0x128: {  	v24 =	vld.idx.msk [tilespmem:v43+s3+$0x0], $0xffff;
	_ =	sdelay $0x1  }
0x129: {  	v45 =	vadd.s32 v21, v44;
	_ =	sdelay $0x1  }
0x12a: {  	v46 =	vld [tilespmem:$0x960]  }
0x12b: {  	v24 =	vadd.s32 $0x1000, v24  }
0x12c: {  	[tilespmem:$0x840] =	vst v24  }
0x12d: {  	v24 =	vld.idx.msk [tilespmem:v45+s3+$0x0], $0xffff;
	_ =	sdelay $0x1  }
0x12e: {  	v47 =	vadd.s32 v22, v46;
	_ =	sdelay $0x1  }
0x12f: {  	v48 =	vld [tilespmem:$0x970]  }
0x130: {  	v24 =	vadd.s32 $0x1000, v24  }
0x131: {  	[tilespmem:$0x850] =	vst v24  }
0x132: {  	v24 =	vld.idx.msk [tilespmem:v47+s3+$0x0], $0xffff;
	_ =	sdelay $0x1  }
0x133: {  	v49 =	vadd.s32 v23, v48;
	_ =	sdelay $0x2  }
0x134: {  	v24 =	vadd.s32 $0x1000, v24  }
0x135: {  	[tilespmem:$0x860] =	vst v24  }
0x136: {  	v24 =	vld.idx.msk [tilespmem:v49+s3+$0x0], $0xffff;
	_ =	sdelay $0x4  }
0x137: {  	v24 =	vadd.s32 $0x1000, v24  }
0x138: {  	[tilespmem:$0x870] =	vst v24  }
0x139: {  	[tilespmem:s29], [sflag:$0x1] =	stream.indirect.gather [hbm4b:s2+s26], $0x80, s28, s26, $0xb8;
	[tilespmem:$0x4A00] =	vst v63  }
0x13a: {  	_ = 	snop  }
0x13b: {  	[tilespmem:s3], [sflag:$0x2] =	stream.indirect.gather [hbm4b:s4+s26], $0x10, s28, s26, $0xb8;
	[tilespmem:$0x4A00] =	vst v63  }
0x13c: {  	_ =	swait.ge [sflag:s31], $0x4000  }
0x13d: {  	[sflag:s31] =	ssyncset.done $0x0  }
0x13e: {  	[sflag:s31] =	ssyncadd.s32 $0xFFFFC000  }
0x13f: {  	[hbm4b:s19+s3] =	stream.linear.scatter [tilespmem:s29], [sflag:$0x3], $0x4000, $0x38;
	[tilespmem:$0x4A00] =	vst v63  }
0x140: {  	_ =	swait.ge [sflag:s23], $0x4000  }
0x141: {  	[sflag:s23] =	ssyncset.done $0x0  }
0x142: {  	[sflag:s23] =	ssyncadd.s32 $0xFFFFC000  }
0x143: {  	_ =	swait.ge [sflag:s30], $0x800  }
0x144: {  	[sflag:s30] =	ssyncset.done $0x0  }
0x145: {  	[sflag:s30] =	ssyncadd.s32 $0xFFFFF800  }
0x146: {  	v50 =	vld [tilespmem:$0x980];
	_ =	sdelay $0x4  }
0x147: {  	v24 =	vadd.s32 v11, v50;
	_ =	sdelay $0x1  }
0x148: {  	v51 =	vld [tilespmem:$0x990];
	_ =	sdelay $0x2  }
0x149: {  	v24 =	vld.idx.msk [tilespmem:v24+s3+$0x0], $0xffff;
	_ =	sdelay $0x1  }
0x14a: {  	v25 =	vadd.s32 v17, v51;
	_ =	sdelay $0x1  }
0x14b: {  	v52 =	vld [tilespmem:$0x9A0]  }
0x14c: {  	v24 =	vadd.s32 $0x1000, v24  }
0x14d: {  	[tilespmem:$0x800] =	vst v24  }
0x14e: {  	v24 =	vld.idx.msk [tilespmem:v25+s3+$0x0], $0xffff;
	_ =	sdelay $0x1  }
0x14f: {  	v53 =	vadd.s32 v18, v52;
	_ =	sdelay $0x1  }
0x150: {  	v54 =	vld [tilespmem:$0x9B0]  }
0x151: {  	v24 =	vadd.s32 $0x1000, v24  }
0x152: {  	[tilespmem:$0x810] =	vst v24  }
0x153: {  	v24 =	vld.idx.msk [tilespmem:v53+s3+$0x0], $0xffff;
	_ =	sdelay $0x1  }
0x154: {  	v55 =	vadd.s32 v19, v54;
	_ =	sdelay $0x1  }
0x155: {  	v56 =	vld [tilespmem:$0x9C0]  }
0x156: {  	v24 =	vadd.s32 $0x1000, v24  }
0x157: {  	[tilespmem:$0x820] =	vst v24  }
0x158: {  	v24 =	vld.idx.msk [tilespmem:v55+s3+$0x0], $0xffff;
	_ =	sdelay $0x1  }
0x159: {  	v57 =	vadd.s32 v20, v56;
	_ =	sdelay $0x1  }
0x15a: {  	v58 =	vld [tilespmem:$0x9D0]  }
0x15b: {  	v24 =	vadd.s32 $0x1000, v24  }
0x15c: {  	[tilespmem:$0x830] =	vst v24  }
0x15d: {  	v24 =	vld.idx.msk [tilespmem:v57+s3+$0x0], $0xffff;
	_ =	sdelay $0x1  }
0x15e: {  	v59 =	vadd.s32 v21, v58;
	_ =	sdelay $0x1  }
0x15f: {  	v60 =	vld [tilespmem:$0x9E0]  }
0x160: {  	v24 =	vadd.s32 $0x1000, v24  }
0x161: {  	[tilespmem:$0x840] =	vst v24  }
0x162: {  	v24 =	vld.idx.msk [tilespmem:v59+s3+$0x0], $0xffff;
	_ =	sdelay $0x1  }
0x163: {  	v61 =	vadd.s32 v22, v60;
	_ =	sdelay $0x1  }
0x164: {  	v62 =	vld [tilespmem:$0x9F0]  }
0x165: {  	v24 =	vadd.s32 $0x1000, v24  }
0x166: {  	[tilespmem:$0x850] =	vst v24  }
0x167: {  	v24 =	vld.idx.msk [tilespmem:v61+s3+$0x0], $0xffff;
	_ =	sdelay $0x1  }
0x168: {  	v63 =	vadd.s32 v23, v62;
	_ =	sdelay $0x2  }
0x169: {  	v24 =	vadd.s32 $0x1000, v24  }
0x16a: {  	[tilespmem:$0x860] =	vst v24  }
0x16b: {  	v24 =	vld.idx.msk [tilespmem:v63+s3+$0x0], $0xffff;
	_ =	sdelay $0x4  }
0x16c: {  	v24 =	vadd.s32 $0x1000, v24  }
0x16d: {  	[tilespmem:$0x870] =	vst v24  }
0x16e: {  	[tilespmem:s29], [sflag:$0x1] =	stream.indirect.gather [hbm4b:s2+s26], $0x80, s28, s26, $0xb8;
	[tilespmem:$0x4A00] =	vst v63  }
0x16f: {  	_ =	swait.ge [sflag:s31], $0x4000  }
0x170: {  	p0 =	sne.s32 s21, $0x1;
	[sflag:s31] =	ssyncset.done $0x0  }
.Ltmp0:
0x171: {  	[sflag:s31] =	ssyncadd.s32 $0xFFFFC000;
	(pc) =	sbr.rel @p0 .LBB2_1-.Ltmp0, $4  }
0x172: {  	[hbm4b:s20+s3] =	stream.linear.scatter [tilespmem:s29], [sflag:$0x3], $0x4000, $0x38;
	[tilespmem:$0x4A00] =	vst v63  }
0x173: {  	_ =	swait.ge [sflag:s23], $0x4000  }
0x174: {  	[sflag:s23] =	ssyncset.done $0x0  }
0x175: {  	s21 =	sadd.s32 $0xFFFFFFFF, s21;
	[sflag:s23] =	ssyncadd.s32 $0xFFFFC000  }
0x176: {  	_ =	sfence.sel $0x180000  }
0x177: {  	[bflag:$0x0] =	sbarrier.arrive $0xFFFF  }
0x178: {  	p0 =	sne.s32 s1, $0x0;
	_ =	strace $0x90000047  }
0x179: {  	s0 =	sadd.s32 @!p0 $0x100000, s0;
	[bflag:$0x2] =	sbarrier.arrive $0xFFFF  }
0x17a: {  	[sflag:s0] =	ssyncadd.tile.s32 @!p0 $0x1;
	_ =	shalt  }
.Lfunc_end2:
_tile_overlayer_lowered:
.L_overlay_start_2:
0x17b: {  	(tag) =	ssettag $0x2  }
0x17c: {  	s0 =	rddreg [dreg:$0x0];
	s2 =	stileid.u32  }
0x17d: {  	s1 =	rddreg [dreg:$0x1];
	p0 =	sne.s32 s2, $0x0  }
0x17e: {  	s3 =	rddreg [dreg:$0x2];
	[bflag:$0x3] =	sbarrier.arrive $0xFFFF;
	s2 =	simm.s32 @!p0 $0x1C03  }
0x17f: {  	[timem:s3], [sflag:s2] =	dma.local @!p0 [hbm:s0], s1  }
0x180: {  	s0 =	simm.s32 @!p0 $0x3  }
0x181: {  	_ =	swait.ge @!p0 [sflag:s0], s1  }
0x182: {  	s1 =	ssub.s32 @!p0 $0x0, s1;
	[sflag:s0] =	ssyncset.done @!p0 $0x0  }
0x183: {  	[sflag:s0] =	ssyncadd.s32 @!p0 s1  }
0x184: {  	[bflag:$0x3] =	sbarrier.arrive $0xFFFF  }
0x185: {  	_ =	shalt  }

</sc_bundles>
